<compile_context>
chip_gen: v7x
topology: tpu7x:2x2x1
jax: 0.10.2.dev20260603
libtpu: 0.0.44.dev20260713+nightly
codegen_flags: <defaults>
</compile_context>

<pallas_src>
import functools

import jax
import jax.numpy as jnp
from jax import lax
from jax.experimental import pallas as pl
from jax.experimental.pallas import tpu as pltpu
from jax.experimental.pallas import tpu_sc as plsc

B = 16384
D = 32
NC = 2
NS = 16
NW = NC * NS
BPW = B // NW
UNIT = 4
LANES = 128
VOCAB = 1000000
MAXBLK = ((VOCAB + LANES - 1) // LANES - 1) * LANES


def _pmf_body(uidx_hbm, iidx_hbm, uemb_hbm, iemb_hbm, out_hbm,
              uidx_v, iidx_v, ub0, ib0, ub1, ib1, out_v, sem_a, sem_b):
    c = lax.axis_index("c")
    s = lax.axis_index("s")
    wid = s * NC + c
    base = wid * BPW

    pltpu.sync_copy(uidx_hbm.at[pl.ds(base, BPW)], uidx_v.at[pl.ds(0, BPW)])
    pltpu.sync_copy(iidx_hbm.at[pl.ds(base, BPW)], iidx_v.at[pl.ds(0, BPW)])

    lane = lax.iota(jnp.int32, 16)

    def merge(a, b, k):
        perm = lane ^ k
        mask = (lane & k) == 0
        a_s = a.at[perm].get(mode="promise_in_bounds")
        b_s = b.at[perm].get(mode="promise_in_bounds")
        return jnp.where(mask, a, b_s) + jnp.where(mask, a_s, b)

    def issue(n, ubuf, ibuf, sem):
        off = n * UNIT
        uv = uidx_v[pl.ds(off, 16)]
        iv = iidx_v[pl.ds(off, 16)]
        ublk = jnp.clip((uv >> 7) << 7, 0, MAXBLK)
        iblk = jnp.clip((iv >> 7) << 7, 0, MAXBLK)
        for m in range(UNIT):
            su = pl.multiple_of(ublk[m], LANES)
            si = pl.multiple_of(iblk[m], LANES)
            pltpu.async_copy(uemb_hbm.at[:, pl.ds(su, LANES)],
                             ubuf.at[:, pl.ds(m * LANES, LANES)], sem)
            pltpu.async_copy(iemb_hbm.at[:, pl.ds(si, LANES)],
                             ibuf.at[:, pl.ds(m * LANES, LANES)], sem)

    def wait_unit(ubuf, ibuf, sem):
        pltpu.make_async_copy(uemb_hbm.at[:, pl.ds(0, UNIT * LANES)],
                              ubuf, sem).wait()
        pltpu.make_async_copy(iemb_hbm.at[:, pl.ds(0, UNIT * LANES)],
                              ibuf, sem).wait()

    def process(n, ubuf, ibuf):
        off = n * UNIT
        uv = uidx_v[pl.ds(off, 16)]
        iv = iidx_v[pl.ds(off, 16)]
        ulo = uv & (LANES - 1)
        ilo = iv & (LANES - 1)
        ps = []
        for m in range(UNIT):
            ulm = jnp.full((16,), ulo[m] + m * LANES, jnp.int32)
            ilm = jnp.full((16,), ilo[m] + m * LANES, jnp.int32)
            u0 = plsc.load_gather(ubuf, [lane, ulm])
            u1 = plsc.load_gather(ubuf, [lane + 16, ulm])
            i0 = plsc.load_gather(ibuf, [lane, ilm])
            i1 = plsc.load_gather(ibuf, [lane + 16, ilm])
            ps.append(u0 * i0 + u1 * i1)
        return ps

    issue(0, ub0, ib0, sem_a)

    def body(g, carry):
        n0 = g * 4
        vs = []
        for k in range(4):
            n = n0 + k
            nxt = n + 1
            if k % 2 == 0:
                issue(nxt, ub1, ib1, sem_b)
                wait_unit(ub0, ib0, sem_a)
                vs.extend(process(n, ub0, ib0))
            else:
                issue(nxt, ub0, ib0, sem_a)
                wait_unit(ub1, ib1, sem_b)
                vs.extend(process(n, ub1, ib1))
        for k in (1, 2, 4, 8):
            vs = [merge(vs[2 * j], vs[2 * j + 1], k)
                  for j in range(len(vs) // 2)]
        out_v[pl.ds(n0 * UNIT, 16)] = vs[0]
        return carry

    lax.fori_loop(0, BPW // (4 * UNIT), body, 0)

    wait_unit(ub0, ib0, sem_a)

    pltpu.sync_copy(out_v, out_hbm.at[pl.ds(base, BPW)])


@jax.jit
def _pmf(users_index, items_index, user_emb_t, item_emb_t):
    mesh = plsc.VectorSubcoreMesh(core_axis_name="c", subcore_axis_name="s")
    f = functools.partial(
        pl.kernel,
        mesh=mesh,
        out_type=jax.ShapeDtypeStruct((B,), jnp.float32),
        compiler_params=pltpu.CompilerParams(needs_layout_passes=False),
        scratch_types=[
            pltpu.VMEM((BPW + 16,), jnp.int32),
            pltpu.VMEM((BPW + 16,), jnp.int32),
            pltpu.VMEM((D, UNIT * LANES), jnp.float32),
            pltpu.VMEM((D, UNIT * LANES), jnp.float32),
            pltpu.VMEM((D, UNIT * LANES), jnp.float32),
            pltpu.VMEM((D, UNIT * LANES), jnp.float32),
            pltpu.VMEM((BPW,), jnp.float32),
            pltpu.SemaphoreType.DMA,
            pltpu.SemaphoreType.DMA,
        ],
    )(_pmf_body)
    return f(users_index, items_index, user_emb_t, item_emb_t)


def kernel(users_index, items_index, user_emb, item_emb):
    return _pmf(users_index, items_index, user_emb.T, item_emb.T)

# --- scband reference (transcript-rebuilt; emitter-appended) ---
"""Pipeline reference for scband-pmf-10900626997540 (READ-ONLY COPY).

The authoritative reference and input builder live on the scoring server;
editing this copy changes nothing except your own understanding.
"""

import jax, jax.numpy as jnp
import numpy as np

N_USERS = 1000000
N_ITEMS = 1000000
N_FACTORS = 32
BATCH = 16384


def setup_inputs(seed: int = 0) -> dict:
    key = jax.random.key(seed)
    k1, k2, k3, k4 = jax.random.split(key, 4)
    users_index = jax.random.randint(k1, (BATCH,), 0, N_USERS, dtype=jnp.int64) if jax.config.jax_enable_x64 else jax.random.randint(k1, (BATCH,), 0, N_USERS, dtype=jnp.int32)
    items_index = jax.random.randint(k2, (BATCH,), 0, N_ITEMS, dtype=jnp.int32)
    users_index = users_index.astype(jnp.int32)
    # 0.1 * rand(n, f) init as in the torch module
    user_emb = 0.1 * jax.random.uniform(k3, (N_USERS, N_FACTORS), dtype=jnp.float32)
    item_emb = 0.1 * jax.random.uniform(k4, (N_ITEMS, N_FACTORS), dtype=jnp.float32)
    return {
        "users_index": users_index,
        "items_index": items_index,
        "user_emb": user_emb,
        "item_emb": item_emb,
    }


def reference(users_index, items_index, user_emb, item_emb):
    # embedding lookups (gather)
    user_h1 = jnp.take(user_emb, users_index, axis=0)
    item_h1 = jnp.take(item_emb, items_index, axis=0)
    # elementwise product + reduce over factor dim
    R_h = (user_h1 * item_h1).sum(axis=1)
    return R_h

if __name__ == "__main__":
    import jax
    _d = setup_inputs()
    print(jax.jit(kernel)(*tuple(_d.values())))

</pallas_src>

<mosaic_0001>
#map = affine_map<(d0, d1) -> (0)>
#map1 = affine_map<(d0, d1) -> (0, 0)>
module attributes {stable_mosaic.version = 14 : i64} {
  func.func @_pmf_body(%arg0: i32, %arg1: i32, %arg2: memref<16384xi32, #tpu.memory_space<hbm>>, %arg3: memref<16384xi32, #tpu.memory_space<hbm>>, %arg4: memref<32x1000000xf32, #tpu.memory_space<hbm>>, %arg5: memref<32x1000000xf32, #tpu.memory_space<hbm>>, %arg6: memref<16384xf32, #tpu.memory_space<hbm>>, %arg7: memref<528xi32, #tpu.memory_space<vmem>>, %arg8: memref<528xi32, #tpu.memory_space<vmem>>, %arg9: memref<32x512xf32, #tpu.memory_space<vmem>>, %arg10: memref<32x512xf32, #tpu.memory_space<vmem>>, %arg11: memref<32x512xf32, #tpu.memory_space<vmem>>, %arg12: memref<32x512xf32, #tpu.memory_space<vmem>>, %arg13: memref<512xf32, #tpu.memory_space<vmem>>, %arg14: memref<!tpu.dma_semaphore, #tpu.memory_space<semaphore_mem>>, %arg15: memref<!tpu.dma_semaphore, #tpu.memory_space<semaphore_mem>>) attributes {dimension_semantics = [#tpu.dimension_semantics<core_parallel>, #tpu.dimension_semantics<subcore_parallel>], iteration_bounds = array<i64: 2, 16>, scalar_prefetch = 0 : i64, scratch_operands = 9 : i64, tpu.core_type = #tpu.core_type<sc_vector_subcore>, window_params = [{transform_indices = #map}, {transform_indices = #map}, {transform_indices = #map1}, {transform_indices = #map1}, {transform_indices = #map}]} {
    %mul3A = arith.constant 2 : i32
    %mul3A_0 = arith.muli %arg1, %mul3A : i32
    %add3A = arith.addi %mul3A_0, %arg0 : i32
    %mul3A_1 = arith.constant 512 : i32
    %mul3A_2 = arith.muli %add3A, %mul3A_1 : i32
    "tpu.region"() ({
      %run_scoped3A = tpu.sem_alloc : memref<!tpu.dma_semaphore, #tpu.memory_space<semaphore_mem>>
      %dma_start3A_141 = arith.constant 0 : i32
      %dma_start3A_142 = tpu.memref_slice %arg7[%dma_start3A_141] : memref<528xi32, #tpu.memory_space<vmem>> -> memref<512xi32, #tpu.memory_space<vmem>>
      %dma_start3A_143 = tpu.memref_slice %arg2[%mul3A_2] : memref<16384xi32, #tpu.memory_space<hbm>> -> memref<512xi32, #tpu.memory_space<hbm>>
      %dma_start3A_144 = arith.constant 0 : i32
      %dma_start3A_145 = tpu.memref_slice %arg7[%dma_start3A_144] : memref<528xi32, #tpu.memory_space<vmem>> -> memref<512xi32, #tpu.memory_space<vmem>>
      %dma_start3A_146 = tpu.memref_slice %arg2[%mul3A_2] : memref<16384xi32, #tpu.memory_space<hbm>> -> memref<512xi32, #tpu.memory_space<hbm>>
      tpu.enqueue_dma source(%dma_start3A_146 : memref<512xi32, #tpu.memory_space<hbm>>) target(%dma_start3A_145 : memref<512xi32, #tpu.memory_space<vmem>>) target_semaphore(%run_scoped3A : memref<!tpu.dma_semaphore, #tpu.memory_space<semaphore_mem>>)
      %dma_wait3A_147 = arith.constant 0 : i32
      %dma_wait3A_148 = tpu.memref_slice %arg7[%dma_wait3A_147] : memref<528xi32, #tpu.memory_space<vmem>> -> memref<512xi32, #tpu.memory_space<vmem>>
      %dma_wait3A_149 = tpu.memref_slice %arg2[%mul3A_2] : memref<16384xi32, #tpu.memory_space<hbm>> -> memref<512xi32, #tpu.memory_space<hbm>>
      %dma_wait3A_150 = arith.constant 0 : i32
      %dma_wait3A_151 = tpu.memref_slice %arg7[%dma_wait3A_150] : memref<528xi32, #tpu.memory_space<vmem>> -> memref<512xi32, #tpu.memory_space<vmem>>
      %dma_wait3A_152 = tpu.memref_slice %arg2[%mul3A_2] : memref<16384xi32, #tpu.memory_space<hbm>> -> memref<512xi32, #tpu.memory_space<hbm>>
      tpu.wait_dma2 semaphore(%run_scoped3A : memref<!tpu.dma_semaphore, #tpu.memory_space<semaphore_mem>>) src(%dma_wait3A_152 : memref<512xi32, #tpu.memory_space<hbm>>) dst(%dma_wait3A_151 : memref<512xi32, #tpu.memory_space<vmem>>)
      tpu.yield
    }) : () -> ()
    "tpu.region"() ({
      %run_scoped3A = tpu.sem_alloc : memref<!tpu.dma_semaphore, #tpu.memory_space<semaphore_mem>>
      %dma_start3A_141 = arith.constant 0 : i32
      %dma_start3A_142 = tpu.memref_slice %arg8[%dma_start3A_141] : memref<528xi32, #tpu.memory_space<vmem>> -> memref<512xi32, #tpu.memory_space<vmem>>
      %dma_start3A_143 = tpu.memref_slice %arg3[%mul3A_2] : memref<16384xi32, #tpu.memory_space<hbm>> -> memref<512xi32, #tpu.memory_space<hbm>>
      %dma_start3A_144 = arith.constant 0 : i32
      %dma_start3A_145 = tpu.memref_slice %arg8[%dma_start3A_144] : memref<528xi32, #tpu.memory_space<vmem>> -> memref<512xi32, #tpu.memory_space<vmem>>
      %dma_start3A_146 = tpu.memref_slice %arg3[%mul3A_2] : memref<16384xi32, #tpu.memory_space<hbm>> -> memref<512xi32, #tpu.memory_space<hbm>>
      tpu.enqueue_dma source(%dma_start3A_146 : memref<512xi32, #tpu.memory_space<hbm>>) target(%dma_start3A_145 : memref<512xi32, #tpu.memory_space<vmem>>) target_semaphore(%run_scoped3A : memref<!tpu.dma_semaphore, #tpu.memory_space<semaphore_mem>>)
      %dma_wait3A_147 = arith.constant 0 : i32
      %dma_wait3A_148 = tpu.memref_slice %arg8[%dma_wait3A_147] : memref<528xi32, #tpu.memory_space<vmem>> -> memref<512xi32, #tpu.memory_space<vmem>>
      %dma_wait3A_149 = tpu.memref_slice %arg3[%mul3A_2] : memref<16384xi32, #tpu.memory_space<hbm>> -> memref<512xi32, #tpu.memory_space<hbm>>
      %dma_wait3A_150 = arith.constant 0 : i32
      %dma_wait3A_151 = tpu.memref_slice %arg8[%dma_wait3A_150] : memref<528xi32, #tpu.memory_space<vmem>> -> memref<512xi32, #tpu.memory_space<vmem>>
      %dma_wait3A_152 = tpu.memref_slice %arg3[%mul3A_2] : memref<16384xi32, #tpu.memory_space<hbm>> -> memref<512xi32, #tpu.memory_space<hbm>>
      tpu.wait_dma2 semaphore(%run_scoped3A : memref<!tpu.dma_semaphore, #tpu.memory_space<semaphore_mem>>) src(%dma_wait3A_152 : memref<512xi32, #tpu.memory_space<hbm>>) dst(%dma_wait3A_151 : memref<512xi32, #tpu.memory_space<vmem>>)
      tpu.yield
    }) : () -> ()
    %iota3A = tpu.iota {dimensions = array<i32: 0>} : vector<16xi32>
    %get3A = arith.constant 0 : index
    %get3A_3 = tpu.vector_load %arg7[%get3A] {strides = array<i32>} : memref<528xi32, #tpu.memory_space<vmem>>, vector<16xi32>,
    %get3A_4 = arith.constant 0 : index
    %get3A_5 = tpu.vector_load %arg8[%get3A_4] {strides = array<i32>} : memref<528xi32, #tpu.memory_space<vmem>>, vector<16xi32>,
    %shift_right_arithmetic3A = arith.constant 7 : i32
    %shift_right_arithmetic3A_6 = vector.broadcast %shift_right_arithmetic3A : i32 to vector<16xi32>
    %shift_right_arithmetic3A_7 = arith.shrsi %get3A_3, %shift_right_arithmetic3A_6 : vector<16xi32>
    %shift_left3A = arith.constant 7 : i32
    %shift_left3A_8 = vector.broadcast %shift_left3A : i32 to vector<16xi32>
    %shift_left3A_9 = arith.shli %shift_right_arithmetic3A_7, %shift_left3A_8 : vector<16xi32>
    %jit3A = arith.constant 0 : i32
    %jit3A_10 = arith.constant 999936 : i32
    %max3A = vector.broadcast %jit3A : i32 to vector<16xi32>
    %max3A_11 = arith.maxsi %max3A, %shift_left3A_9 : vector<16xi32>
    %min3A = vector.broadcast %jit3A_10 : i32 to vector<16xi32>
    %min3A_12 = arith.minsi %min3A, %max3A_11 : vector<16xi32>
    %shift_right_arithmetic3A_13 = arith.constant 7 : i32
    %shift_right_arithmetic3A_14 = vector.broadcast %shift_right_arithmetic3A_13 : i32 to vector<16xi32>
    %shift_right_arithmetic3A_15 = arith.shrsi %get3A_5, %shift_right_arithmetic3A_14 : vector<16xi32>
    %shift_left3A_16 = arith.constant 7 : i32
    %shift_left3A_17 = vector.broadcast %shift_left3A_16 : i32 to vector<16xi32>
    %shift_left3A_18 = arith.shli %shift_right_arithmetic3A_15, %shift_left3A_17 : vector<16xi32>
    %jit3A_19 = arith.constant 0 : i32
    %jit3A_20 = arith.constant 999936 : i32
    %max3A_21 = vector.broadcast %jit3A_19 : i32 to vector<16xi32>
    %max3A_22 = arith.maxsi %max3A_21, %shift_left3A_18 : vector<16xi32>
    %min3A_23 = vector.broadcast %jit3A_20 : i32 to vector<16xi32>
    %min3A_24 = arith.minsi %min3A_23, %max3A_22 : vector<16xi32>
    %slice3A = vector.extract_strided_slice %min3A_12 {offsets = [0], sizes = [1], strides = [1]} : vector<16xi32> to vector<1xi32>
    %squeeze3A = vector.extract %slice3A[0] : i32 from vector<1xi32>
    %multiple_of3A = tpu.assume_multiple %squeeze3A, 128 : i32
    %slice3A_25 = vector.extract_strided_slice %min3A_24 {offsets = [0], sizes = [1], strides = [1]} : vector<16xi32> to vector<1xi32>
    %squeeze3A_26 = vector.extract %slice3A_25[0] : i32 from vector<1xi32>
    %multiple_of3A_27 = tpu.assume_multiple %squeeze3A_26, 128 : i32
    %dma_start3A = arith.constant 0 : i32
    %dma_start3A_28 = arith.constant 0 : i32
    %dma_start3A_29 = tpu.memref_slice %arg9[%dma_start3A, %dma_start3A_28] : memref<32x512xf32, #tpu.memory_space<vmem>> -> memref<32x128xf32, #tpu.memory_space<vmem>>
    %dma_start3A_30 = arith.constant 0 : i32
    %dma_start3A_31 = tpu.memref_slice %arg4[%dma_start3A_30, %multiple_of3A] : memref<32x1000000xf32, #tpu.memory_space<hbm>> -> memref<32x128xf32, #tpu.memory_space<hbm>>
    %dma_start3A_32 = arith.constant 0 : i32
    %dma_start3A_33 = arith.constant 0 : i32
    %dma_start3A_34 = tpu.memref_slice %arg9[%dma_start3A_32, %dma_start3A_33] : memref<32x512xf32, #tpu.memory_space<vmem>> -> memref<32x128xf32, #tpu.memory_space<vmem>>
    %dma_start3A_35 = arith.constant 0 : i32
    %dma_start3A_36 = tpu.memref_slice %arg4[%dma_start3A_35, %multiple_of3A] : memref<32x1000000xf32, #tpu.memory_space<hbm>> -> memref<32x128xf32, #tpu.memory_space<hbm>>
    tpu.enqueue_dma source(%dma_start3A_36 : memref<32x128xf32, #tpu.memory_space<hbm>>) target(%dma_start3A_34 : memref<32x128xf32, #tpu.memory_space<vmem>>) target_semaphore(%arg14 : memref<!tpu.dma_semaphore, #tpu.memory_space<semaphore_mem>>)
    %dma_start3A_37 = arith.constant 0 : i32
    %dma_start3A_38 = arith.constant 0 : i32
    %dma_start3A_39 = tpu.memref_slice %arg10[%dma_start3A_37, %dma_start3A_38] : memref<32x512xf32, #tpu.memory_space<vmem>> -> memref<32x128xf32, #tpu.memory_space<vmem>>
    %dma_start3A_40 = arith.constant 0 : i32
    %dma_start3A_41 = tpu.memref_slice %arg5[%dma_start3A_40, %multiple_of3A_27] : memref<32x1000000xf32, #tpu.memory_space<hbm>> -> memref<32x128xf32, #tpu.memory_space<hbm>>
    %dma_start3A_42 = arith.constant 0 : i32
    %dma_start3A_43 = arith.constant 0 : i32
    %dma_start3A_44 = tpu.memref_slice %arg10[%dma_start3A_42, %dma_start3A_43] : memref<32x512xf32, #tpu.memory_space<vmem>> -> memref<32x128xf32, #tpu.memory_space<vmem>>
    %dma_start3A_45 = arith.constant 0 : i32
    %dma_start3A_46 = tpu.memref_slice %arg5[%dma_start3A_45, %multiple_of3A_27] : memref<32x1000000xf32, #tpu.memory_space<hbm>> -> memref<32x128xf32, #tpu.memory_space<hbm>>
    tpu.enqueue_dma source(%dma_start3A_46 : memref<32x128xf32, #tpu.memory_space<hbm>>) target(%dma_start3A_44 : memref<32x128xf32, #tpu.memory_space<vmem>>) target_semaphore(%arg14 : memref<!tpu.dma_semaphore, #tpu.memory_space<semaphore_mem>>)
    %slice3A_47 = vector.extract_strided_slice %min3A_12 {offsets = [1], sizes = [1], strides = [1]} : vector<16xi32> to vector<1xi32>
    %squeeze3A_48 = vector.extract %slice3A_47[0] : i32 from vector<1xi32>
    %multiple_of3A_49 = tpu.assume_multiple %squeeze3A_48, 128 : i32
    %slice3A_50 = vector.extract_strided_slice %min3A_24 {offsets = [1], sizes = [1], strides = [1]} : vector<16xi32> to vector<1xi32>
    %squeeze3A_51 = vector.extract %slice3A_50[0] : i32 from vector<1xi32>
    %multiple_of3A_52 = tpu.assume_multiple %squeeze3A_51, 128 : i32
    %dma_start3A_53 = arith.constant 0 : i32
    %dma_start3A_54 = arith.constant 128 : i32
    %dma_start3A_55 = tpu.memref_slice %arg9[%dma_start3A_53, %dma_start3A_54] : memref<32x512xf32, #tpu.memory_space<vmem>> -> memref<32x128xf32, #tpu.memory_space<vmem>>
    %dma_start3A_56 = arith.constant 0 : i32
    %dma_start3A_57 = tpu.memref_slice %arg4[%dma_start3A_56, %multiple_of3A_49] : memref<32x1000000xf32, #tpu.memory_space<hbm>> -> memref<32x128xf32, #tpu.memory_space<hbm>>
    %dma_start3A_58 = arith.constant 0 : i32
    %dma_start3A_59 = arith.constant 128 : i32
    %dma_start3A_60 = tpu.memref_slice %arg9[%dma_start3A_58, %dma_start3A_59] : memref<32x512xf32, #tpu.memory_space<vmem>> -> memref<32x128xf32, #tpu.memory_space<vmem>>
    %dma_start3A_61 = arith.constant 0 : i32
    %dma_start3A_62 = tpu.memref_slice %arg4[%dma_start3A_61, %multiple_of3A_49] : memref<32x1000000xf32, #tpu.memory_space<hbm>> -> memref<32x128xf32, #tpu.memory_space<hbm>>
    tpu.enqueue_dma source(%dma_start3A_62 : memref<32x128xf32, #tpu.memory_space<hbm>>) target(%dma_start3A_60 : memref<32x128xf32, #tpu.memory_space<vmem>>) target_semaphore(%arg14 : memref<!tpu.dma_semaphore, #tpu.memory_space<semaphore_mem>>)
    %dma_start3A_63 = arith.constant 0 : i32
    %dma_start3A_64 = arith.constant 128 : i32
    %dma_start3A_65 = tpu.memref_slice %arg10[%dma_start3A_63, %dma_start3A_64] : memref<32x512xf32, #tpu.memory_space<vmem>> -> memref<32x128xf32, #tpu.memory_space<vmem>>
    %dma_start3A_66 = arith.constant 0 : i32
    %dma_start3A_67 = tpu.memref_slice %arg5[%dma_start3A_66, %multiple_of3A_52] : memref<32x1000000xf32, #tpu.memory_space<hbm>> -> memref<32x128xf32, #tpu.memory_space<hbm>>
    %dma_start3A_68 = arith.constant 0 : i32
    %dma_start3A_69 = arith.constant 128 : i32
    %dma_start3A_70 = tpu.memref_slice %arg10[%dma_start3A_68, %dma_start3A_69] : memref<32x512xf32, #tpu.memory_space<vmem>> -> memref<32x128xf32, #tpu.memory_space<vmem>>
    %dma_start3A_71 = arith.constant 0 : i32
    %dma_start3A_72 = tpu.memref_slice %arg5[%dma_start3A_71, %multiple_of3A_52] : memref<32x1000000xf32, #tpu.memory_space<hbm>> -> memref<32x128xf32, #tpu.memory_space<hbm>>
    tpu.enqueue_dma source(%dma_start3A_72 : memref<32x128xf32, #tpu.memory_space<hbm>>) target(%dma_start3A_70 : memref<32x128xf32, #tpu.memory_space<vmem>>) target_semaphore(%arg14 : memref<!tpu.dma_semaphore, #tpu.memory_space<semaphore_mem>>)
    %slice3A_73 = vector.extract_strided_slice %min3A_12 {offsets = [2], sizes = [1], strides = [1]} : vector<16xi32> to vector<1xi32>
    %squeeze3A_74 = vector.extract %slice3A_73[0] : i32 from vector<1xi32>
    %multiple_of3A_75 = tpu.assume_multiple %squeeze3A_74, 128 : i32
    %slice3A_76 = vector.extract_strided_slice %min3A_24 {offsets = [2], sizes = [1], strides = [1]} : vector<16xi32> to vector<1xi32>
    %squeeze3A_77 = vector.extract %slice3A_76[0] : i32 from vector<1xi32>
    %multiple_of3A_78 = tpu.assume_multiple %squeeze3A_77, 128 : i32
    %dma_start3A_79 = arith.constant 0 : i32
    %dma_start3A_80 = arith.constant 256 : i32
    %dma_start3A_81 = tpu.memref_slice %arg9[%dma_start3A_79, %dma_start3A_80] : memref<32x512xf32, #tpu.memory_space<vmem>> -> memref<32x128xf32, #tpu.memory_space<vmem>>
    %dma_start3A_82 = arith.constant 0 : i32
    %dma_start3A_83 = tpu.memref_slice %arg4[%dma_start3A_82, %multiple_of3A_75] : memref<32x1000000xf32, #tpu.memory_space<hbm>> -> memref<32x128xf32, #tpu.memory_space<hbm>>
    %dma_start3A_84 = arith.constant 0 : i32
    %dma_start3A_85 = arith.constant 256 : i32
    %dma_start3A_86 = tpu.memref_slice %arg9[%dma_start3A_84, %dma_start3A_85] : memref<32x512xf32, #tpu.memory_space<vmem>> -> memref<32x128xf32, #tpu.memory_space<vmem>>
    %dma_start3A_87 = arith.constant 0 : i32
    %dma_start3A_88 = tpu.memref_slice %arg4[%dma_start3A_87, %multiple_of3A_75] : memref<32x1000000xf32, #tpu.memory_space<hbm>> -> memref<32x128xf32, #tpu.memory_space<hbm>>
    tpu.enqueue_dma source(%dma_start3A_88 : memref<32x128xf32, #tpu.memory_space<hbm>>) target(%dma_start3A_86 : memref<32x128xf32, #tpu.memory_space<vmem>>) target_semaphore(%arg14 : memref<!tpu.dma_semaphore, #tpu.memory_space<semaphore_mem>>)
    %dma_start3A_89 = arith.constant 0 : i32
    %dma_start3A_90 = arith.constant 256 : i32
    %dma_start3A_91 = tpu.memref_slice %arg10[%dma_start3A_89, %dma_start3A_90] : memref<32x512xf32, #tpu.memory_space<vmem>> -> memref<32x128xf32, #tpu.memory_space<vmem>>
    %dma_start3A_92 = arith.constant 0 : i32
    %dma_start3A_93 = tpu.memref_slice %arg5[%dma_start3A_92, %multiple_of3A_78] : memref<32x1000000xf32, #tpu.memory_space<hbm>> -> memref<32x128xf32, #tpu.memory_space<hbm>>
    %dma_start3A_94 = arith.constant 0 : i32
    %dma_start3A_95 = arith.constant 256 : i32
    %dma_start3A_96 = tpu.memref_slice %arg10[%dma_start3A_94, %dma_start3A_95] : memref<32x512xf32, #tpu.memory_space<vmem>> -> memref<32x128xf32, #tpu.memory_space<vmem>>
    %dma_start3A_97 = arith.constant 0 : i32
    %dma_start3A_98 = tpu.memref_slice %arg5[%dma_start3A_97, %multiple_of3A_78] : memref<32x1000000xf32, #tpu.memory_space<hbm>> -> memref<32x128xf32, #tpu.memory_space<hbm>>
    tpu.enqueue_dma source(%dma_start3A_98 : memref<32x128xf32, #tpu.memory_space<hbm>>) target(%dma_start3A_96 : memref<32x128xf32, #tpu.memory_space<vmem>>) target_semaphore(%arg14 : memref<!tpu.dma_semaphore, #tpu.memory_space<semaphore_mem>>)
    %slice3A_99 = vector.extract_strided_slice %min3A_12 {offsets = [3], sizes = [1], strides = [1]} : vector<16xi32> to vector<1xi32>
    %squeeze3A_100 = vector.extract %slice3A_99[0] : i32 from vector<1xi32>
    %multiple_of3A_101 = tpu.assume_multiple %squeeze3A_100, 128 : i32
    %slice3A_102 = vector.extract_strided_slice %min3A_24 {offsets = [3], sizes = [1], strides = [1]} : vector<16xi32> to vector<1xi32>
    %squeeze3A_103 = vector.extract %slice3A_102[0] : i32 from vector<1xi32>
    %multiple_of3A_104 = tpu.assume_multiple %squeeze3A_103, 128 : i32
    %dma_start3A_105 = arith.constant 0 : i32
    %dma_start3A_106 = arith.constant 384 : i32
    %dma_start3A_107 = tpu.memref_slice %arg9[%dma_start3A_105, %dma_start3A_106] : memref<32x512xf32, #tpu.memory_space<vmem>> -> memref<32x128xf32, #tpu.memory_space<vmem>>
    %dma_start3A_108 = arith.constant 0 : i32
    %dma_start3A_109 = tpu.memref_slice %arg4[%dma_start3A_108, %multiple_of3A_101] : memref<32x1000000xf32, #tpu.memory_space<hbm>> -> memref<32x128xf32, #tpu.memory_space<hbm>>
    %dma_start3A_110 = arith.constant 0 : i32
    %dma_start3A_111 = arith.constant 384 : i32
    %dma_start3A_112 = tpu.memref_slice %arg9[%dma_start3A_110, %dma_start3A_111] : memref<32x512xf32, #tpu.memory_space<vmem>> -> memref<32x128xf32, #tpu.memory_space<vmem>>
    %dma_start3A_113 = arith.constant 0 : i32
    %dma_start3A_114 = tpu.memref_slice %arg4[%dma_start3A_113, %multiple_of3A_101] : memref<32x1000000xf32, #tpu.memory_space<hbm>> -> memref<32x128xf32, #tpu.memory_space<hbm>>
    tpu.enqueue_dma source(%dma_start3A_114 : memref<32x128xf32, #tpu.memory_space<hbm>>) target(%dma_start3A_112 : memref<32x128xf32, #tpu.memory_space<vmem>>) target_semaphore(%arg14 : memref<!tpu.dma_semaphore, #tpu.memory_space<semaphore_mem>>)
    %dma_start3A_115 = arith.constant 0 : i32
    %dma_start3A_116 = arith.constant 384 : i32
    %dma_start3A_117 = tpu.memref_slice %arg10[%dma_start3A_115, %dma_start3A_116] : memref<32x512xf32, #tpu.memory_space<vmem>> -> memref<32x128xf32, #tpu.memory_space<vmem>>
    %dma_start3A_118 = arith.constant 0 : i32
    %dma_start3A_119 = tpu.memref_slice %arg5[%dma_start3A_118, %multiple_of3A_104] : memref<32x1000000xf32, #tpu.memory_space<hbm>> -> memref<32x128xf32, #tpu.memory_space<hbm>>
    %dma_start3A_120 = arith.constant 0 : i32
    %dma_start3A_121 = arith.constant 384 : i32
    %dma_start3A_122 = tpu.memref_slice %arg10[%dma_start3A_120, %dma_start3A_121] : memref<32x512xf32, #tpu.memory_space<vmem>> -> memref<32x128xf32, #tpu.memory_space<vmem>>
    %dma_start3A_123 = arith.constant 0 : i32
    %dma_start3A_124 = tpu.memref_slice %arg5[%dma_start3A_123, %multiple_of3A_104] : memref<32x1000000xf32, #tpu.memory_space<hbm>> -> memref<32x128xf32, #tpu.memory_space<hbm>>
    tpu.enqueue_dma source(%dma_start3A_124 : memref<32x128xf32, #tpu.memory_space<hbm>>) target(%dma_start3A_122 : memref<32x128xf32, #tpu.memory_space<vmem>>) target_semaphore(%arg14 : memref<!tpu.dma_semaphore, #tpu.memory_space<semaphore_mem>>)
    %scan3A = arith.constant 0 : i32
    %scan3A_125 = arith.constant 0 : i32
    %scan3A_126 = arith.constant 32 : i32
    %scan3A_127 = arith.addi %scan3A_125, %scan3A_126 : i32
    %scan3A_128 = arith.constant 1 : i32
    scf.for %scan3A_141 = %scan3A_125 to %scan3A_127 step %scan3A_128  : i32 {
      %mul3A_142 = arith.constant 4 : i32
      %mul3A_143 = arith.muli %scan3A_141, %mul3A_142 : i32
      %add3A_144 = arith.constant 0 : i32
      %add3A_145 = arith.addi %mul3A_143, %add3A_144 : i32
      %add3A_146 = arith.constant 1 : i32
      %add3A_147 = arith.addi %add3A_145, %add3A_146 : i32
      %mul3A_148 = arith.constant 4 : i32
      %mul3A_149 = arith.muli %add3A_147, %mul3A_148 : i32
      %get3A_150 = arith.index_cast %mul3A_149 : i32 to index
      %get3A_151 = tpu.vector_load %arg7[%get3A_150] {strides = array<i32>} : memref<528xi32, #tpu.memory_space<vmem>>, vector<16xi32>,
      %get3A_152 = arith.index_cast %mul3A_149 : i32 to index
      %get3A_153 = tpu.vector_load %arg8[%get3A_152] {strides = array<i32>} : memref<528xi32, #tpu.memory_space<vmem>>, vector<16xi32>,
      %shift_right_arithmetic3A_154 = arith.constant 7 : i32
      %shift_right_arithmetic3A_155 = vector.broadcast %shift_right_arithmetic3A_154 : i32 to vector<16xi32>
      %shift_right_arithmetic3A_156 = arith.shrsi %get3A_151, %shift_right_arithmetic3A_155 : vector<16xi32>
      %shift_left3A_157 = arith.constant 7 : i32
      %shift_left3A_158 = vector.broadcast %shift_left3A_157 : i32 to vector<16xi32>
      %shift_left3A_159 = arith.shli %shift_right_arithmetic3A_156, %shift_left3A_158 : vector<16xi32>
      %jit3A_160 = arith.constant 0 : i32
      %jit3A_161 = arith.constant 999936 : i32
      %max3A_162 = vector.broadcast %jit3A_160 : i32 to vector<16xi32>
      %max3A_163 = arith.maxsi %max3A_162, %shift_left3A_159 : vector<16xi32>
      %min3A_164 = vector.broadcast %jit3A_161 : i32 to vector<16xi32>
      %min3A_165 = arith.minsi %min3A_164, %max3A_163 : vector<16xi32>
      %shift_right_arithmetic3A_166 = arith.constant 7 : i32
      %shift_right_arithmetic3A_167 = vector.broadcast %shift_right_arithmetic3A_166 : i32 to vector<16xi32>
      %shift_right_arithmetic3A_168 = arith.shrsi %get3A_153, %shift_right_arithmetic3A_167 : vector<16xi32>
      %shift_left3A_169 = arith.constant 7 : i32
      %shift_left3A_170 = vector.broadcast %shift_left3A_169 : i32 to vector<16xi32>
      %shift_left3A_171 = arith.shli %shift_right_arithmetic3A_168, %shift_left3A_170 : vector<16xi32>
      %jit3A_172 = arith.constant 0 : i32
      %jit3A_173 = arith.constant 999936 : i32
      %max3A_174 = vector.broadcast %jit3A_172 : i32 to vector<16xi32>
      %max3A_175 = arith.maxsi %max3A_174, %shift_left3A_171 : vector<16xi32>
      %min3A_176 = vector.broadcast %jit3A_173 : i32 to vector<16xi32>
      %min3A_177 = arith.minsi %min3A_176, %max3A_175 : vector<16xi32>
      %slice3A_178 = vector.extract_strided_slice %min3A_165 {offsets = [0], sizes = [1], strides = [1]} : vector<16xi32> to vector<1xi32>
      %squeeze3A_179 = vector.extract %slice3A_178[0] : i32 from vector<1xi32>
      %multiple_of3A_180 = tpu.assume_multiple %squeeze3A_179, 128 : i32
      %slice3A_181 = vector.extract_strided_slice %min3A_177 {offsets = [0], sizes = [1], strides = [1]} : vector<16xi32> to vector<1xi32>
      %squeeze3A_182 = vector.extract %slice3A_181[0] : i32 from vector<1xi32>
      %multiple_of3A_183 = tpu.assume_multiple %squeeze3A_182, 128 : i32
      %dma_start3A_184 = arith.constant 0 : i32
      %dma_start3A_185 = arith.constant 0 : i32
      %dma_start3A_186 = tpu.memref_slice %arg11[%dma_start3A_184, %dma_start3A_185] : memref<32x512xf32, #tpu.memory_space<vmem>> -> memref<32x128xf32, #tpu.memory_space<vmem>>
      %dma_start3A_187 = arith.constant 0 : i32
      %dma_start3A_188 = tpu.memref_slice %arg4[%dma_start3A_187, %multiple_of3A_180] : memref<32x1000000xf32, #tpu.memory_space<hbm>> -> memref<32x128xf32, #tpu.memory_space<hbm>>
      %dma_start3A_189 = arith.constant 0 : i32
      %dma_start3A_190 = arith.constant 0 : i32
      %dma_start3A_191 = tpu.memref_slice %arg11[%dma_start3A_189, %dma_start3A_190] : memref<32x512xf32, #tpu.memory_space<vmem>> -> memref<32x128xf32, #tpu.memory_space<vmem>>
      %dma_start3A_192 = arith.constant 0 : i32
      %dma_start3A_193 = tpu.memref_slice %arg4[%dma_start3A_192, %multiple_of3A_180] : memref<32x1000000xf32, #tpu.memory_space<hbm>> -> memref<32x128xf32, #tpu.memory_space<hbm>>
      tpu.enqueue_dma source(%dma_start3A_193 : memref<32x128xf32, #tpu.memory_space<hbm>>) target(%dma_start3A_191 : memref<32x128xf32, #tpu.memory_space<vmem>>) target_semaphore(%arg15 : memref<!tpu.dma_semaphore, #tpu.memory_space<semaphore_mem>>)
      %dma_start3A_194 = arith.constant 0 : i32
      %dma_start3A_195 = arith.constant 0 : i32
      %dma_start3A_196 = tpu.memref_slice %arg12[%dma_start3A_194, %dma_start3A_195] : memref<32x512xf32, #tpu.memory_space<vmem>> -> memref<32x128xf32, #tpu.memory_space<vmem>>
      %dma_start3A_197 = arith.constant 0 : i32
      %dma_start3A_198 = tpu.memref_slice %arg5[%dma_start3A_197, %multiple_of3A_183] : memref<32x1000000xf32, #tpu.memory_space<hbm>> -> memref<32x128xf32, #tpu.memory_space<hbm>>
      %dma_start3A_199 = arith.constant 0 : i32
      %dma_start3A_200 = arith.constant 0 : i32
      %dma_start3A_201 = tpu.memref_slice %arg12[%dma_start3A_199, %dma_start3A_200] : memref<32x512xf32, #tpu.memory_space<vmem>> -> memref<32x128xf32, #tpu.memory_space<vmem>>
      %dma_start3A_202 = arith.constant 0 : i32
      %dma_start3A_203 = tpu.memref_slice %arg5[%dma_start3A_202, %multiple_of3A_183] : memref<32x1000000xf32, #tpu.memory_space<hbm>> -> memref<32x128xf32, #tpu.memory_space<hbm>>
      tpu.enqueue_dma source(%dma_start3A_203 : memref<32x128xf32, #tpu.memory_space<hbm>>) target(%dma_start3A_201 : memref<32x128xf32, #tpu.memory_space<vmem>>) target_semaphore(%arg15 : memref<!tpu.dma_semaphore, #tpu.memory_space<semaphore_mem>>)
      %slice3A_204 = vector.extract_strided_slice %min3A_165 {offsets = [1], sizes = [1], strides = [1]} : vector<16xi32> to vector<1xi32>
      %squeeze3A_205 = vector.extract %slice3A_204[0] : i32 from vector<1xi32>
      %multiple_of3A_206 = tpu.assume_multiple %squeeze3A_205, 128 : i32
      %slice3A_207 = vector.extract_strided_slice %min3A_177 {offsets = [1], sizes = [1], strides = [1]} : vector<16xi32> to vector<1xi32>
      %squeeze3A_208 = vector.extract %slice3A_207[0] : i32 from vector<1xi32>
      %multiple_of3A_209 = tpu.assume_multiple %squeeze3A_208, 128 : i32
      %dma_start3A_210 = arith.constant 0 : i32
      %dma_start3A_211 = arith.constant 128 : i32
      %dma_start3A_212 = tpu.memref_slice %arg11[%dma_start3A_210, %dma_start3A_211] : memref<32x512xf32, #tpu.memory_space<vmem>> -> memref<32x128xf32, #tpu.memory_space<vmem>>
      %dma_start3A_213 = arith.constant 0 : i32
      %dma_start3A_214 = tpu.memref_slice %arg4[%dma_start3A_213, %multiple_of3A_206] : memref<32x1000000xf32, #tpu.memory_space<hbm>> -> memref<32x128xf32, #tpu.memory_space<hbm>>
      %dma_start3A_215 = arith.constant 0 : i32
      %dma_start3A_216 = arith.constant 128 : i32
      %dma_start3A_217 = tpu.memref_slice %arg11[%dma_start3A_215, %dma_start3A_216] : memref<32x512xf32, #tpu.memory_space<vmem>> -> memref<32x128xf32, #tpu.memory_space<vmem>>
      %dma_start3A_218 = arith.constant 0 : i32
      %dma_start3A_219 = tpu.memref_slice %arg4[%dma_start3A_218, %multiple_of3A_206] : memref<32x1000000xf32, #tpu.memory_space<hbm>> -> memref<32x128xf32, #tpu.memory_space<hbm>>
      tpu.enqueue_dma source(%dma_start3A_219 : memref<32x128xf32, #tpu.memory_space<hbm>>) target(%dma_start3A_217 : memref<32x128xf32, #tpu.memory_space<vmem>>) target_semaphore(%arg15 : memref<!tpu.dma_semaphore, #tpu.memory_space<semaphore_mem>>)
      %dma_start3A_220 = arith.constant 0 : i32
      %dma_start3A_221 = arith.constant 128 : i32
      %dma_start3A_222 = tpu.memref_slice %arg12[%dma_start3A_220, %dma_start3A_221] : memref<32x512xf32, #tpu.memory_space<vmem>> -> memref<32x128xf32, #tpu.memory_space<vmem>>
      %dma_start3A_223 = arith.constant 0 : i32
      %dma_start3A_224 = tpu.memref_slice %arg5[%dma_start3A_223, %multiple_of3A_209] : memref<32x1000000xf32, #tpu.memory_space<hbm>> -> memref<32x128xf32, #tpu.memory_space<hbm>>
      %dma_start3A_225 = arith.constant 0 : i32
      %dma_start3A_226 = arith.constant 128 : i32
      %dma_start3A_227 = tpu.memref_slice %arg12[%dma_start3A_225, %dma_start3A_226] : memref<32x512xf32, #tpu.memory_space<vmem>> -> memref<32x128xf32, #tpu.memory_space<vmem>>
      %dma_start3A_228 = arith.constant 0 : i32
      %dma_start3A_229 = tpu.memref_slice %arg5[%dma_start3A_228, %multiple_of3A_209] : memref<32x1000000xf32, #tpu.memory_space<hbm>> -> memref<32x128xf32, #tpu.memory_space<hbm>>
      tpu.enqueue_dma source(%dma_start3A_229 : memref<32x128xf32, #tpu.memory_space<hbm>>) target(%dma_start3A_227 : memref<32x128xf32, #tpu.memory_space<vmem>>) target_semaphore(%arg15 : memref<!tpu.dma_semaphore, #tpu.memory_space<semaphore_mem>>)
      %slice3A_230 = vector.extract_strided_slice %min3A_165 {offsets = [2], sizes = [1], strides = [1]} : vector<16xi32> to vector<1xi32>
      %squeeze3A_231 = vector.extract %slice3A_230[0] : i32 from vector<1xi32>
      %multiple_of3A_232 = tpu.assume_multiple %squeeze3A_231, 128 : i32
      %slice3A_233 = vector.extract_strided_slice %min3A_177 {offsets = [2], sizes = [1], strides = [1]} : vector<16xi32> to vector<1xi32>
      %squeeze3A_234 = vector.extract %slice3A_233[0] : i32 from vector<1xi32>
      %multiple_of3A_235 = tpu.assume_multiple %squeeze3A_234, 128 : i32
      %dma_start3A_236 = arith.constant 0 : i32
      %dma_start3A_237 = arith.constant 256 : i32
      %dma_start3A_238 = tpu.memref_slice %arg11[%dma_start3A_236, %dma_start3A_237] : memref<32x512xf32, #tpu.memory_space<vmem>> -> memref<32x128xf32, #tpu.memory_space<vmem>>
      %dma_start3A_239 = arith.constant 0 : i32
      %dma_start3A_240 = tpu.memref_slice %arg4[%dma_start3A_239, %multiple_of3A_232] : memref<32x1000000xf32, #tpu.memory_space<hbm>> -> memref<32x128xf32, #tpu.memory_space<hbm>>
      %dma_start3A_241 = arith.constant 0 : i32
      %dma_start3A_242 = arith.constant 256 : i32
      %dma_start3A_243 = tpu.memref_slice %arg11[%dma_start3A_241, %dma_start3A_242] : memref<32x512xf32, #tpu.memory_space<vmem>> -> memref<32x128xf32, #tpu.memory_space<vmem>>
      %dma_start3A_244 = arith.constant 0 : i32
      %dma_start3A_245 = tpu.memref_slice %arg4[%dma_start3A_244, %multiple_of3A_232] : memref<32x1000000xf32, #tpu.memory_space<hbm>> -> memref<32x128xf32, #tpu.memory_space<hbm>>
      tpu.enqueue_dma source(%dma_start3A_245 : memref<32x128xf32, #tpu.memory_space<hbm>>) target(%dma_start3A_243 : memref<32x128xf32, #tpu.memory_space<vmem>>) target_semaphore(%arg15 : memref<!tpu.dma_semaphore, #tpu.memory_space<semaphore_mem>>)
      %dma_start3A_246 = arith.constant 0 : i32
      %dma_start3A_247 = arith.constant 256 : i32
      %dma_start3A_248 = tpu.memref_slice %arg12[%dma_start3A_246, %dma_start3A_247] : memref<32x512xf32, #tpu.memory_space<vmem>> -> memref<32x128xf32, #tpu.memory_space<vmem>>
      %dma_start3A_249 = arith.constant 0 : i32
      %dma_start3A_250 = tpu.memref_slice %arg5[%dma_start3A_249, %multiple_of3A_235] : memref<32x1000000xf32, #tpu.memory_space<hbm>> -> memref<32x128xf32, #tpu.memory_space<hbm>>
      %dma_start3A_251 = arith.constant 0 : i32
      %dma_start3A_252 = arith.constant 256 : i32
      %dma_start3A_253 = tpu.memref_slice %arg12[%dma_start3A_251, %dma_start3A_252] : memref<32x512xf32, #tpu.memory_space<vmem>> -> memref<32x128xf32, #tpu.memory_space<vmem>>
      %dma_start3A_254 = arith.constant 0 : i32
      %dma_start3A_255 = tpu.memref_slice %arg5[%dma_start3A_254, %multiple_of3A_235] : memref<32x1000000xf32, #tpu.memory_space<hbm>> -> memref<32x128xf32, #tpu.memory_space<hbm>>
      tpu.enqueue_dma source(%dma_start3A_255 : memref<32x128xf32, #tpu.memory_space<hbm>>) target(%dma_start3A_253 : memref<32x128xf32, #tpu.memory_space<vmem>>) target_semaphore(%arg15 : memref<!tpu.dma_semaphore, #tpu.memory_space<semaphore_mem>>)
      %slice3A_256 = vector.extract_strided_slice %min3A_165 {offsets = [3], sizes = [1], strides = [1]} : vector<16xi32> to vector<1xi32>
      %squeeze3A_257 = vector.extract %slice3A_256[0] : i32 from vector<1xi32>
      %multiple_of3A_258 = tpu.assume_multiple %squeeze3A_257, 128 : i32
      %slice3A_259 = vector.extract_strided_slice %min3A_177 {offsets = [3], sizes = [1], strides = [1]} : vector<16xi32> to vector<1xi32>
      %squeeze3A_260 = vector.extract %slice3A_259[0] : i32 from vector<1xi32>
      %multiple_of3A_261 = tpu.assume_multiple %squeeze3A_260, 128 : i32
      %dma_start3A_262 = arith.constant 0 : i32
      %dma_start3A_263 = arith.constant 384 : i32
      %dma_start3A_264 = tpu.memref_slice %arg11[%dma_start3A_262, %dma_start3A_263] : memref<32x512xf32, #tpu.memory_space<vmem>> -> memref<32x128xf32, #tpu.memory_space<vmem>>
      %dma_start3A_265 = arith.constant 0 : i32
      %dma_start3A_266 = tpu.memref_slice %arg4[%dma_start3A_265, %multiple_of3A_258] : memref<32x1000000xf32, #tpu.memory_space<hbm>> -> memref<32x128xf32, #tpu.memory_space<hbm>>
      %dma_start3A_267 = arith.constant 0 : i32
      %dma_start3A_268 = arith.constant 384 : i32
      %dma_start3A_269 = tpu.memref_slice %arg11[%dma_start3A_267, %dma_start3A_268] : memref<32x512xf32, #tpu.memory_space<vmem>> -> memref<32x128xf32, #tpu.memory_space<vmem>>
      %dma_start3A_270 = arith.constant 0 : i32
      %dma_start3A_271 = tpu.memref_slice %arg4[%dma_start3A_270, %multiple_of3A_258] : memref<32x1000000xf32, #tpu.memory_space<hbm>> -> memref<32x128xf32, #tpu.memory_space<hbm>>
      tpu.enqueue_dma source(%dma_start3A_271 : memref<32x128xf32, #tpu.memory_space<hbm>>) target(%dma_start3A_269 : memref<32x128xf32, #tpu.memory_space<vmem>>) target_semaphore(%arg15 : memref<!tpu.dma_semaphore, #tpu.memory_space<semaphore_mem>>)
      %dma_start3A_272 = arith.constant 0 : i32
      %dma_start3A_273 = arith.constant 384 : i32
      %dma_start3A_274 = tpu.memref_slice %arg12[%dma_start3A_272, %dma_start3A_273] : memref<32x512xf32, #tpu.memory_space<vmem>> -> memref<32x128xf32, #tpu.memory_space<vmem>>
      %dma_start3A_275 = arith.constant 0 : i32
      %dma_start3A_276 = tpu.memref_slice %arg5[%dma_start3A_275, %multiple_of3A_261] : memref<32x1000000xf32, #tpu.memory_space<hbm>> -> memref<32x128xf32, #tpu.memory_space<hbm>>
      %dma_start3A_277 = arith.constant 0 : i32
      %dma_start3A_278 = arith.constant 384 : i32
      %dma_start3A_279 = tpu.memref_slice %arg12[%dma_start3A_277, %dma_start3A_278] : memref<32x512xf32, #tpu.memory_space<vmem>> -> memref<32x128xf32, #tpu.memory_space<vmem>>
      %dma_start3A_280 = arith.constant 0 : i32
      %dma_start3A_281 = tpu.memref_slice %arg5[%dma_start3A_280, %multiple_of3A_261] : memref<32x1000000xf32, #tpu.memory_space<hbm>> -> memref<32x128xf32, #tpu.memory_space<hbm>>
      tpu.enqueue_dma source(%dma_start3A_281 : memref<32x128xf32, #tpu.memory_space<hbm>>) target(%dma_start3A_279 : memref<32x128xf32, #tpu.memory_space<vmem>>) target_semaphore(%arg15 : memref<!tpu.dma_semaphore, #tpu.memory_space<semaphore_mem>>)
      %dma_wait3A_282 = arith.constant 0 : i32
      %dma_wait3A_283 = arith.constant 0 : i32
      %dma_wait3A_284 = tpu.memref_slice %arg4[%dma_wait3A_282, %dma_wait3A_283] : memref<32x1000000xf32, #tpu.memory_space<hbm>> -> memref<32x512xf32, #tpu.memory_space<hbm>>
      %dma_wait3A_285 = arith.constant 0 : i32
      %dma_wait3A_286 = arith.constant 0 : i32
      %dma_wait3A_287 = tpu.memref_slice %arg4[%dma_wait3A_285, %dma_wait3A_286] : memref<32x1000000xf32, #tpu.memory_space<hbm>> -> memref<32x512xf32, #tpu.memory_space<hbm>>
      tpu.wait_dma2 semaphore(%arg14 : memref<!tpu.dma_semaphore, #tpu.memory_space<semaphore_mem>>) src(%dma_wait3A_287 : memref<32x512xf32, #tpu.memory_space<hbm>>) dst(%arg9 : memref<32x512xf32, #tpu.memory_space<vmem>>)
      %dma_wait3A_288 = arith.constant 0 : i32
      %dma_wait3A_289 = arith.constant 0 : i32
      %dma_wait3A_290 = tpu.memref_slice %arg5[%dma_wait3A_288, %dma_wait3A_289] : memref<32x1000000xf32, #tpu.memory_space<hbm>> -> memref<32x512xf32, #tpu.memory_space<hbm>>
      %dma_wait3A_291 = arith.constant 0 : i32
      %dma_wait3A_292 = arith.constant 0 : i32
      %dma_wait3A_293 = tpu.memref_slice %arg5[%dma_wait3A_291, %dma_wait3A_292] : memref<32x1000000xf32, #tpu.memory_space<hbm>> -> memref<32x512xf32, #tpu.memory_space<hbm>>
      tpu.wait_dma2 semaphore(%arg14 : memref<!tpu.dma_semaphore, #tpu.memory_space<semaphore_mem>>) src(%dma_wait3A_293 : memref<32x512xf32, #tpu.memory_space<hbm>>) dst(%arg10 : memref<32x512xf32, #tpu.memory_space<vmem>>)
      %mul3A_294 = arith.constant 4 : i32
      %mul3A_295 = arith.muli %add3A_145, %mul3A_294 : i32
      %get3A_296 = arith.index_cast %mul3A_295 : i32 to index
      %get3A_297 = tpu.vector_load %arg7[%get3A_296] {strides = array<i32>} : memref<528xi32, #tpu.memory_space<vmem>>, vector<16xi32>,
      %get3A_298 = arith.index_cast %mul3A_295 : i32 to index
      %get3A_299 = tpu.vector_load %arg8[%get3A_298] {strides = array<i32>} : memref<528xi32, #tpu.memory_space<vmem>>, vector<16xi32>,
      %and3A = arith.constant 127 : i32
      %and3A_300 = vector.broadcast %and3A : i32 to vector<16xi32>
      %and3A_301 = arith.andi %get3A_297, %and3A_300 : vector<16xi32>
      %and3A_302 = arith.constant 127 : i32
      %and3A_303 = vector.broadcast %and3A_302 : i32 to vector<16xi32>
      %and3A_304 = arith.andi %get3A_299, %and3A_303 : vector<16xi32>
      %slice3A_305 = vector.extract_strided_slice %and3A_301 {offsets = [0], sizes = [1], strides = [1]} : vector<16xi32> to vector<1xi32>
      %squeeze3A_306 = vector.extract %slice3A_305[0] : i32 from vector<1xi32>
      %add3A_307 = arith.constant 0 : i32
      %add3A_308 = arith.addi %squeeze3A_306, %add3A_307 : i32
      %broadcast_in_dim3A = vector.broadcast %add3A_308 : i32 to vector<16xi32>
      %slice3A_309 = vector.extract_strided_slice %and3A_304 {offsets = [0], sizes = [1], strides = [1]} : vector<16xi32> to vector<1xi32>
      %squeeze3A_310 = vector.extract %slice3A_309[0] : i32 from vector<1xi32>
      %add3A_311 = arith.constant 0 : i32
      %add3A_312 = arith.addi %squeeze3A_310, %add3A_311 : i32
      %broadcast_in_dim3A_313 = vector.broadcast %add3A_312 : i32 to vector<16xi32>
      %gather3A = tpu.vector_load_idx %arg9[%iota3A, %broadcast_in_dim3A] : memref<32x512xf32, #tpu.memory_space<vmem>>[vector<16xi32>, vector<16xi32>], vector<16xf32>,
      %add3A_314 = arith.constant 16 : i32
      %add3A_315 = vector.broadcast %add3A_314 : i32 to vector<16xi32>
      %add3A_316 = arith.addi %iota3A, %add3A_315 : vector<16xi32>
      %gather3A_317 = tpu.vector_load_idx %arg9[%add3A_316, %broadcast_in_dim3A] : memref<32x512xf32, #tpu.memory_space<vmem>>[vector<16xi32>, vector<16xi32>], vector<16xf32>,
      %gather3A_318 = tpu.vector_load_idx %arg10[%iota3A, %broadcast_in_dim3A_313] : memref<32x512xf32, #tpu.memory_space<vmem>>[vector<16xi32>, vector<16xi32>], vector<16xf32>,
      %add3A_319 = arith.constant 16 : i32
      %add3A_320 = vector.broadcast %add3A_319 : i32 to vector<16xi32>
      %add3A_321 = arith.addi %iota3A, %add3A_320 : vector<16xi32>
      %gather3A_322 = tpu.vector_load_idx %arg10[%add3A_321, %broadcast_in_dim3A_313] : memref<32x512xf32, #tpu.memory_space<vmem>>[vector<16xi32>, vector<16xi32>], vector<16xf32>,
      %mul3A_323 = arith.mulf %gather3A, %gather3A_318 : vector<16xf32>
      %mul3A_324 = arith.mulf %gather3A_317, %gather3A_322 : vector<16xf32>
      %add3A_325 = arith.addf %mul3A_323, %mul3A_324 : vector<16xf32>
      %slice3A_326 = vector.extract_strided_slice %and3A_301 {offsets = [1], sizes = [1], strides = [1]} : vector<16xi32> to vector<1xi32>
      %squeeze3A_327 = vector.extract %slice3A_326[0] : i32 from vector<1xi32>
      %add3A_328 = arith.constant 128 : i32
      %add3A_329 = arith.addi %squeeze3A_327, %add3A_328 : i32
      %broadcast_in_dim3A_330 = vector.broadcast %add3A_329 : i32 to vector<16xi32>
      %slice3A_331 = vector.extract_strided_slice %and3A_304 {offsets = [1], sizes = [1], strides = [1]} : vector<16xi32> to vector<1xi32>
      %squeeze3A_332 = vector.extract %slice3A_331[0] : i32 from vector<1xi32>
      %add3A_333 = arith.constant 128 : i32
      %add3A_334 = arith.addi %squeeze3A_332, %add3A_333 : i32
      %broadcast_in_dim3A_335 = vector.broadcast %add3A_334 : i32 to vector<16xi32>
      %gather3A_336 = tpu.vector_load_idx %arg9[%iota3A, %broadcast_in_dim3A_330] : memref<32x512xf32, #tpu.memory_space<vmem>>[vector<16xi32>, vector<16xi32>], vector<16xf32>,
      %add3A_337 = arith.constant 16 : i32
      %add3A_338 = vector.broadcast %add3A_337 : i32 to vector<16xi32>
      %add3A_339 = arith.addi %iota3A, %add3A_338 : vector<16xi32>
      %gather3A_340 = tpu.vector_load_idx %arg9[%add3A_339, %broadcast_in_dim3A_330] : memref<32x512xf32, #tpu.memory_space<vmem>>[vector<16xi32>, vector<16xi32>], vector<16xf32>,
      %gather3A_341 = tpu.vector_load_idx %arg10[%iota3A, %broadcast_in_dim3A_335] : memref<32x512xf32, #tpu.memory_space<vmem>>[vector<16xi32>, vector<16xi32>], vector<16xf32>,
      %add3A_342 = arith.constant 16 : i32
      %add3A_343 = vector.broadcast %add3A_342 : i32 to vector<16xi32>
      %add3A_344 = arith.addi %iota3A, %add3A_343 : vector<16xi32>
      %gather3A_345 = tpu.vector_load_idx %arg10[%add3A_344, %broadcast_in_dim3A_335] : memref<32x512xf32, #tpu.memory_space<vmem>>[vector<16xi32>, vector<16xi32>], vector<16xf32>,
      %mul3A_346 = arith.mulf %gather3A_336, %gather3A_341 : vector<16xf32>
      %mul3A_347 = arith.mulf %gather3A_340, %gather3A_345 : vector<16xf32>
      %add3A_348 = arith.addf %mul3A_346, %mul3A_347 : vector<16xf32>
      %slice3A_349 = vector.extract_strided_slice %and3A_301 {offsets = [2], sizes = [1], strides = [1]} : vector<16xi32> to vector<1xi32>
      %squeeze3A_350 = vector.extract %slice3A_349[0] : i32 from vector<1xi32>
      %add3A_351 = arith.constant 256 : i32
      %add3A_352 = arith.addi %squeeze3A_350, %add3A_351 : i32
      %broadcast_in_dim3A_353 = vector.broadcast %add3A_352 : i32 to vector<16xi32>
      %slice3A_354 = vector.extract_strided_slice %and3A_304 {offsets = [2], sizes = [1], strides = [1]} : vector<16xi32> to vector<1xi32>
      %squeeze3A_355 = vector.extract %slice3A_354[0] : i32 from vector<1xi32>
      %add3A_356 = arith.constant 256 : i32
      %add3A_357 = arith.addi %squeeze3A_355, %add3A_356 : i32
      %broadcast_in_dim3A_358 = vector.broadcast %add3A_357 : i32 to vector<16xi32>
      %gather3A_359 = tpu.vector_load_idx %arg9[%iota3A, %broadcast_in_dim3A_353] : memref<32x512xf32, #tpu.memory_space<vmem>>[vector<16xi32>, vector<16xi32>], vector<16xf32>,
      %add3A_360 = arith.constant 16 : i32
      %add3A_361 = vector.broadcast %add3A_360 : i32 to vector<16xi32>
      %add3A_362 = arith.addi %iota3A, %add3A_361 : vector<16xi32>
      %gather3A_363 = tpu.vector_load_idx %arg9[%add3A_362, %broadcast_in_dim3A_353] : memref<32x512xf32, #tpu.memory_space<vmem>>[vector<16xi32>, vector<16xi32>], vector<16xf32>,
      %gather3A_364 = tpu.vector_load_idx %arg10[%iota3A, %broadcast_in_dim3A_358] : memref<32x512xf32, #tpu.memory_space<vmem>>[vector<16xi32>, vector<16xi32>], vector<16xf32>,
      %add3A_365 = arith.constant 16 : i32
      %add3A_366 = vector.broadcast %add3A_365 : i32 to vector<16xi32>
      %add3A_367 = arith.addi %iota3A, %add3A_366 : vector<16xi32>
      %gather3A_368 = tpu.vector_load_idx %arg10[%add3A_367, %broadcast_in_dim3A_358] : memref<32x512xf32, #tpu.memory_space<vmem>>[vector<16xi32>, vector<16xi32>], vector<16xf32>,
      %mul3A_369 = arith.mulf %gather3A_359, %gather3A_364 : vector<16xf32>
      %mul3A_370 = arith.mulf %gather3A_363, %gather3A_368 : vector<16xf32>
      %add3A_371 = arith.addf %mul3A_369, %mul3A_370 : vector<16xf32>
      %slice3A_372 = vector.extract_strided_slice %and3A_301 {offsets = [3], sizes = [1], strides = [1]} : vector<16xi32> to vector<1xi32>
      %squeeze3A_373 = vector.extract %slice3A_372[0] : i32 from vector<1xi32>
      %add3A_374 = arith.constant 384 : i32
      %add3A_375 = arith.addi %squeeze3A_373, %add3A_374 : i32
      %broadcast_in_dim3A_376 = vector.broadcast %add3A_375 : i32 to vector<16xi32>
      %slice3A_377 = vector.extract_strided_slice %and3A_304 {offsets = [3], sizes = [1], strides = [1]} : vector<16xi32> to vector<1xi32>
      %squeeze3A_378 = vector.extract %slice3A_377[0] : i32 from vector<1xi32>
      %add3A_379 = arith.constant 384 : i32
      %add3A_380 = arith.addi %squeeze3A_378, %add3A_379 : i32
      %broadcast_in_dim3A_381 = vector.broadcast %add3A_380 : i32 to vector<16xi32>
      %gather3A_382 = tpu.vector_load_idx %arg9[%iota3A, %broadcast_in_dim3A_376] : memref<32x512xf32, #tpu.memory_space<vmem>>[vector<16xi32>, vector<16xi32>], vector<16xf32>,
      %add3A_383 = arith.constant 16 : i32
      %add3A_384 = vector.broadcast %add3A_383 : i32 to vector<16xi32>
      %add3A_385 = arith.addi %iota3A, %add3A_384 : vector<16xi32>
      %gather3A_386 = tpu.vector_load_idx %arg9[%add3A_385, %broadcast_in_dim3A_376] : memref<32x512xf32, #tpu.memory_space<vmem>>[vector<16xi32>, vector<16xi32>], vector<16xf32>,
      %gather3A_387 = tpu.vector_load_idx %arg10[%iota3A, %broadcast_in_dim3A_381] : memref<32x512xf32, #tpu.memory_space<vmem>>[vector<16xi32>, vector<16xi32>], vector<16xf32>,
      %add3A_388 = arith.constant 16 : i32
      %add3A_389 = vector.broadcast %add3A_388 : i32 to vector<16xi32>
      %add3A_390 = arith.addi %iota3A, %add3A_389 : vector<16xi32>
      %gather3A_391 = tpu.vector_load_idx %arg10[%add3A_390, %broadcast_in_dim3A_381] : memref<32x512xf32, #tpu.memory_space<vmem>>[vector<16xi32>, vector<16xi32>], vector<16xf32>,
      %mul3A_392 = arith.mulf %gather3A_382, %gather3A_387 : vector<16xf32>
      %mul3A_393 = arith.mulf %gather3A_386, %gather3A_391 : vector<16xf32>
      %add3A_394 = arith.addf %mul3A_392, %mul3A_393 : vector<16xf32>
      %add3A_395 = arith.constant 1 : i32
      %add3A_396 = arith.addi %mul3A_143, %add3A_395 : i32
      %add3A_397 = arith.constant 1 : i32
      %add3A_398 = arith.addi %add3A_396, %add3A_397 : i32
      %mul3A_399 = arith.constant 4 : i32
      %mul3A_400 = arith.muli %add3A_398, %mul3A_399 : i32
      %get3A_401 = arith.index_cast %mul3A_400 : i32 to index
      %get3A_402 = tpu.vector_load %arg7[%get3A_401] {strides = array<i32>} : memref<528xi32, #tpu.memory_space<vmem>>, vector<16xi32>,
      %get3A_403 = arith.index_cast %mul3A_400 : i32 to index
      %get3A_404 = tpu.vector_load %arg8[%get3A_403] {strides = array<i32>} : memref<528xi32, #tpu.memory_space<vmem>>, vector<16xi32>,
      %shift_right_arithmetic3A_405 = arith.constant 7 : i32
      %shift_right_arithmetic3A_406 = vector.broadcast %shift_right_arithmetic3A_405 : i32 to vector<16xi32>
      %shift_right_arithmetic3A_407 = arith.shrsi %get3A_402, %shift_right_arithmetic3A_406 : vector<16xi32>
      %shift_left3A_408 = arith.constant 7 : i32
      %shift_left3A_409 = vector.broadcast %shift_left3A_408 : i32 to vector<16xi32>
      %shift_left3A_410 = arith.shli %shift_right_arithmetic3A_407, %shift_left3A_409 : vector<16xi32>
      %jit3A_411 = arith.constant 0 : i32
      %jit3A_412 = arith.constant 999936 : i32
      %max3A_413 = vector.broadcast %jit3A_411 : i32 to vector<16xi32>
      %max3A_414 = arith.maxsi %max3A_413, %shift_left3A_410 : vector<16xi32>
      %min3A_415 = vector.broadcast %jit3A_412 : i32 to vector<16xi32>
      %min3A_416 = arith.minsi %min3A_415, %max3A_414 : vector<16xi32>
      %shift_right_arithmetic3A_417 = arith.constant 7 : i32
      %shift_right_arithmetic3A_418 = vector.broadcast %shift_right_arithmetic3A_417 : i32 to vector<16xi32>
      %shift_right_arithmetic3A_419 = arith.shrsi %get3A_404, %shift_right_arithmetic3A_418 : vector<16xi32>
      %shift_left3A_420 = arith.constant 7 : i32
      %shift_left3A_421 = vector.broadcast %shift_left3A_420 : i32 to vector<16xi32>
      %shift_left3A_422 = arith.shli %shift_right_arithmetic3A_419, %shift_left3A_421 : vector<16xi32>
      %jit3A_423 = arith.constant 0 : i32
      %jit3A_424 = arith.constant 999936 : i32
      %max3A_425 = vector.broadcast %jit3A_423 : i32 to vector<16xi32>
      %max3A_426 = arith.maxsi %max3A_425, %shift_left3A_422 : vector<16xi32>
      %min3A_427 = vector.broadcast %jit3A_424 : i32 to vector<16xi32>
      %min3A_428 = arith.minsi %min3A_427, %max3A_426 : vector<16xi32>
      %slice3A_429 = vector.extract_strided_slice %min3A_416 {offsets = [0], sizes = [1], strides = [1]} : vector<16xi32> to vector<1xi32>
      %squeeze3A_430 = vector.extract %slice3A_429[0] : i32 from vector<1xi32>
      %multiple_of3A_431 = tpu.assume_multiple %squeeze3A_430, 128 : i32
      %slice3A_432 = vector.extract_strided_slice %min3A_428 {offsets = [0], sizes = [1], strides = [1]} : vector<16xi32> to vector<1xi32>
      %squeeze3A_433 = vector.extract %slice3A_432[0] : i32 from vector<1xi32>
      %multiple_of3A_434 = tpu.assume_multiple %squeeze3A_433, 128 : i32
      %dma_start3A_435 = arith.constant 0 : i32
      %dma_start3A_436 = arith.constant 0 : i32
      %dma_start3A_437 = tpu.memref_slice %arg9[%dma_start3A_435, %dma_start3A_436] : memref<32x512xf32, #tpu.memory_space<vmem>> -> memref<32x128xf32, #tpu.memory_space<vmem>>
      %dma_start3A_438 = arith.constant 0 : i32
      %dma_start3A_439 = tpu.memref_slice %arg4[%dma_start3A_438, %multiple_of3A_431] : memref<32x1000000xf32, #tpu.memory_space<hbm>> -> memref<32x128xf32, #tpu.memory_space<hbm>>
      %dma_start3A_440 = arith.constant 0 : i32
      %dma_start3A_441 = arith.constant 0 : i32
      %dma_start3A_442 = tpu.memref_slice %arg9[%dma_start3A_440, %dma_start3A_441] : memref<32x512xf32, #tpu.memory_space<vmem>> -> memref<32x128xf32, #tpu.memory_space<vmem>>
      %dma_start3A_443 = arith.constant 0 : i32
      %dma_start3A_444 = tpu.memref_slice %arg4[%dma_start3A_443, %multiple_of3A_431] : memref<32x1000000xf32, #tpu.memory_space<hbm>> -> memref<32x128xf32, #tpu.memory_space<hbm>>
      tpu.enqueue_dma source(%dma_start3A_444 : memref<32x128xf32, #tpu.memory_space<hbm>>) target(%dma_start3A_442 : memref<32x128xf32, #tpu.memory_space<vmem>>) target_semaphore(%arg14 : memref<!tpu.dma_semaphore, #tpu.memory_space<semaphore_mem>>)
      %dma_start3A_445 = arith.constant 0 : i32
      %dma_start3A_446 = arith.constant 0 : i32
      %dma_start3A_447 = tpu.memref_slice %arg10[%dma_start3A_445, %dma_start3A_446] : memref<32x512xf32, #tpu.memory_space<vmem>> -> memref<32x128xf32, #tpu.memory_space<vmem>>
      %dma_start3A_448 = arith.constant 0 : i32
      %dma_start3A_449 = tpu.memref_slice %arg5[%dma_start3A_448, %multiple_of3A_434] : memref<32x1000000xf32, #tpu.memory_space<hbm>> -> memref<32x128xf32, #tpu.memory_space<hbm>>
      %dma_start3A_450 = arith.constant 0 : i32
      %dma_start3A_451 = arith.constant 0 : i32
      %dma_start3A_452 = tpu.memref_slice %arg10[%dma_start3A_450, %dma_start3A_451] : memref<32x512xf32, #tpu.memory_space<vmem>> -> memref<32x128xf32, #tpu.memory_space<vmem>>
      %dma_start3A_453 = arith.constant 0 : i32
      %dma_start3A_454 = tpu.memref_slice %arg5[%dma_start3A_453, %multiple_of3A_434] : memref<32x1000000xf32, #tpu.memory_space<hbm>> -> memref<32x128xf32, #tpu.memory_space<hbm>>
      tpu.enqueue_dma source(%dma_start3A_454 : memref<32x128xf32, #tpu.memory_space<hbm>>) target(%dma_start3A_452 : memref<32x128xf32, #tpu.memory_space<vmem>>) target_semaphore(%arg14 : memref<!tpu.dma_semaphore, #tpu.memory_space<semaphore_mem>>)
      %slice3A_455 = vector.extract_strided_slice %min3A_416 {offsets = [1], sizes = [1], strides = [1]} : vector<16xi32> to vector<1xi32>
      %squeeze3A_456 = vector.extract %slice3A_455[0] : i32 from vector<1xi32>
      %multiple_of3A_457 = tpu.assume_multiple %squeeze3A_456, 128 : i32
      %slice3A_458 = vector.extract_strided_slice %min3A_428 {offsets = [1], sizes = [1], strides = [1]} : vector<16xi32> to vector<1xi32>
      %squeeze3A_459 = vector.extract %slice3A_458[0] : i32 from vector<1xi32>
      %multiple_of3A_460 = tpu.assume_multiple %squeeze3A_459, 128 : i32
      %dma_start3A_461 = arith.constant 0 : i32
      %dma_start3A_462 = arith.constant 128 : i32
      %dma_start3A_463 = tpu.memref_slice %arg9[%dma_start3A_461, %dma_start3A_462] : memref<32x512xf32, #tpu.memory_space<vmem>> -> memref<32x128xf32, #tpu.memory_space<vmem>>
      %dma_start3A_464 = arith.constant 0 : i32
      %dma_start3A_465 = tpu.memref_slice %arg4[%dma_start3A_464, %multiple_of3A_457] : memref<32x1000000xf32, #tpu.memory_space<hbm>> -> memref<32x128xf32, #tpu.memory_space<hbm>>
      %dma_start3A_466 = arith.constant 0 : i32
      %dma_start3A_467 = arith.constant 128 : i32
      %dma_start3A_468 = tpu.memref_slice %arg9[%dma_start3A_466, %dma_start3A_467] : memref<32x512xf32, #tpu.memory_space<vmem>> -> memref<32x128xf32, #tpu.memory_space<vmem>>
      %dma_start3A_469 = arith.constant 0 : i32
      %dma_start3A_470 = tpu.memref_slice %arg4[%dma_start3A_469, %multiple_of3A_457] : memref<32x1000000xf32, #tpu.memory_space<hbm>> -> memref<32x128xf32, #tpu.memory_space<hbm>>
      tpu.enqueue_dma source(%dma_start3A_470 : memref<32x128xf32, #tpu.memory_space<hbm>>) target(%dma_start3A_468 : memref<32x128xf32, #tpu.memory_space<vmem>>) target_semaphore(%arg14 : memref<!tpu.dma_semaphore, #tpu.memory_space<semaphore_mem>>)
      %dma_start3A_471 = arith.constant 0 : i32
      %dma_start3A_472 = arith.constant 128 : i32
      %dma_start3A_473 = tpu.memref_slice %arg10[%dma_start3A_471, %dma_start3A_472] : memref<32x512xf32, #tpu.memory_space<vmem>> -> memref<32x128xf32, #tpu.memory_space<vmem>>
      %dma_start3A_474 = arith.constant 0 : i32
      %dma_start3A_475 = tpu.memref_slice %arg5[%dma_start3A_474, %multiple_of3A_460] : memref<32x1000000xf32, #tpu.memory_space<hbm>> -> memref<32x128xf32, #tpu.memory_space<hbm>>
      %dma_start3A_476 = arith.constant 0 : i32
      %dma_start3A_477 = arith.constant 128 : i32
      %dma_start3A_478 = tpu.memref_slice %arg10[%dma_start3A_476, %dma_start3A_477] : memref<32x512xf32, #tpu.memory_space<vmem>> -> memref<32x128xf32, #tpu.memory_space<vmem>>
      %dma_start3A_479 = arith.constant 0 : i32
      %dma_start3A_480 = tpu.memref_slice %arg5[%dma_start3A_479, %multiple_of3A_460] : memref<32x1000000xf32, #tpu.memory_space<hbm>> -> memref<32x128xf32, #tpu.memory_space<hbm>>
      tpu.enqueue_dma source(%dma_start3A_480 : memref<32x128xf32, #tpu.memory_space<hbm>>) target(%dma_start3A_478 : memref<32x128xf32, #tpu.memory_space<vmem>>) target_semaphore(%arg14 : memref<!tpu.dma_semaphore, #tpu.memory_space<semaphore_mem>>)
      %slice3A_481 = vector.extract_strided_slice %min3A_416 {offsets = [2], sizes = [1], strides = [1]} : vector<16xi32> to vector<1xi32>
      %squeeze3A_482 = vector.extract %slice3A_481[0] : i32 from vector<1xi32>
      %multiple_of3A_483 = tpu.assume_multiple %squeeze3A_482, 128 : i32
      %slice3A_484 = vector.extract_strided_slice %min3A_428 {offsets = [2], sizes = [1], strides = [1]} : vector<16xi32> to vector<1xi32>
      %squeeze3A_485 = vector.extract %slice3A_484[0] : i32 from vector<1xi32>
      %multiple_of3A_486 = tpu.assume_multiple %squeeze3A_485, 128 : i32
      %dma_start3A_487 = arith.constant 0 : i32
      %dma_start3A_488 = arith.constant 256 : i32
      %dma_start3A_489 = tpu.memref_slice %arg9[%dma_start3A_487, %dma_start3A_488] : memref<32x512xf32, #tpu.memory_space<vmem>> -> memref<32x128xf32, #tpu.memory_space<vmem>>
      %dma_start3A_490 = arith.constant 0 : i32
      %dma_start3A_491 = tpu.memref_slice %arg4[%dma_start3A_490, %multiple_of3A_483] : memref<32x1000000xf32, #tpu.memory_space<hbm>> -> memref<32x128xf32, #tpu.memory_space<hbm>>
      %dma_start3A_492 = arith.constant 0 : i32
      %dma_start3A_493 = arith.constant 256 : i32
      %dma_start3A_494 = tpu.memref_slice %arg9[%dma_start3A_492, %dma_start3A_493] : memref<32x512xf32, #tpu.memory_space<vmem>> -> memref<32x128xf32, #tpu.memory_space<vmem>>
      %dma_start3A_495 = arith.constant 0 : i32
      %dma_start3A_496 = tpu.memref_slice %arg4[%dma_start3A_495, %multiple_of3A_483] : memref<32x1000000xf32, #tpu.memory_space<hbm>> -> memref<32x128xf32, #tpu.memory_space<hbm>>
      tpu.enqueue_dma source(%dma_start3A_496 : memref<32x128xf32, #tpu.memory_space<hbm>>) target(%dma_start3A_494 : memref<32x128xf32, #tpu.memory_space<vmem>>) target_semaphore(%arg14 : memref<!tpu.dma_semaphore, #tpu.memory_space<semaphore_mem>>)
      %dma_start3A_497 = arith.constant 0 : i32
      %dma_start3A_498 = arith.constant 256 : i32
      %dma_start3A_499 = tpu.memref_slice %arg10[%dma_start3A_497, %dma_start3A_498] : memref<32x512xf32, #tpu.memory_space<vmem>> -> memref<32x128xf32, #tpu.memory_space<vmem>>
      %dma_start3A_500 = arith.constant 0 : i32
      %dma_start3A_501 = tpu.memref_slice %arg5[%dma_start3A_500, %multiple_of3A_486] : memref<32x1000000xf32, #tpu.memory_space<hbm>> -> memref<32x128xf32, #tpu.memory_space<hbm>>
      %dma_start3A_502 = arith.constant 0 : i32
      %dma_start3A_503 = arith.constant 256 : i32
      %dma_start3A_504 = tpu.memref_slice %arg10[%dma_start3A_502, %dma_start3A_503] : memref<32x512xf32, #tpu.memory_space<vmem>> -> memref<32x128xf32, #tpu.memory_space<vmem>>
      %dma_start3A_505 = arith.constant 0 : i32
      %dma_start3A_506 = tpu.memref_slice %arg5[%dma_start3A_505, %multiple_of3A_486] : memref<32x1000000xf32, #tpu.memory_space<hbm>> -> memref<32x128xf32, #tpu.memory_space<hbm>>
      tpu.enqueue_dma source(%dma_start3A_506 : memref<32x128xf32, #tpu.memory_space<hbm>>) target(%dma_start3A_504 : memref<32x128xf32, #tpu.memory_space<vmem>>) target_semaphore(%arg14 : memref<!tpu.dma_semaphore, #tpu.memory_space<semaphore_mem>>)
      %slice3A_507 = vector.extract_strided_slice %min3A_416 {offsets = [3], sizes = [1], strides = [1]} : vector<16xi32> to vector<1xi32>
      %squeeze3A_508 = vector.extract %slice3A_507[0] : i32 from vector<1xi32>
      %multiple_of3A_509 = tpu.assume_multiple %squeeze3A_508, 128 : i32
      %slice3A_510 = vector.extract_strided_slice %min3A_428 {offsets = [3], sizes = [1], strides = [1]} : vector<16xi32> to vector<1xi32>
      %squeeze3A_511 = vector.extract %slice3A_510[0] : i32 from vector<1xi32>
      %multiple_of3A_512 = tpu.assume_multiple %squeeze3A_511, 128 : i32
      %dma_start3A_513 = arith.constant 0 : i32
      %dma_start3A_514 = arith.constant 384 : i32
      %dma_start3A_515 = tpu.memref_slice %arg9[%dma_start3A_513, %dma_start3A_514] : memref<32x512xf32, #tpu.memory_space<vmem>> -> memref<32x128xf32, #tpu.memory_space<vmem>>
      %dma_start3A_516 = arith.constant 0 : i32
      %dma_start3A_517 = tpu.memref_slice %arg4[%dma_start3A_516, %multiple_of3A_509] : memref<32x1000000xf32, #tpu.memory_space<hbm>> -> memref<32x128xf32, #tpu.memory_space<hbm>>
      %dma_start3A_518 = arith.constant 0 : i32
      %dma_start3A_519 = arith.constant 384 : i32
      %dma_start3A_520 = tpu.memref_slice %arg9[%dma_start3A_518, %dma_start3A_519] : memref<32x512xf32, #tpu.memory_space<vmem>> -> memref<32x128xf32, #tpu.memory_space<vmem>>
      %dma_start3A_521 = arith.constant 0 : i32
      %dma_start3A_522 = tpu.memref_slice %arg4[%dma_start3A_521, %multiple_of3A_509] : memref<32x1000000xf32, #tpu.memory_space<hbm>> -> memref<32x128xf32, #tpu.memory_space<hbm>>
      tpu.enqueue_dma source(%dma_start3A_522 : memref<32x128xf32, #tpu.memory_space<hbm>>) target(%dma_start3A_520 : memref<32x128xf32, #tpu.memory_space<vmem>>) target_semaphore(%arg14 : memref<!tpu.dma_semaphore, #tpu.memory_space<semaphore_mem>>)
      %dma_start3A_523 = arith.constant 0 : i32
      %dma_start3A_524 = arith.constant 384 : i32
      %dma_start3A_525 = tpu.memref_slice %arg10[%dma_start3A_523, %dma_start3A_524] : memref<32x512xf32, #tpu.memory_space<vmem>> -> memref<32x128xf32, #tpu.memory_space<vmem>>
      %dma_start3A_526 = arith.constant 0 : i32
      %dma_start3A_527 = tpu.memref_slice %arg5[%dma_start3A_526, %multiple_of3A_512] : memref<32x1000000xf32, #tpu.memory_space<hbm>> -> memref<32x128xf32, #tpu.memory_space<hbm>>
      %dma_start3A_528 = arith.constant 0 : i32
      %dma_start3A_529 = arith.constant 384 : i32
      %dma_start3A_530 = tpu.memref_slice %arg10[%dma_start3A_528, %dma_start3A_529] : memref<32x512xf32, #tpu.memory_space<vmem>> -> memref<32x128xf32, #tpu.memory_space<vmem>>
      %dma_start3A_531 = arith.constant 0 : i32
      %dma_start3A_532 = tpu.memref_slice %arg5[%dma_start3A_531, %multiple_of3A_512] : memref<32x1000000xf32, #tpu.memory_space<hbm>> -> memref<32x128xf32, #tpu.memory_space<hbm>>
      tpu.enqueue_dma source(%dma_start3A_532 : memref<32x128xf32, #tpu.memory_space<hbm>>) target(%dma_start3A_530 : memref<32x128xf32, #tpu.memory_space<vmem>>) target_semaphore(%arg14 : memref<!tpu.dma_semaphore, #tpu.memory_space<semaphore_mem>>)
      %dma_wait3A_533 = arith.constant 0 : i32
      %dma_wait3A_534 = arith.constant 0 : i32
      %dma_wait3A_535 = tpu.memref_slice %arg4[%dma_wait3A_533, %dma_wait3A_534] : memref<32x1000000xf32, #tpu.memory_space<hbm>> -> memref<32x512xf32, #tpu.memory_space<hbm>>
      %dma_wait3A_536 = arith.constant 0 : i32
      %dma_wait3A_537 = arith.constant 0 : i32
      %dma_wait3A_538 = tpu.memref_slice %arg4[%dma_wait3A_536, %dma_wait3A_537] : memref<32x1000000xf32, #tpu.memory_space<hbm>> -> memref<32x512xf32, #tpu.memory_space<hbm>>
      tpu.wait_dma2 semaphore(%arg15 : memref<!tpu.dma_semaphore, #tpu.memory_space<semaphore_mem>>) src(%dma_wait3A_538 : memref<32x512xf32, #tpu.memory_space<hbm>>) dst(%arg11 : memref<32x512xf32, #tpu.memory_space<vmem>>)
      %dma_wait3A_539 = arith.constant 0 : i32
      %dma_wait3A_540 = arith.constant 0 : i32
      %dma_wait3A_541 = tpu.memref_slice %arg5[%dma_wait3A_539, %dma_wait3A_540] : memref<32x1000000xf32, #tpu.memory_space<hbm>> -> memref<32x512xf32, #tpu.memory_space<hbm>>
      %dma_wait3A_542 = arith.constant 0 : i32
      %dma_wait3A_543 = arith.constant 0 : i32
      %dma_wait3A_544 = tpu.memref_slice %arg5[%dma_wait3A_542, %dma_wait3A_543] : memref<32x1000000xf32, #tpu.memory_space<hbm>> -> memref<32x512xf32, #tpu.memory_space<hbm>>
      tpu.wait_dma2 semaphore(%arg15 : memref<!tpu.dma_semaphore, #tpu.memory_space<semaphore_mem>>) src(%dma_wait3A_544 : memref<32x512xf32, #tpu.memory_space<hbm>>) dst(%arg12 : memref<32x512xf32, #tpu.memory_space<vmem>>)
      %mul3A_545 = arith.constant 4 : i32
      %mul3A_546 = arith.muli %add3A_396, %mul3A_545 : i32
      %get3A_547 = arith.index_cast %mul3A_546 : i32 to index
      %get3A_548 = tpu.vector_load %arg7[%get3A_547] {strides = array<i32>} : memref<528xi32, #tpu.memory_space<vmem>>, vector<16xi32>,
      %get3A_549 = arith.index_cast %mul3A_546 : i32 to index
      %get3A_550 = tpu.vector_load %arg8[%get3A_549] {strides = array<i32>} : memref<528xi32, #tpu.memory_space<vmem>>, vector<16xi32>,
      %and3A_551 = arith.constant 127 : i32
      %and3A_552 = vector.broadcast %and3A_551 : i32 to vector<16xi32>
      %and3A_553 = arith.andi %get3A_548, %and3A_552 : vector<16xi32>
      %and3A_554 = arith.constant 127 : i32
      %and3A_555 = vector.broadcast %and3A_554 : i32 to vector<16xi32>
      %and3A_556 = arith.andi %get3A_550, %and3A_555 : vector<16xi32>
      %slice3A_557 = vector.extract_strided_slice %and3A_553 {offsets = [0], sizes = [1], strides = [1]} : vector<16xi32> to vector<1xi32>
      %squeeze3A_558 = vector.extract %slice3A_557[0] : i32 from vector<1xi32>
      %add3A_559 = arith.constant 0 : i32
      %add3A_560 = arith.addi %squeeze3A_558, %add3A_559 : i32
      %broadcast_in_dim3A_561 = vector.broadcast %add3A_560 : i32 to vector<16xi32>
      %slice3A_562 = vector.extract_strided_slice %and3A_556 {offsets = [0], sizes = [1], strides = [1]} : vector<16xi32> to vector<1xi32>
      %squeeze3A_563 = vector.extract %slice3A_562[0] : i32 from vector<1xi32>
      %add3A_564 = arith.constant 0 : i32
      %add3A_565 = arith.addi %squeeze3A_563, %add3A_564 : i32
      %broadcast_in_dim3A_566 = vector.broadcast %add3A_565 : i32 to vector<16xi32>
      %gather3A_567 = tpu.vector_load_idx %arg11[%iota3A, %broadcast_in_dim3A_561] : memref<32x512xf32, #tpu.memory_space<vmem>>[vector<16xi32>, vector<16xi32>], vector<16xf32>,
      %add3A_568 = arith.constant 16 : i32
      %add3A_569 = vector.broadcast %add3A_568 : i32 to vector<16xi32>
      %add3A_570 = arith.addi %iota3A, %add3A_569 : vector<16xi32>
      %gather3A_571 = tpu.vector_load_idx %arg11[%add3A_570, %broadcast_in_dim3A_561] : memref<32x512xf32, #tpu.memory_space<vmem>>[vector<16xi32>, vector<16xi32>], vector<16xf32>,
      %gather3A_572 = tpu.vector_load_idx %arg12[%iota3A, %broadcast_in_dim3A_566] : memref<32x512xf32, #tpu.memory_space<vmem>>[vector<16xi32>, vector<16xi32>], vector<16xf32>,
      %add3A_573 = arith.constant 16 : i32
      %add3A_574 = vector.broadcast %add3A_573 : i32 to vector<16xi32>
      %add3A_575 = arith.addi %iota3A, %add3A_574 : vector<16xi32>
      %gather3A_576 = tpu.vector_load_idx %arg12[%add3A_575, %broadcast_in_dim3A_566] : memref<32x512xf32, #tpu.memory_space<vmem>>[vector<16xi32>, vector<16xi32>], vector<16xf32>,
      %mul3A_577 = arith.mulf %gather3A_567, %gather3A_572 : vector<16xf32>
      %mul3A_578 = arith.mulf %gather3A_571, %gather3A_576 : vector<16xf32>
      %add3A_579 = arith.addf %mul3A_577, %mul3A_578 : vector<16xf32>
      %slice3A_580 = vector.extract_strided_slice %and3A_553 {offsets = [1], sizes = [1], strides = [1]} : vector<16xi32> to vector<1xi32>
      %squeeze3A_581 = vector.extract %slice3A_580[0] : i32 from vector<1xi32>
      %add3A_582 = arith.constant 128 : i32
      %add3A_583 = arith.addi %squeeze3A_581, %add3A_582 : i32
      %broadcast_in_dim3A_584 = vector.broadcast %add3A_583 : i32 to vector<16xi32>
      %slice3A_585 = vector.extract_strided_slice %and3A_556 {offsets = [1], sizes = [1], strides = [1]} : vector<16xi32> to vector<1xi32>
      %squeeze3A_586 = vector.extract %slice3A_585[0] : i32 from vector<1xi32>
      %add3A_587 = arith.constant 128 : i32
      %add3A_588 = arith.addi %squeeze3A_586, %add3A_587 : i32
      %broadcast_in_dim3A_589 = vector.broadcast %add3A_588 : i32 to vector<16xi32>
      %gather3A_590 = tpu.vector_load_idx %arg11[%iota3A, %broadcast_in_dim3A_584] : memref<32x512xf32, #tpu.memory_space<vmem>>[vector<16xi32>, vector<16xi32>], vector<16xf32>,
      %add3A_591 = arith.constant 16 : i32
      %add3A_592 = vector.broadcast %add3A_591 : i32 to vector<16xi32>
      %add3A_593 = arith.addi %iota3A, %add3A_592 : vector<16xi32>
      %gather3A_594 = tpu.vector_load_idx %arg11[%add3A_593, %broadcast_in_dim3A_584] : memref<32x512xf32, #tpu.memory_space<vmem>>[vector<16xi32>, vector<16xi32>], vector<16xf32>,
      %gather3A_595 = tpu.vector_load_idx %arg12[%iota3A, %broadcast_in_dim3A_589] : memref<32x512xf32, #tpu.memory_space<vmem>>[vector<16xi32>, vector<16xi32>], vector<16xf32>,
      %add3A_596 = arith.constant 16 : i32
      %add3A_597 = vector.broadcast %add3A_596 : i32 to vector<16xi32>
      %add3A_598 = arith.addi %iota3A, %add3A_597 : vector<16xi32>
      %gather3A_599 = tpu.vector_load_idx %arg12[%add3A_598, %broadcast_in_dim3A_589] : memref<32x512xf32, #tpu.memory_space<vmem>>[vector<16xi32>, vector<16xi32>], vector<16xf32>,
      %mul3A_600 = arith.mulf %gather3A_590, %gather3A_595 : vector<16xf32>
      %mul3A_601 = arith.mulf %gather3A_594, %gather3A_599 : vector<16xf32>
      %add3A_602 = arith.addf %mul3A_600, %mul3A_601 : vector<16xf32>
      %slice3A_603 = vector.extract_strided_slice %and3A_553 {offsets = [2], sizes = [1], strides = [1]} : vector<16xi32> to vector<1xi32>
      %squeeze3A_604 = vector.extract %slice3A_603[0] : i32 from vector<1xi32>
      %add3A_605 = arith.constant 256 : i32
      %add3A_606 = arith.addi %squeeze3A_604, %add3A_605 : i32
      %broadcast_in_dim3A_607 = vector.broadcast %add3A_606 : i32 to vector<16xi32>
      %slice3A_608 = vector.extract_strided_slice %and3A_556 {offsets = [2], sizes = [1], strides = [1]} : vector<16xi32> to vector<1xi32>
      %squeeze3A_609 = vector.extract %slice3A_608[0] : i32 from vector<1xi32>
      %add3A_610 = arith.constant 256 : i32
      %add3A_611 = arith.addi %squeeze3A_609, %add3A_610 : i32
      %broadcast_in_dim3A_612 = vector.broadcast %add3A_611 : i32 to vector<16xi32>
      %gather3A_613 = tpu.vector_load_idx %arg11[%iota3A, %broadcast_in_dim3A_607] : memref<32x512xf32, #tpu.memory_space<vmem>>[vector<16xi32>, vector<16xi32>], vector<16xf32>,
      %add3A_614 = arith.constant 16 : i32
      %add3A_615 = vector.broadcast %add3A_614 : i32 to vector<16xi32>
      %add3A_616 = arith.addi %iota3A, %add3A_615 : vector<16xi32>
      %gather3A_617 = tpu.vector_load_idx %arg11[%add3A_616, %broadcast_in_dim3A_607] : memref<32x512xf32, #tpu.memory_space<vmem>>[vector<16xi32>, vector<16xi32>], vector<16xf32>,
      %gather3A_618 = tpu.vector_load_idx %arg12[%iota3A, %broadcast_in_dim3A_612] : memref<32x512xf32, #tpu.memory_space<vmem>>[vector<16xi32>, vector<16xi32>], vector<16xf32>,
      %add3A_619 = arith.constant 16 : i32
      %add3A_620 = vector.broadcast %add3A_619 : i32 to vector<16xi32>
      %add3A_621 = arith.addi %iota3A, %add3A_620 : vector<16xi32>
      %gather3A_622 = tpu.vector_load_idx %arg12[%add3A_621, %broadcast_in_dim3A_612] : memref<32x512xf32, #tpu.memory_space<vmem>>[vector<16xi32>, vector<16xi32>], vector<16xf32>,
      %mul3A_623 = arith.mulf %gather3A_613, %gather3A_618 : vector<16xf32>
      %mul3A_624 = arith.mulf %gather3A_617, %gather3A_622 : vector<16xf32>
      %add3A_625 = arith.addf %mul3A_623, %mul3A_624 : vector<16xf32>
      %slice3A_626 = vector.extract_strided_slice %and3A_553 {offsets = [3], sizes = [1], strides = [1]} : vector<16xi32> to vector<1xi32>
      %squeeze3A_627 = vector.extract %slice3A_626[0] : i32 from vector<1xi32>
      %add3A_628 = arith.constant 384 : i32
      %add3A_629 = arith.addi %squeeze3A_627, %add3A_628 : i32
      %broadcast_in_dim3A_630 = vector.broadcast %add3A_629 : i32 to vector<16xi32>
      %slice3A_631 = vector.extract_strided_slice %and3A_556 {offsets = [3], sizes = [1], strides = [1]} : vector<16xi32> to vector<1xi32>
      %squeeze3A_632 = vector.extract %slice3A_631[0] : i32 from vector<1xi32>
      %add3A_633 = arith.constant 384 : i32
      %add3A_634 = arith.addi %squeeze3A_632, %add3A_633 : i32
      %broadcast_in_dim3A_635 = vector.broadcast %add3A_634 : i32 to vector<16xi32>
      %gather3A_636 = tpu.vector_load_idx %arg11[%iota3A, %broadcast_in_dim3A_630] : memref<32x512xf32, #tpu.memory_space<vmem>>[vector<16xi32>, vector<16xi32>], vector<16xf32>,
      %add3A_637 = arith.constant 16 : i32
      %add3A_638 = vector.broadcast %add3A_637 : i32 to vector<16xi32>
      %add3A_639 = arith.addi %iota3A, %add3A_638 : vector<16xi32>
      %gather3A_640 = tpu.vector_load_idx %arg11[%add3A_639, %broadcast_in_dim3A_630] : memref<32x512xf32, #tpu.memory_space<vmem>>[vector<16xi32>, vector<16xi32>], vector<16xf32>,
      %gather3A_641 = tpu.vector_load_idx %arg12[%iota3A, %broadcast_in_dim3A_635] : memref<32x512xf32, #tpu.memory_space<vmem>>[vector<16xi32>, vector<16xi32>], vector<16xf32>,
      %add3A_642 = arith.constant 16 : i32
      %add3A_643 = vector.broadcast %add3A_642 : i32 to vector<16xi32>
      %add3A_644 = arith.addi %iota3A, %add3A_643 : vector<16xi32>
      %gather3A_645 = tpu.vector_load_idx %arg12[%add3A_644, %broadcast_in_dim3A_635] : memref<32x512xf32, #tpu.memory_space<vmem>>[vector<16xi32>, vector<16xi32>], vector<16xf32>,
      %mul3A_646 = arith.mulf %gather3A_636, %gather3A_641 : vector<16xf32>
      %mul3A_647 = arith.mulf %gather3A_640, %gather3A_645 : vector<16xf32>
      %add3A_648 = arith.addf %mul3A_646, %mul3A_647 : vector<16xf32>
      %add3A_649 = arith.constant 2 : i32
      %add3A_650 = arith.addi %mul3A_143, %add3A_649 : i32
      %add3A_651 = arith.constant 1 : i32
      %add3A_652 = arith.addi %add3A_650, %add3A_651 : i32
      %mul3A_653 = arith.constant 4 : i32
      %mul3A_654 = arith.muli %add3A_652, %mul3A_653 : i32
      %get3A_655 = arith.index_cast %mul3A_654 : i32 to index
      %get3A_656 = tpu.vector_load %arg7[%get3A_655] {strides = array<i32>} : memref<528xi32, #tpu.memory_space<vmem>>, vector<16xi32>,
      %get3A_657 = arith.index_cast %mul3A_654 : i32 to index
      %get3A_658 = tpu.vector_load %arg8[%get3A_657] {strides = array<i32>} : memref<528xi32, #tpu.memory_space<vmem>>, vector<16xi32>,
      %shift_right_arithmetic3A_659 = arith.constant 7 : i32
      %shift_right_arithmetic3A_660 = vector.broadcast %shift_right_arithmetic3A_659 : i32 to vector<16xi32>
      %shift_right_arithmetic3A_661 = arith.shrsi %get3A_656, %shift_right_arithmetic3A_660 : vector<16xi32>
      %shift_left3A_662 = arith.constant 7 : i32
      %shift_left3A_663 = vector.broadcast %shift_left3A_662 : i32 to vector<16xi32>
      %shift_left3A_664 = arith.shli %shift_right_arithmetic3A_661, %shift_left3A_663 : vector<16xi32>
      %jit3A_665 = arith.constant 0 : i32
      %jit3A_666 = arith.constant 999936 : i32
      %max3A_667 = vector.broadcast %jit3A_665 : i32 to vector<16xi32>
      %max3A_668 = arith.maxsi %max3A_667, %shift_left3A_664 : vector<16xi32>
      %min3A_669 = vector.broadcast %jit3A_666 : i32 to vector<16xi32>
      %min3A_670 = arith.minsi %min3A_669, %max3A_668 : vector<16xi32>
      %shift_right_arithmetic3A_671 = arith.constant 7 : i32
      %shift_right_arithmetic3A_672 = vector.broadcast %shift_right_arithmetic3A_671 : i32 to vector<16xi32>
      %shift_right_arithmetic3A_673 = arith.shrsi %get3A_658, %shift_right_arithmetic3A_672 : vector<16xi32>
      %shift_left3A_674 = arith.constant 7 : i32
      %shift_left3A_675 = vector.broadcast %shift_left3A_674 : i32 to vector<16xi32>
      %shift_left3A_676 = arith.shli %shift_right_arithmetic3A_673, %shift_left3A_675 : vector<16xi32>
      %jit3A_677 = arith.constant 0 : i32
      %jit3A_678 = arith.constant 999936 : i32
      %max3A_679 = vector.broadcast %jit3A_677 : i32 to vector<16xi32>
      %max3A_680 = arith.maxsi %max3A_679, %shift_left3A_676 : vector<16xi32>
      %min3A_681 = vector.broadcast %jit3A_678 : i32 to vector<16xi32>
      %min3A_682 = arith.minsi %min3A_681, %max3A_680 : vector<16xi32>
      %slice3A_683 = vector.extract_strided_slice %min3A_670 {offsets = [0], sizes = [1], strides = [1]} : vector<16xi32> to vector<1xi32>
      %squeeze3A_684 = vector.extract %slice3A_683[0] : i32 from vector<1xi32>
      %multiple_of3A_685 = tpu.assume_multiple %squeeze3A_684, 128 : i32
      %slice3A_686 = vector.extract_strided_slice %min3A_682 {offsets = [0], sizes = [1], strides = [1]} : vector<16xi32> to vector<1xi32>
      %squeeze3A_687 = vector.extract %slice3A_686[0] : i32 from vector<1xi32>
      %multiple_of3A_688 = tpu.assume_multiple %squeeze3A_687, 128 : i32
      %dma_start3A_689 = arith.constant 0 : i32
      %dma_start3A_690 = arith.constant 0 : i32
      %dma_start3A_691 = tpu.memref_slice %arg11[%dma_start3A_689, %dma_start3A_690] : memref<32x512xf32, #tpu.memory_space<vmem>> -> memref<32x128xf32, #tpu.memory_space<vmem>>
      %dma_start3A_692 = arith.constant 0 : i32
      %dma_start3A_693 = tpu.memref_slice %arg4[%dma_start3A_692, %multiple_of3A_685] : memref<32x1000000xf32, #tpu.memory_space<hbm>> -> memref<32x128xf32, #tpu.memory_space<hbm>>
      %dma_start3A_694 = arith.constant 0 : i32
      %dma_start3A_695 = arith.constant 0 : i32
      %dma_start3A_696 = tpu.memref_slice %arg11[%dma_start3A_694, %dma_start3A_695] : memref<32x512xf32, #tpu.memory_space<vmem>> -> memref<32x128xf32, #tpu.memory_space<vmem>>
      %dma_start3A_697 = arith.constant 0 : i32
      %dma_start3A_698 = tpu.memref_slice %arg4[%dma_start3A_697, %multiple_of3A_685] : memref<32x1000000xf32, #tpu.memory_space<hbm>> -> memref<32x128xf32, #tpu.memory_space<hbm>>
      tpu.enqueue_dma source(%dma_start3A_698 : memref<32x128xf32, #tpu.memory_space<hbm>>) target(%dma_start3A_696 : memref<32x128xf32, #tpu.memory_space<vmem>>) target_semaphore(%arg15 : memref<!tpu.dma_semaphore, #tpu.memory_space<semaphore_mem>>)
      %dma_start3A_699 = arith.constant 0 : i32
      %dma_start3A_700 = arith.constant 0 : i32
      %dma_start3A_701 = tpu.memref_slice %arg12[%dma_start3A_699, %dma_start3A_700] : memref<32x512xf32, #tpu.memory_space<vmem>> -> memref<32x128xf32, #tpu.memory_space<vmem>>
      %dma_start3A_702 = arith.constant 0 : i32
      %dma_start3A_703 = tpu.memref_slice %arg5[%dma_start3A_702, %multiple_of3A_688] : memref<32x1000000xf32, #tpu.memory_space<hbm>> -> memref<32x128xf32, #tpu.memory_space<hbm>>
      %dma_start3A_704 = arith.constant 0 : i32
      %dma_start3A_705 = arith.constant 0 : i32
      %dma_start3A_706 = tpu.memref_slice %arg12[%dma_start3A_704, %dma_start3A_705] : memref<32x512xf32, #tpu.memory_space<vmem>> -> memref<32x128xf32, #tpu.memory_space<vmem>>
      %dma_start3A_707 = arith.constant 0 : i32
      %dma_start3A_708 = tpu.memref_slice %arg5[%dma_start3A_707, %multiple_of3A_688] : memref<32x1000000xf32, #tpu.memory_space<hbm>> -> memref<32x128xf32, #tpu.memory_space<hbm>>
      tpu.enqueue_dma source(%dma_start3A_708 : memref<32x128xf32, #tpu.memory_space<hbm>>) target(%dma_start3A_706 : memref<32x128xf32, #tpu.memory_space<vmem>>) target_semaphore(%arg15 : memref<!tpu.dma_semaphore, #tpu.memory_space<semaphore_mem>>)
      %slice3A_709 = vector.extract_strided_slice %min3A_670 {offsets = [1], sizes = [1], strides = [1]} : vector<16xi32> to vector<1xi32>
      %squeeze3A_710 = vector.extract %slice3A_709[0] : i32 from vector<1xi32>
      %multiple_of3A_711 = tpu.assume_multiple %squeeze3A_710, 128 : i32
      %slice3A_712 = vector.extract_strided_slice %min3A_682 {offsets = [1], sizes = [1], strides = [1]} : vector<16xi32> to vector<1xi32>
      %squeeze3A_713 = vector.extract %slice3A_712[0] : i32 from vector<1xi32>
      %multiple_of3A_714 = tpu.assume_multiple %squeeze3A_713, 128 : i32
      %dma_start3A_715 = arith.constant 0 : i32
      %dma_start3A_716 = arith.constant 128 : i32
      %dma_start3A_717 = tpu.memref_slice %arg11[%dma_start3A_715, %dma_start3A_716] : memref<32x512xf32, #tpu.memory_space<vmem>> -> memref<32x128xf32, #tpu.memory_space<vmem>>
      %dma_start3A_718 = arith.constant 0 : i32
      %dma_start3A_719 = tpu.memref_slice %arg4[%dma_start3A_718, %multiple_of3A_711] : memref<32x1000000xf32, #tpu.memory_space<hbm>> -> memref<32x128xf32, #tpu.memory_space<hbm>>
      %dma_start3A_720 = arith.constant 0 : i32
      %dma_start3A_721 = arith.constant 128 : i32
      %dma_start3A_722 = tpu.memref_slice %arg11[%dma_start3A_720, %dma_start3A_721] : memref<32x512xf32, #tpu.memory_space<vmem>> -> memref<32x128xf32, #tpu.memory_space<vmem>>
      %dma_start3A_723 = arith.constant 0 : i32
      %dma_start3A_724 = tpu.memref_slice %arg4[%dma_start3A_723, %multiple_of3A_711] : memref<32x1000000xf32, #tpu.memory_space<hbm>> -> memref<32x128xf32, #tpu.memory_space<hbm>>
      tpu.enqueue_dma source(%dma_start3A_724 : memref<32x128xf32, #tpu.memory_space<hbm>>) target(%dma_start3A_722 : memref<32x128xf32, #tpu.memory_space<vmem>>) target_semaphore(%arg15 : memref<!tpu.dma_semaphore, #tpu.memory_space<semaphore_mem>>)
      %dma_start3A_725 = arith.constant 0 : i32
      %dma_start3A_726 = arith.constant 128 : i32
      %dma_start3A_727 = tpu.memref_slice %arg12[%dma_start3A_725, %dma_start3A_726] : memref<32x512xf32, #tpu.memory_space<vmem>> -> memref<32x128xf32, #tpu.memory_space<vmem>>
      %dma_start3A_728 = arith.constant 0 : i32
      %dma_start3A_729 = tpu.memref_slice %arg5[%dma_start3A_728, %multiple_of3A_714] : memref<32x1000000xf32, #tpu.memory_space<hbm>> -> memref<32x128xf32, #tpu.memory_space<hbm>>
      %dma_start3A_730 = arith.constant 0 : i32
      %dma_start3A_731 = arith.constant 128 : i32
      %dma_start3A_732 = tpu.memref_slice %arg12[%dma_start3A_730, %dma_start3A_731] : memref<32x512xf32, #tpu.memory_space<vmem>> -> memref<32x128xf32, #tpu.memory_space<vmem>>
      %dma_start3A_733 = arith.constant 0 : i32
      %dma_start3A_734 = tpu.memref_slice %arg5[%dma_start3A_733, %multiple_of3A_714] : memref<32x1000000xf32, #tpu.memory_space<hbm>> -> memref<32x128xf32, #tpu.memory_space<hbm>>
      tpu.enqueue_dma source(%dma_start3A_734 : memref<32x128xf32, #tpu.memory_space<hbm>>) target(%dma_start3A_732 : memref<32x128xf32, #tpu.memory_space<vmem>>) target_semaphore(%arg15 : memref<!tpu.dma_semaphore, #tpu.memory_space<semaphore_mem>>)
      %slice3A_735 = vector.extract_strided_slice %min3A_670 {offsets = [2], sizes = [1], strides = [1]} : vector<16xi32> to vector<1xi32>
      %squeeze3A_736 = vector.extract %slice3A_735[0] : i32 from vector<1xi32>
      %multiple_of3A_737 = tpu.assume_multiple %squeeze3A_736, 128 : i32
      %slice3A_738 = vector.extract_strided_slice %min3A_682 {offsets = [2], sizes = [1], strides = [1]} : vector<16xi32> to vector<1xi32>
      %squeeze3A_739 = vector.extract %slice3A_738[0] : i32 from vector<1xi32>
      %multiple_of3A_740 = tpu.assume_multiple %squeeze3A_739, 128 : i32
      %dma_start3A_741 = arith.constant 0 : i32
      %dma_start3A_742 = arith.constant 256 : i32
      %dma_start3A_743 = tpu.memref_slice %arg11[%dma_start3A_741, %dma_start3A_742] : memref<32x512xf32, #tpu.memory_space<vmem>> -> memref<32x128xf32, #tpu.memory_space<vmem>>
      %dma_start3A_744 = arith.constant 0 : i32
      %dma_start3A_745 = tpu.memref_slice %arg4[%dma_start3A_744, %multiple_of3A_737] : memref<32x1000000xf32, #tpu.memory_space<hbm>> -> memref<32x128xf32, #tpu.memory_space<hbm>>
      %dma_start3A_746 = arith.constant 0 : i32
      %dma_start3A_747 = arith.constant 256 : i32
      %dma_start3A_748 = tpu.memref_slice %arg11[%dma_start3A_746, %dma_start3A_747] : memref<32x512xf32, #tpu.memory_space<vmem>> -> memref<32x128xf32, #tpu.memory_space<vmem>>
      %dma_start3A_749 = arith.constant 0 : i32
      %dma_start3A_750 = tpu.memref_slice %arg4[%dma_start3A_749, %multiple_of3A_737] : memref<32x1000000xf32, #tpu.memory_space<hbm>> -> memref<32x128xf32, #tpu.memory_space<hbm>>
      tpu.enqueue_dma source(%dma_start3A_750 : memref<32x128xf32, #tpu.memory_space<hbm>>) target(%dma_start3A_748 : memref<32x128xf32, #tpu.memory_space<vmem>>) target_semaphore(%arg15 : memref<!tpu.dma_semaphore, #tpu.memory_space<semaphore_mem>>)
      %dma_start3A_751 = arith.constant 0 : i32
      %dma_start3A_752 = arith.constant 256 : i32
      %dma_start3A_753 = tpu.memref_slice %arg12[%dma_start3A_751, %dma_start3A_752] : memref<32x512xf32, #tpu.memory_space<vmem>> -> memref<32x128xf32, #tpu.memory_space<vmem>>
      %dma_start3A_754 = arith.constant 0 : i32
      %dma_start3A_755 = tpu.memref_slice %arg5[%dma_start3A_754, %multiple_of3A_740] : memref<32x1000000xf32, #tpu.memory_space<hbm>> -> memref<32x128xf32, #tpu.memory_space<hbm>>
      %dma_start3A_756 = arith.constant 0 : i32
      %dma_start3A_757 = arith.constant 256 : i32
      %dma_start3A_758 = tpu.memref_slice %arg12[%dma_start3A_756, %dma_start3A_757] : memref<32x512xf32, #tpu.memory_space<vmem>> -> memref<32x128xf32, #tpu.memory_space<vmem>>
      %dma_start3A_759 = arith.constant 0 : i32
      %dma_start3A_760 = tpu.memref_slice %arg5[%dma_start3A_759, %multiple_of3A_740] : memref<32x1000000xf32, #tpu.memory_space<hbm>> -> memref<32x128xf32, #tpu.memory_space<hbm>>
      tpu.enqueue_dma source(%dma_start3A_760 : memref<32x128xf32, #tpu.memory_space<hbm>>) target(%dma_start3A_758 : memref<32x128xf32, #tpu.memory_space<vmem>>) target_semaphore(%arg15 : memref<!tpu.dma_semaphore, #tpu.memory_space<semaphore_mem>>)
      %slice3A_761 = vector.extract_strided_slice %min3A_670 {offsets = [3], sizes = [1], strides = [1]} : vector<16xi32> to vector<1xi32>
      %squeeze3A_762 = vector.extract %slice3A_761[0] : i32 from vector<1xi32>
      %multiple_of3A_763 = tpu.assume_multiple %squeeze3A_762, 128 : i32
      %slice3A_764 = vector.extract_strided_slice %min3A_682 {offsets = [3], sizes = [1], strides = [1]} : vector<16xi32> to vector<1xi32>
      %squeeze3A_765 = vector.extract %slice3A_764[0] : i32 from vector<1xi32>
      %multiple_of3A_766 = tpu.assume_multiple %squeeze3A_765, 128 : i32
      %dma_start3A_767 = arith.constant 0 : i32
      %dma_start3A_768 = arith.constant 384 : i32
      %dma_start3A_769 = tpu.memref_slice %arg11[%dma_start3A_767, %dma_start3A_768] : memref<32x512xf32, #tpu.memory_space<vmem>> -> memref<32x128xf32, #tpu.memory_space<vmem>>
      %dma_start3A_770 = arith.constant 0 : i32
      %dma_start3A_771 = tpu.memref_slice %arg4[%dma_start3A_770, %multiple_of3A_763] : memref<32x1000000xf32, #tpu.memory_space<hbm>> -> memref<32x128xf32, #tpu.memory_space<hbm>>
      %dma_start3A_772 = arith.constant 0 : i32
      %dma_start3A_773 = arith.constant 384 : i32
      %dma_start3A_774 = tpu.memref_slice %arg11[%dma_start3A_772, %dma_start3A_773] : memref<32x512xf32, #tpu.memory_space<vmem>> -> memref<32x128xf32, #tpu.memory_space<vmem>>
      %dma_start3A_775 = arith.constant 0 : i32
      %dma_start3A_776 = tpu.memref_slice %arg4[%dma_start3A_775, %multiple_of3A_763] : memref<32x1000000xf32, #tpu.memory_space<hbm>> -> memref<32x128xf32, #tpu.memory_space<hbm>>
      tpu.enqueue_dma source(%dma_start3A_776 : memref<32x128xf32, #tpu.memory_space<hbm>>) target(%dma_start3A_774 : memref<32x128xf32, #tpu.memory_space<vmem>>) target_semaphore(%arg15 : memref<!tpu.dma_semaphore, #tpu.memory_space<semaphore_mem>>)
      %dma_start3A_777 = arith.constant 0 : i32
      %dma_start3A_778 = arith.constant 384 : i32
      %dma_start3A_779 = tpu.memref_slice %arg12[%dma_start3A_777, %dma_start3A_778] : memref<32x512xf32, #tpu.memory_space<vmem>> -> memref<32x128xf32, #tpu.memory_space<vmem>>
      %dma_start3A_780 = arith.constant 0 : i32
      %dma_start3A_781 = tpu.memref_slice %arg5[%dma_start3A_780, %multiple_of3A_766] : memref<32x1000000xf32, #tpu.memory_space<hbm>> -> memref<32x128xf32, #tpu.memory_space<hbm>>
      %dma_start3A_782 = arith.constant 0 : i32
      %dma_start3A_783 = arith.constant 384 : i32
      %dma_start3A_784 = tpu.memref_slice %arg12[%dma_start3A_782, %dma_start3A_783] : memref<32x512xf32, #tpu.memory_space<vmem>> -> memref<32x128xf32, #tpu.memory_space<vmem>>
      %dma_start3A_785 = arith.constant 0 : i32
      %dma_start3A_786 = tpu.memref_slice %arg5[%dma_start3A_785, %multiple_of3A_766] : memref<32x1000000xf32, #tpu.memory_space<hbm>> -> memref<32x128xf32, #tpu.memory_space<hbm>>
      tpu.enqueue_dma source(%dma_start3A_786 : memref<32x128xf32, #tpu.memory_space<hbm>>) target(%dma_start3A_784 : memref<32x128xf32, #tpu.memory_space<vmem>>) target_semaphore(%arg15 : memref<!tpu.dma_semaphore, #tpu.memory_space<semaphore_mem>>)
      %dma_wait3A_787 = arith.constant 0 : i32
      %dma_wait3A_788 = arith.constant 0 : i32
      %dma_wait3A_789 = tpu.memref_slice %arg4[%dma_wait3A_787, %dma_wait3A_788] : memref<32x1000000xf32, #tpu.memory_space<hbm>> -> memref<32x512xf32, #tpu.memory_space<hbm>>
      %dma_wait3A_790 = arith.constant 0 : i32
      %dma_wait3A_791 = arith.constant 0 : i32
      %dma_wait3A_792 = tpu.memref_slice %arg4[%dma_wait3A_790, %dma_wait3A_791] : memref<32x1000000xf32, #tpu.memory_space<hbm>> -> memref<32x512xf32, #tpu.memory_space<hbm>>
      tpu.wait_dma2 semaphore(%arg14 : memref<!tpu.dma_semaphore, #tpu.memory_space<semaphore_mem>>) src(%dma_wait3A_792 : memref<32x512xf32, #tpu.memory_space<hbm>>) dst(%arg9 : memref<32x512xf32, #tpu.memory_space<vmem>>)
      %dma_wait3A_793 = arith.constant 0 : i32
      %dma_wait3A_794 = arith.constant 0 : i32
      %dma_wait3A_795 = tpu.memref_slice %arg5[%dma_wait3A_793, %dma_wait3A_794] : memref<32x1000000xf32, #tpu.memory_space<hbm>> -> memref<32x512xf32, #tpu.memory_space<hbm>>
      %dma_wait3A_796 = arith.constant 0 : i32
      %dma_wait3A_797 = arith.constant 0 : i32
      %dma_wait3A_798 = tpu.memref_slice %arg5[%dma_wait3A_796, %dma_wait3A_797] : memref<32x1000000xf32, #tpu.memory_space<hbm>> -> memref<32x512xf32, #tpu.memory_space<hbm>>
      tpu.wait_dma2 semaphore(%arg14 : memref<!tpu.dma_semaphore, #tpu.memory_space<semaphore_mem>>) src(%dma_wait3A_798 : memref<32x512xf32, #tpu.memory_space<hbm>>) dst(%arg10 : memref<32x512xf32, #tpu.memory_space<vmem>>)
      %mul3A_799 = arith.constant 4 : i32
      %mul3A_800 = arith.muli %add3A_650, %mul3A_799 : i32
      %get3A_801 = arith.index_cast %mul3A_800 : i32 to index
      %get3A_802 = tpu.vector_load %arg7[%get3A_801] {strides = array<i32>} : memref<528xi32, #tpu.memory_space<vmem>>, vector<16xi32>,
      %get3A_803 = arith.index_cast %mul3A_800 : i32 to index
      %get3A_804 = tpu.vector_load %arg8[%get3A_803] {strides = array<i32>} : memref<528xi32, #tpu.memory_space<vmem>>, vector<16xi32>,
      %and3A_805 = arith.constant 127 : i32
      %and3A_806 = vector.broadcast %and3A_805 : i32 to vector<16xi32>
      %and3A_807 = arith.andi %get3A_802, %and3A_806 : vector<16xi32>
      %and3A_808 = arith.constant 127 : i32
      %and3A_809 = vector.broadcast %and3A_808 : i32 to vector<16xi32>
      %and3A_810 = arith.andi %get3A_804, %and3A_809 : vector<16xi32>
      %slice3A_811 = vector.extract_strided_slice %and3A_807 {offsets = [0], sizes = [1], strides = [1]} : vector<16xi32> to vector<1xi32>
      %squeeze3A_812 = vector.extract %slice3A_811[0] : i32 from vector<1xi32>
      %add3A_813 = arith.constant 0 : i32
      %add3A_814 = arith.addi %squeeze3A_812, %add3A_813 : i32
      %broadcast_in_dim3A_815 = vector.broadcast %add3A_814 : i32 to vector<16xi32>
      %slice3A_816 = vector.extract_strided_slice %and3A_810 {offsets = [0], sizes = [1], strides = [1]} : vector<16xi32> to vector<1xi32>
      %squeeze3A_817 = vector.extract %slice3A_816[0] : i32 from vector<1xi32>
      %add3A_818 = arith.constant 0 : i32
      %add3A_819 = arith.addi %squeeze3A_817, %add3A_818 : i32
      %broadcast_in_dim3A_820 = vector.broadcast %add3A_819 : i32 to vector<16xi32>
      %gather3A_821 = tpu.vector_load_idx %arg9[%iota3A, %broadcast_in_dim3A_815] : memref<32x512xf32, #tpu.memory_space<vmem>>[vector<16xi32>, vector<16xi32>], vector<16xf32>,
      %add3A_822 = arith.constant 16 : i32
      %add3A_823 = vector.broadcast %add3A_822 : i32 to vector<16xi32>
      %add3A_824 = arith.addi %iota3A, %add3A_823 : vector<16xi32>
      %gather3A_825 = tpu.vector_load_idx %arg9[%add3A_824, %broadcast_in_dim3A_815] : memref<32x512xf32, #tpu.memory_space<vmem>>[vector<16xi32>, vector<16xi32>], vector<16xf32>,
      %gather3A_826 = tpu.vector_load_idx %arg10[%iota3A, %broadcast_in_dim3A_820] : memref<32x512xf32, #tpu.memory_space<vmem>>[vector<16xi32>, vector<16xi32>], vector<16xf32>,
      %add3A_827 = arith.constant 16 : i32
      %add3A_828 = vector.broadcast %add3A_827 : i32 to vector<16xi32>
      %add3A_829 = arith.addi %iota3A, %add3A_828 : vector<16xi32>
      %gather3A_830 = tpu.vector_load_idx %arg10[%add3A_829, %broadcast_in_dim3A_820] : memref<32x512xf32, #tpu.memory_space<vmem>>[vector<16xi32>, vector<16xi32>], vector<16xf32>,
      %mul3A_831 = arith.mulf %gather3A_821, %gather3A_826 : vector<16xf32>
      %mul3A_832 = arith.mulf %gather3A_825, %gather3A_830 : vector<16xf32>
      %add3A_833 = arith.addf %mul3A_831, %mul3A_832 : vector<16xf32>
      %slice3A_834 = vector.extract_strided_slice %and3A_807 {offsets = [1], sizes = [1], strides = [1]} : vector<16xi32> to vector<1xi32>
      %squeeze3A_835 = vector.extract %slice3A_834[0] : i32 from vector<1xi32>
      %add3A_836 = arith.constant 128 : i32
      %add3A_837 = arith.addi %squeeze3A_835, %add3A_836 : i32
      %broadcast_in_dim3A_838 = vector.broadcast %add3A_837 : i32 to vector<16xi32>
      %slice3A_839 = vector.extract_strided_slice %and3A_810 {offsets = [1], sizes = [1], strides = [1]} : vector<16xi32> to vector<1xi32>
      %squeeze3A_840 = vector.extract %slice3A_839[0] : i32 from vector<1xi32>
      %add3A_841 = arith.constant 128 : i32
      %add3A_842 = arith.addi %squeeze3A_840, %add3A_841 : i32
      %broadcast_in_dim3A_843 = vector.broadcast %add3A_842 : i32 to vector<16xi32>
      %gather3A_844 = tpu.vector_load_idx %arg9[%iota3A, %broadcast_in_dim3A_838] : memref<32x512xf32, #tpu.memory_space<vmem>>[vector<16xi32>, vector<16xi32>], vector<16xf32>,
      %add3A_845 = arith.constant 16 : i32
      %add3A_846 = vector.broadcast %add3A_845 : i32 to vector<16xi32>
      %add3A_847 = arith.addi %iota3A, %add3A_846 : vector<16xi32>
      %gather3A_848 = tpu.vector_load_idx %arg9[%add3A_847, %broadcast_in_dim3A_838] : memref<32x512xf32, #tpu.memory_space<vmem>>[vector<16xi32>, vector<16xi32>], vector<16xf32>,
      %gather3A_849 = tpu.vector_load_idx %arg10[%iota3A, %broadcast_in_dim3A_843] : memref<32x512xf32, #tpu.memory_space<vmem>>[vector<16xi32>, vector<16xi32>], vector<16xf32>,
      %add3A_850 = arith.constant 16 : i32
      %add3A_851 = vector.broadcast %add3A_850 : i32 to vector<16xi32>
      %add3A_852 = arith.addi %iota3A, %add3A_851 : vector<16xi32>
      %gather3A_853 = tpu.vector_load_idx %arg10[%add3A_852, %broadcast_in_dim3A_843] : memref<32x512xf32, #tpu.memory_space<vmem>>[vector<16xi32>, vector<16xi32>], vector<16xf32>,
      %mul3A_854 = arith.mulf %gather3A_844, %gather3A_849 : vector<16xf32>
      %mul3A_855 = arith.mulf %gather3A_848, %gather3A_853 : vector<16xf32>
      %add3A_856 = arith.addf %mul3A_854, %mul3A_855 : vector<16xf32>
      %slice3A_857 = vector.extract_strided_slice %and3A_807 {offsets = [2], sizes = [1], strides = [1]} : vector<16xi32> to vector<1xi32>
      %squeeze3A_858 = vector.extract %slice3A_857[0] : i32 from vector<1xi32>
      %add3A_859 = arith.constant 256 : i32
      %add3A_860 = arith.addi %squeeze3A_858, %add3A_859 : i32
      %broadcast_in_dim3A_861 = vector.broadcast %add3A_860 : i32 to vector<16xi32>
      %slice3A_862 = vector.extract_strided_slice %and3A_810 {offsets = [2], sizes = [1], strides = [1]} : vector<16xi32> to vector<1xi32>
      %squeeze3A_863 = vector.extract %slice3A_862[0] : i32 from vector<1xi32>
      %add3A_864 = arith.constant 256 : i32
      %add3A_865 = arith.addi %squeeze3A_863, %add3A_864 : i32
      %broadcast_in_dim3A_866 = vector.broadcast %add3A_865 : i32 to vector<16xi32>
      %gather3A_867 = tpu.vector_load_idx %arg9[%iota3A, %broadcast_in_dim3A_861] : memref<32x512xf32, #tpu.memory_space<vmem>>[vector<16xi32>, vector<16xi32>], vector<16xf32>,
      %add3A_868 = arith.constant 16 : i32
      %add3A_869 = vector.broadcast %add3A_868 : i32 to vector<16xi32>
      %add3A_870 = arith.addi %iota3A, %add3A_869 : vector<16xi32>
      %gather3A_871 = tpu.vector_load_idx %arg9[%add3A_870, %broadcast_in_dim3A_861] : memref<32x512xf32, #tpu.memory_space<vmem>>[vector<16xi32>, vector<16xi32>], vector<16xf32>,
      %gather3A_872 = tpu.vector_load_idx %arg10[%iota3A, %broadcast_in_dim3A_866] : memref<32x512xf32, #tpu.memory_space<vmem>>[vector<16xi32>, vector<16xi32>], vector<16xf32>,
      %add3A_873 = arith.constant 16 : i32
      %add3A_874 = vector.broadcast %add3A_873 : i32 to vector<16xi32>
      %add3A_875 = arith.addi %iota3A, %add3A_874 : vector<16xi32>
      %gather3A_876 = tpu.vector_load_idx %arg10[%add3A_875, %broadcast_in_dim3A_866] : memref<32x512xf32, #tpu.memory_space<vmem>>[vector<16xi32>, vector<16xi32>], vector<16xf32>,
      %mul3A_877 = arith.mulf %gather3A_867, %gather3A_872 : vector<16xf32>
      %mul3A_878 = arith.mulf %gather3A_871, %gather3A_876 : vector<16xf32>
      %add3A_879 = arith.addf %mul3A_877, %mul3A_878 : vector<16xf32>
      %slice3A_880 = vector.extract_strided_slice %and3A_807 {offsets = [3], sizes = [1], strides = [1]} : vector<16xi32> to vector<1xi32>
      %squeeze3A_881 = vector.extract %slice3A_880[0] : i32 from vector<1xi32>
      %add3A_882 = arith.constant 384 : i32
      %add3A_883 = arith.addi %squeeze3A_881, %add3A_882 : i32
      %broadcast_in_dim3A_884 = vector.broadcast %add3A_883 : i32 to vector<16xi32>
      %slice3A_885 = vector.extract_strided_slice %and3A_810 {offsets = [3], sizes = [1], strides = [1]} : vector<16xi32> to vector<1xi32>
      %squeeze3A_886 = vector.extract %slice3A_885[0] : i32 from vector<1xi32>
      %add3A_887 = arith.constant 384 : i32
      %add3A_888 = arith.addi %squeeze3A_886, %add3A_887 : i32
      %broadcast_in_dim3A_889 = vector.broadcast %add3A_888 : i32 to vector<16xi32>
      %gather3A_890 = tpu.vector_load_idx %arg9[%iota3A, %broadcast_in_dim3A_884] : memref<32x512xf32, #tpu.memory_space<vmem>>[vector<16xi32>, vector<16xi32>], vector<16xf32>,
      %add3A_891 = arith.constant 16 : i32
      %add3A_892 = vector.broadcast %add3A_891 : i32 to vector<16xi32>
      %add3A_893 = arith.addi %iota3A, %add3A_892 : vector<16xi32>
      %gather3A_894 = tpu.vector_load_idx %arg9[%add3A_893, %broadcast_in_dim3A_884] : memref<32x512xf32, #tpu.memory_space<vmem>>[vector<16xi32>, vector<16xi32>], vector<16xf32>,
      %gather3A_895 = tpu.vector_load_idx %arg10[%iota3A, %broadcast_in_dim3A_889] : memref<32x512xf32, #tpu.memory_space<vmem>>[vector<16xi32>, vector<16xi32>], vector<16xf32>,
      %add3A_896 = arith.constant 16 : i32
      %add3A_897 = vector.broadcast %add3A_896 : i32 to vector<16xi32>
      %add3A_898 = arith.addi %iota3A, %add3A_897 : vector<16xi32>
      %gather3A_899 = tpu.vector_load_idx %arg10[%add3A_898, %broadcast_in_dim3A_889] : memref<32x512xf32, #tpu.memory_space<vmem>>[vector<16xi32>, vector<16xi32>], vector<16xf32>,
      %mul3A_900 = arith.mulf %gather3A_890, %gather3A_895 : vector<16xf32>
      %mul3A_901 = arith.mulf %gather3A_894, %gather3A_899 : vector<16xf32>
      %add3A_902 = arith.addf %mul3A_900, %mul3A_901 : vector<16xf32>
      %add3A_903 = arith.constant 3 : i32
      %add3A_904 = arith.addi %mul3A_143, %add3A_903 : i32
      %add3A_905 = arith.constant 1 : i32
      %add3A_906 = arith.addi %add3A_904, %add3A_905 : i32
      %mul3A_907 = arith.constant 4 : i32
      %mul3A_908 = arith.muli %add3A_906, %mul3A_907 : i32
      %get3A_909 = arith.index_cast %mul3A_908 : i32 to index
      %get3A_910 = tpu.vector_load %arg7[%get3A_909] {strides = array<i32>} : memref<528xi32, #tpu.memory_space<vmem>>, vector<16xi32>,
      %get3A_911 = arith.index_cast %mul3A_908 : i32 to index
      %get3A_912 = tpu.vector_load %arg8[%get3A_911] {strides = array<i32>} : memref<528xi32, #tpu.memory_space<vmem>>, vector<16xi32>,
      %shift_right_arithmetic3A_913 = arith.constant 7 : i32
      %shift_right_arithmetic3A_914 = vector.broadcast %shift_right_arithmetic3A_913 : i32 to vector<16xi32>
      %shift_right_arithmetic3A_915 = arith.shrsi %get3A_910, %shift_right_arithmetic3A_914 : vector<16xi32>
      %shift_left3A_916 = arith.constant 7 : i32
      %shift_left3A_917 = vector.broadcast %shift_left3A_916 : i32 to vector<16xi32>
      %shift_left3A_918 = arith.shli %shift_right_arithmetic3A_915, %shift_left3A_917 : vector<16xi32>
      %jit3A_919 = arith.constant 0 : i32
      %jit3A_920 = arith.constant 999936 : i32
      %max3A_921 = vector.broadcast %jit3A_919 : i32 to vector<16xi32>
      %max3A_922 = arith.maxsi %max3A_921, %shift_left3A_918 : vector<16xi32>
      %min3A_923 = vector.broadcast %jit3A_920 : i32 to vector<16xi32>
      %min3A_924 = arith.minsi %min3A_923, %max3A_922 : vector<16xi32>
      %shift_right_arithmetic3A_925 = arith.constant 7 : i32
      %shift_right_arithmetic3A_926 = vector.broadcast %shift_right_arithmetic3A_925 : i32 to vector<16xi32>
      %shift_right_arithmetic3A_927 = arith.shrsi %get3A_912, %shift_right_arithmetic3A_926 : vector<16xi32>
      %shift_left3A_928 = arith.constant 7 : i32
      %shift_left3A_929 = vector.broadcast %shift_left3A_928 : i32 to vector<16xi32>
      %shift_left3A_930 = arith.shli %shift_right_arithmetic3A_927, %shift_left3A_929 : vector<16xi32>
      %jit3A_931 = arith.constant 0 : i32
      %jit3A_932 = arith.constant 999936 : i32
      %max3A_933 = vector.broadcast %jit3A_931 : i32 to vector<16xi32>
      %max3A_934 = arith.maxsi %max3A_933, %shift_left3A_930 : vector<16xi32>
      %min3A_935 = vector.broadcast %jit3A_932 : i32 to vector<16xi32>
      %min3A_936 = arith.minsi %min3A_935, %max3A_934 : vector<16xi32>
      %slice3A_937 = vector.extract_strided_slice %min3A_924 {offsets = [0], sizes = [1], strides = [1]} : vector<16xi32> to vector<1xi32>
      %squeeze3A_938 = vector.extract %slice3A_937[0] : i32 from vector<1xi32>
      %multiple_of3A_939 = tpu.assume_multiple %squeeze3A_938, 128 : i32
      %slice3A_940 = vector.extract_strided_slice %min3A_936 {offsets = [0], sizes = [1], strides = [1]} : vector<16xi32> to vector<1xi32>
      %squeeze3A_941 = vector.extract %slice3A_940[0] : i32 from vector<1xi32>
      %multiple_of3A_942 = tpu.assume_multiple %squeeze3A_941, 128 : i32
      %dma_start3A_943 = arith.constant 0 : i32
      %dma_start3A_944 = arith.constant 0 : i32
      %dma_start3A_945 = tpu.memref_slice %arg9[%dma_start3A_943, %dma_start3A_944] : memref<32x512xf32, #tpu.memory_space<vmem>> -> memref<32x128xf32, #tpu.memory_space<vmem>>
      %dma_start3A_946 = arith.constant 0 : i32
      %dma_start3A_947 = tpu.memref_slice %arg4[%dma_start3A_946, %multiple_of3A_939] : memref<32x1000000xf32, #tpu.memory_space<hbm>> -> memref<32x128xf32, #tpu.memory_space<hbm>>
      %dma_start3A_948 = arith.constant 0 : i32
      %dma_start3A_949 = arith.constant 0 : i32
      %dma_start3A_950 = tpu.memref_slice %arg9[%dma_start3A_948, %dma_start3A_949] : memref<32x512xf32, #tpu.memory_space<vmem>> -> memref<32x128xf32, #tpu.memory_space<vmem>>
      %dma_start3A_951 = arith.constant 0 : i32
      %dma_start3A_952 = tpu.memref_slice %arg4[%dma_start3A_951, %multiple_of3A_939] : memref<32x1000000xf32, #tpu.memory_space<hbm>> -> memref<32x128xf32, #tpu.memory_space<hbm>>
      tpu.enqueue_dma source(%dma_start3A_952 : memref<32x128xf32, #tpu.memory_space<hbm>>) target(%dma_start3A_950 : memref<32x128xf32, #tpu.memory_space<vmem>>) target_semaphore(%arg14 : memref<!tpu.dma_semaphore, #tpu.memory_space<semaphore_mem>>)
      %dma_start3A_953 = arith.constant 0 : i32
      %dma_start3A_954 = arith.constant 0 : i32
      %dma_start3A_955 = tpu.memref_slice %arg10[%dma_start3A_953, %dma_start3A_954] : memref<32x512xf32, #tpu.memory_space<vmem>> -> memref<32x128xf32, #tpu.memory_space<vmem>>
      %dma_start3A_956 = arith.constant 0 : i32
      %dma_start3A_957 = tpu.memref_slice %arg5[%dma_start3A_956, %multiple_of3A_942] : memref<32x1000000xf32, #tpu.memory_space<hbm>> -> memref<32x128xf32, #tpu.memory_space<hbm>>
      %dma_start3A_958 = arith.constant 0 : i32
      %dma_start3A_959 = arith.constant 0 : i32
      %dma_start3A_960 = tpu.memref_slice %arg10[%dma_start3A_958, %dma_start3A_959] : memref<32x512xf32, #tpu.memory_space<vmem>> -> memref<32x128xf32, #tpu.memory_space<vmem>>
      %dma_start3A_961 = arith.constant 0 : i32
      %dma_start3A_962 = tpu.memref_slice %arg5[%dma_start3A_961, %multiple_of3A_942] : memref<32x1000000xf32, #tpu.memory_space<hbm>> -> memref<32x128xf32, #tpu.memory_space<hbm>>
      tpu.enqueue_dma source(%dma_start3A_962 : memref<32x128xf32, #tpu.memory_space<hbm>>) target(%dma_start3A_960 : memref<32x128xf32, #tpu.memory_space<vmem>>) target_semaphore(%arg14 : memref<!tpu.dma_semaphore, #tpu.memory_space<semaphore_mem>>)
      %slice3A_963 = vector.extract_strided_slice %min3A_924 {offsets = [1], sizes = [1], strides = [1]} : vector<16xi32> to vector<1xi32>
      %squeeze3A_964 = vector.extract %slice3A_963[0] : i32 from vector<1xi32>
      %multiple_of3A_965 = tpu.assume_multiple %squeeze3A_964, 128 : i32
      %slice3A_966 = vector.extract_strided_slice %min3A_936 {offsets = [1], sizes = [1], strides = [1]} : vector<16xi32> to vector<1xi32>
      %squeeze3A_967 = vector.extract %slice3A_966[0] : i32 from vector<1xi32>
      %multiple_of3A_968 = tpu.assume_multiple %squeeze3A_967, 128 : i32
      %dma_start3A_969 = arith.constant 0 : i32
      %dma_start3A_970 = arith.constant 128 : i32
      %dma_start3A_971 = tpu.memref_slice %arg9[%dma_start3A_969, %dma_start3A_970] : memref<32x512xf32, #tpu.memory_space<vmem>> -> memref<32x128xf32, #tpu.memory_space<vmem>>
      %dma_start3A_972 = arith.constant 0 : i32
      %dma_start3A_973 = tpu.memref_slice %arg4[%dma_start3A_972, %multiple_of3A_965] : memref<32x1000000xf32, #tpu.memory_space<hbm>> -> memref<32x128xf32, #tpu.memory_space<hbm>>
      %dma_start3A_974 = arith.constant 0 : i32
      %dma_start3A_975 = arith.constant 128 : i32
      %dma_start3A_976 = tpu.memref_slice %arg9[%dma_start3A_974, %dma_start3A_975] : memref<32x512xf32, #tpu.memory_space<vmem>> -> memref<32x128xf32, #tpu.memory_space<vmem>>
      %dma_start3A_977 = arith.constant 0 : i32
      %dma_start3A_978 = tpu.memref_slice %arg4[%dma_start3A_977, %multiple_of3A_965] : memref<32x1000000xf32, #tpu.memory_space<hbm>> -> memref<32x128xf32, #tpu.memory_space<hbm>>
      tpu.enqueue_dma source(%dma_start3A_978 : memref<32x128xf32, #tpu.memory_space<hbm>>) target(%dma_start3A_976 : memref<32x128xf32, #tpu.memory_space<vmem>>) target_semaphore(%arg14 : memref<!tpu.dma_semaphore, #tpu.memory_space<semaphore_mem>>)
      %dma_start3A_979 = arith.constant 0 : i32
      %dma_start3A_980 = arith.constant 128 : i32
      %dma_start3A_981 = tpu.memref_slice %arg10[%dma_start3A_979, %dma_start3A_980] : memref<32x512xf32, #tpu.memory_space<vmem>> -> memref<32x128xf32, #tpu.memory_space<vmem>>
      %dma_start3A_982 = arith.constant 0 : i32
      %dma_start3A_983 = tpu.memref_slice %arg5[%dma_start3A_982, %multiple_of3A_968] : memref<32x1000000xf32, #tpu.memory_space<hbm>> -> memref<32x128xf32, #tpu.memory_space<hbm>>
      %dma_start3A_984 = arith.constant 0 : i32
      %dma_start3A_985 = arith.constant 128 : i32
      %dma_start3A_986 = tpu.memref_slice %arg10[%dma_start3A_984, %dma_start3A_985] : memref<32x512xf32, #tpu.memory_space<vmem>> -> memref<32x128xf32, #tpu.memory_space<vmem>>
      %dma_start3A_987 = arith.constant 0 : i32
      %dma_start3A_988 = tpu.memref_slice %arg5[%dma_start3A_987, %multiple_of3A_968] : memref<32x1000000xf32, #tpu.memory_space<hbm>> -> memref<32x128xf32, #tpu.memory_space<hbm>>
      tpu.enqueue_dma source(%dma_start3A_988 : memref<32x128xf32, #tpu.memory_space<hbm>>) target(%dma_start3A_986 : memref<32x128xf32, #tpu.memory_space<vmem>>) target_semaphore(%arg14 : memref<!tpu.dma_semaphore, #tpu.memory_space<semaphore_mem>>)
      %slice3A_989 = vector.extract_strided_slice %min3A_924 {offsets = [2], sizes = [1], strides = [1]} : vector<16xi32> to vector<1xi32>
      %squeeze3A_990 = vector.extract %slice3A_989[0] : i32 from vector<1xi32>
      %multiple_of3A_991 = tpu.assume_multiple %squeeze3A_990, 128 : i32
      %slice3A_992 = vector.extract_strided_slice %min3A_936 {offsets = [2], sizes = [1], strides = [1]} : vector<16xi32> to vector<1xi32>
      %squeeze3A_993 = vector.extract %slice3A_992[0] : i32 from vector<1xi32>
      %multiple_of3A_994 = tpu.assume_multiple %squeeze3A_993, 128 : i32
      %dma_start3A_995 = arith.constant 0 : i32
      %dma_start3A_996 = arith.constant 256 : i32
      %dma_start3A_997 = tpu.memref_slice %arg9[%dma_start3A_995, %dma_start3A_996] : memref<32x512xf32, #tpu.memory_space<vmem>> -> memref<32x128xf32, #tpu.memory_space<vmem>>
      %dma_start3A_998 = arith.constant 0 : i32
      %dma_start3A_999 = tpu.memref_slice %arg4[%dma_start3A_998, %multiple_of3A_991] : memref<32x1000000xf32, #tpu.memory_space<hbm>> -> memref<32x128xf32, #tpu.memory_space<hbm>>
      %dma_start3A_1000 = arith.constant 0 : i32
      %dma_start3A_1001 = arith.constant 256 : i32
      %dma_start3A_1002 = tpu.memref_slice %arg9[%dma_start3A_1000, %dma_start3A_1001] : memref<32x512xf32, #tpu.memory_space<vmem>> -> memref<32x128xf32, #tpu.memory_space<vmem>>
      %dma_start3A_1003 = arith.constant 0 : i32
      %dma_start3A_1004 = tpu.memref_slice %arg4[%dma_start3A_1003, %multiple_of3A_991] : memref<32x1000000xf32, #tpu.memory_space<hbm>> -> memref<32x128xf32, #tpu.memory_space<hbm>>
      tpu.enqueue_dma source(%dma_start3A_1004 : memref<32x128xf32, #tpu.memory_space<hbm>>) target(%dma_start3A_1002 : memref<32x128xf32, #tpu.memory_space<vmem>>) target_semaphore(%arg14 : memref<!tpu.dma_semaphore, #tpu.memory_space<semaphore_mem>>)
      %dma_start3A_1005 = arith.constant 0 : i32
      %dma_start3A_1006 = arith.constant 256 : i32
      %dma_start3A_1007 = tpu.memref_slice %arg10[%dma_start3A_1005, %dma_start3A_1006] : memref<32x512xf32, #tpu.memory_space<vmem>> -> memref<32x128xf32, #tpu.memory_space<vmem>>
      %dma_start3A_1008 = arith.constant 0 : i32
      %dma_start3A_1009 = tpu.memref_slice %arg5[%dma_start3A_1008, %multiple_of3A_994] : memref<32x1000000xf32, #tpu.memory_space<hbm>> -> memref<32x128xf32, #tpu.memory_space<hbm>>
      %dma_start3A_1010 = arith.constant 0 : i32
      %dma_start3A_1011 = arith.constant 256 : i32
      %dma_start3A_1012 = tpu.memref_slice %arg10[%dma_start3A_1010, %dma_start3A_1011] : memref<32x512xf32, #tpu.memory_space<vmem>> -> memref<32x128xf32, #tpu.memory_space<vmem>>
      %dma_start3A_1013 = arith.constant 0 : i32
      %dma_start3A_1014 = tpu.memref_slice %arg5[%dma_start3A_1013, %multiple_of3A_994] : memref<32x1000000xf32, #tpu.memory_space<hbm>> -> memref<32x128xf32, #tpu.memory_space<hbm>>
      tpu.enqueue_dma source(%dma_start3A_1014 : memref<32x128xf32, #tpu.memory_space<hbm>>) target(%dma_start3A_1012 : memref<32x128xf32, #tpu.memory_space<vmem>>) target_semaphore(%arg14 : memref<!tpu.dma_semaphore, #tpu.memory_space<semaphore_mem>>)
      %slice3A_1015 = vector.extract_strided_slice %min3A_924 {offsets = [3], sizes = [1], strides = [1]} : vector<16xi32> to vector<1xi32>
      %squeeze3A_1016 = vector.extract %slice3A_1015[0] : i32 from vector<1xi32>
      %multiple_of3A_1017 = tpu.assume_multiple %squeeze3A_1016, 128 : i32
      %slice3A_1018 = vector.extract_strided_slice %min3A_936 {offsets = [3], sizes = [1], strides = [1]} : vector<16xi32> to vector<1xi32>
      %squeeze3A_1019 = vector.extract %slice3A_1018[0] : i32 from vector<1xi32>
      %multiple_of3A_1020 = tpu.assume_multiple %squeeze3A_1019, 128 : i32
      %dma_start3A_1021 = arith.constant 0 : i32
      %dma_start3A_1022 = arith.constant 384 : i32
      %dma_start3A_1023 = tpu.memref_slice %arg9[%dma_start3A_1021, %dma_start3A_1022] : memref<32x512xf32, #tpu.memory_space<vmem>> -> memref<32x128xf32, #tpu.memory_space<vmem>>
      %dma_start3A_1024 = arith.constant 0 : i32
      %dma_start3A_1025 = tpu.memref_slice %arg4[%dma_start3A_1024, %multiple_of3A_1017] : memref<32x1000000xf32, #tpu.memory_space<hbm>> -> memref<32x128xf32, #tpu.memory_space<hbm>>
      %dma_start3A_1026 = arith.constant 0 : i32
      %dma_start3A_1027 = arith.constant 384 : i32
      %dma_start3A_1028 = tpu.memref_slice %arg9[%dma_start3A_1026, %dma_start3A_1027] : memref<32x512xf32, #tpu.memory_space<vmem>> -> memref<32x128xf32, #tpu.memory_space<vmem>>
      %dma_start3A_1029 = arith.constant 0 : i32
      %dma_start3A_1030 = tpu.memref_slice %arg4[%dma_start3A_1029, %multiple_of3A_1017] : memref<32x1000000xf32, #tpu.memory_space<hbm>> -> memref<32x128xf32, #tpu.memory_space<hbm>>
      tpu.enqueue_dma source(%dma_start3A_1030 : memref<32x128xf32, #tpu.memory_space<hbm>>) target(%dma_start3A_1028 : memref<32x128xf32, #tpu.memory_space<vmem>>) target_semaphore(%arg14 : memref<!tpu.dma_semaphore, #tpu.memory_space<semaphore_mem>>)
      %dma_start3A_1031 = arith.constant 0 : i32
      %dma_start3A_1032 = arith.constant 384 : i32
      %dma_start3A_1033 = tpu.memref_slice %arg10[%dma_start3A_1031, %dma_start3A_1032] : memref<32x512xf32, #tpu.memory_space<vmem>> -> memref<32x128xf32, #tpu.memory_space<vmem>>
      %dma_start3A_1034 = arith.constant 0 : i32
      %dma_start3A_1035 = tpu.memref_slice %arg5[%dma_start3A_1034, %multiple_of3A_1020] : memref<32x1000000xf32, #tpu.memory_space<hbm>> -> memref<32x128xf32, #tpu.memory_space<hbm>>
      %dma_start3A_1036 = arith.constant 0 : i32
      %dma_start3A_1037 = arith.constant 384 : i32
      %dma_start3A_1038 = tpu.memref_slice %arg10[%dma_start3A_1036, %dma_start3A_1037] : memref<32x512xf32, #tpu.memory_space<vmem>> -> memref<32x128xf32, #tpu.memory_space<vmem>>
      %dma_start3A_1039 = arith.constant 0 : i32
      %dma_start3A_1040 = tpu.memref_slice %arg5[%dma_start3A_1039, %multiple_of3A_1020] : memref<32x1000000xf32, #tpu.memory_space<hbm>> -> memref<32x128xf32, #tpu.memory_space<hbm>>
      tpu.enqueue_dma source(%dma_start3A_1040 : memref<32x128xf32, #tpu.memory_space<hbm>>) target(%dma_start3A_1038 : memref<32x128xf32, #tpu.memory_space<vmem>>) target_semaphore(%arg14 : memref<!tpu.dma_semaphore, #tpu.memory_space<semaphore_mem>>)
      %dma_wait3A_1041 = arith.constant 0 : i32
      %dma_wait3A_1042 = arith.constant 0 : i32
      %dma_wait3A_1043 = tpu.memref_slice %arg4[%dma_wait3A_1041, %dma_wait3A_1042] : memref<32x1000000xf32, #tpu.memory_space<hbm>> -> memref<32x512xf32, #tpu.memory_space<hbm>>
      %dma_wait3A_1044 = arith.constant 0 : i32
      %dma_wait3A_1045 = arith.constant 0 : i32
      %dma_wait3A_1046 = tpu.memref_slice %arg4[%dma_wait3A_1044, %dma_wait3A_1045] : memref<32x1000000xf32, #tpu.memory_space<hbm>> -> memref<32x512xf32, #tpu.memory_space<hbm>>
      tpu.wait_dma2 semaphore(%arg15 : memref<!tpu.dma_semaphore, #tpu.memory_space<semaphore_mem>>) src(%dma_wait3A_1046 : memref<32x512xf32, #tpu.memory_space<hbm>>) dst(%arg11 : memref<32x512xf32, #tpu.memory_space<vmem>>)
      %dma_wait3A_1047 = arith.constant 0 : i32
      %dma_wait3A_1048 = arith.constant 0 : i32
      %dma_wait3A_1049 = tpu.memref_slice %arg5[%dma_wait3A_1047, %dma_wait3A_1048] : memref<32x1000000xf32, #tpu.memory_space<hbm>> -> memref<32x512xf32, #tpu.memory_space<hbm>>
      %dma_wait3A_1050 = arith.constant 0 : i32
      %dma_wait3A_1051 = arith.constant 0 : i32
      %dma_wait3A_1052 = tpu.memref_slice %arg5[%dma_wait3A_1050, %dma_wait3A_1051] : memref<32x1000000xf32, #tpu.memory_space<hbm>> -> memref<32x512xf32, #tpu.memory_space<hbm>>
      tpu.wait_dma2 semaphore(%arg15 : memref<!tpu.dma_semaphore, #tpu.memory_space<semaphore_mem>>) src(%dma_wait3A_1052 : memref<32x512xf32, #tpu.memory_space<hbm>>) dst(%arg12 : memref<32x512xf32, #tpu.memory_space<vmem>>)
      %mul3A_1053 = arith.constant 4 : i32
      %mul3A_1054 = arith.muli %add3A_904, %mul3A_1053 : i32
      %get3A_1055 = arith.index_cast %mul3A_1054 : i32 to index
      %get3A_1056 = tpu.vector_load %arg7[%get3A_1055] {strides = array<i32>} : memref<528xi32, #tpu.memory_space<vmem>>, vector<16xi32>,
      %get3A_1057 = arith.index_cast %mul3A_1054 : i32 to index
      %get3A_1058 = tpu.vector_load %arg8[%get3A_1057] {strides = array<i32>} : memref<528xi32, #tpu.memory_space<vmem>>, vector<16xi32>,
      %and3A_1059 = arith.constant 127 : i32
      %and3A_1060 = vector.broadcast %and3A_1059 : i32 to vector<16xi32>
      %and3A_1061 = arith.andi %get3A_1056, %and3A_1060 : vector<16xi32>
      %and3A_1062 = arith.constant 127 : i32
      %and3A_1063 = vector.broadcast %and3A_1062 : i32 to vector<16xi32>
      %and3A_1064 = arith.andi %get3A_1058, %and3A_1063 : vector<16xi32>
      %slice3A_1065 = vector.extract_strided_slice %and3A_1061 {offsets = [0], sizes = [1], strides = [1]} : vector<16xi32> to vector<1xi32>
      %squeeze3A_1066 = vector.extract %slice3A_1065[0] : i32 from vector<1xi32>
      %add3A_1067 = arith.constant 0 : i32
      %add3A_1068 = arith.addi %squeeze3A_1066, %add3A_1067 : i32
      %broadcast_in_dim3A_1069 = vector.broadcast %add3A_1068 : i32 to vector<16xi32>
      %slice3A_1070 = vector.extract_strided_slice %and3A_1064 {offsets = [0], sizes = [1], strides = [1]} : vector<16xi32> to vector<1xi32>
      %squeeze3A_1071 = vector.extract %slice3A_1070[0] : i32 from vector<1xi32>
      %add3A_1072 = arith.constant 0 : i32
      %add3A_1073 = arith.addi %squeeze3A_1071, %add3A_1072 : i32
      %broadcast_in_dim3A_1074 = vector.broadcast %add3A_1073 : i32 to vector<16xi32>
      %gather3A_1075 = tpu.vector_load_idx %arg11[%iota3A, %broadcast_in_dim3A_1069] : memref<32x512xf32, #tpu.memory_space<vmem>>[vector<16xi32>, vector<16xi32>], vector<16xf32>,
      %add3A_1076 = arith.constant 16 : i32
      %add3A_1077 = vector.broadcast %add3A_1076 : i32 to vector<16xi32>
      %add3A_1078 = arith.addi %iota3A, %add3A_1077 : vector<16xi32>
      %gather3A_1079 = tpu.vector_load_idx %arg11[%add3A_1078, %broadcast_in_dim3A_1069] : memref<32x512xf32, #tpu.memory_space<vmem>>[vector<16xi32>, vector<16xi32>], vector<16xf32>,
      %gather3A_1080 = tpu.vector_load_idx %arg12[%iota3A, %broadcast_in_dim3A_1074] : memref<32x512xf32, #tpu.memory_space<vmem>>[vector<16xi32>, vector<16xi32>], vector<16xf32>,
      %add3A_1081 = arith.constant 16 : i32
      %add3A_1082 = vector.broadcast %add3A_1081 : i32 to vector<16xi32>
      %add3A_1083 = arith.addi %iota3A, %add3A_1082 : vector<16xi32>
      %gather3A_1084 = tpu.vector_load_idx %arg12[%add3A_1083, %broadcast_in_dim3A_1074] : memref<32x512xf32, #tpu.memory_space<vmem>>[vector<16xi32>, vector<16xi32>], vector<16xf32>,
      %mul3A_1085 = arith.mulf %gather3A_1075, %gather3A_1080 : vector<16xf32>
      %mul3A_1086 = arith.mulf %gather3A_1079, %gather3A_1084 : vector<16xf32>
      %add3A_1087 = arith.addf %mul3A_1085, %mul3A_1086 : vector<16xf32>
      %slice3A_1088 = vector.extract_strided_slice %and3A_1061 {offsets = [1], sizes = [1], strides = [1]} : vector<16xi32> to vector<1xi32>
      %squeeze3A_1089 = vector.extract %slice3A_1088[0] : i32 from vector<1xi32>
      %add3A_1090 = arith.constant 128 : i32
      %add3A_1091 = arith.addi %squeeze3A_1089, %add3A_1090 : i32
      %broadcast_in_dim3A_1092 = vector.broadcast %add3A_1091 : i32 to vector<16xi32>
      %slice3A_1093 = vector.extract_strided_slice %and3A_1064 {offsets = [1], sizes = [1], strides = [1]} : vector<16xi32> to vector<1xi32>
      %squeeze3A_1094 = vector.extract %slice3A_1093[0] : i32 from vector<1xi32>
      %add3A_1095 = arith.constant 128 : i32
      %add3A_1096 = arith.addi %squeeze3A_1094, %add3A_1095 : i32
      %broadcast_in_dim3A_1097 = vector.broadcast %add3A_1096 : i32 to vector<16xi32>
      %gather3A_1098 = tpu.vector_load_idx %arg11[%iota3A, %broadcast_in_dim3A_1092] : memref<32x512xf32, #tpu.memory_space<vmem>>[vector<16xi32>, vector<16xi32>], vector<16xf32>,
      %add3A_1099 = arith.constant 16 : i32
      %add3A_1100 = vector.broadcast %add3A_1099 : i32 to vector<16xi32>
      %add3A_1101 = arith.addi %iota3A, %add3A_1100 : vector<16xi32>
      %gather3A_1102 = tpu.vector_load_idx %arg11[%add3A_1101, %broadcast_in_dim3A_1092] : memref<32x512xf32, #tpu.memory_space<vmem>>[vector<16xi32>, vector<16xi32>], vector<16xf32>,
      %gather3A_1103 = tpu.vector_load_idx %arg12[%iota3A, %broadcast_in_dim3A_1097] : memref<32x512xf32, #tpu.memory_space<vmem>>[vector<16xi32>, vector<16xi32>], vector<16xf32>,
      %add3A_1104 = arith.constant 16 : i32
      %add3A_1105 = vector.broadcast %add3A_1104 : i32 to vector<16xi32>
      %add3A_1106 = arith.addi %iota3A, %add3A_1105 : vector<16xi32>
      %gather3A_1107 = tpu.vector_load_idx %arg12[%add3A_1106, %broadcast_in_dim3A_1097] : memref<32x512xf32, #tpu.memory_space<vmem>>[vector<16xi32>, vector<16xi32>], vector<16xf32>,
      %mul3A_1108 = arith.mulf %gather3A_1098, %gather3A_1103 : vector<16xf32>
      %mul3A_1109 = arith.mulf %gather3A_1102, %gather3A_1107 : vector<16xf32>
      %add3A_1110 = arith.addf %mul3A_1108, %mul3A_1109 : vector<16xf32>
      %slice3A_1111 = vector.extract_strided_slice %and3A_1061 {offsets = [2], sizes = [1], strides = [1]} : vector<16xi32> to vector<1xi32>
      %squeeze3A_1112 = vector.extract %slice3A_1111[0] : i32 from vector<1xi32>
      %add3A_1113 = arith.constant 256 : i32
      %add3A_1114 = arith.addi %squeeze3A_1112, %add3A_1113 : i32
      %broadcast_in_dim3A_1115 = vector.broadcast %add3A_1114 : i32 to vector<16xi32>
      %slice3A_1116 = vector.extract_strided_slice %and3A_1064 {offsets = [2], sizes = [1], strides = [1]} : vector<16xi32> to vector<1xi32>
      %squeeze3A_1117 = vector.extract %slice3A_1116[0] : i32 from vector<1xi32>
      %add3A_1118 = arith.constant 256 : i32
      %add3A_1119 = arith.addi %squeeze3A_1117, %add3A_1118 : i32
      %broadcast_in_dim3A_1120 = vector.broadcast %add3A_1119 : i32 to vector<16xi32>
      %gather3A_1121 = tpu.vector_load_idx %arg11[%iota3A, %broadcast_in_dim3A_1115] : memref<32x512xf32, #tpu.memory_space<vmem>>[vector<16xi32>, vector<16xi32>], vector<16xf32>,
      %add3A_1122 = arith.constant 16 : i32
      %add3A_1123 = vector.broadcast %add3A_1122 : i32 to vector<16xi32>
      %add3A_1124 = arith.addi %iota3A, %add3A_1123 : vector<16xi32>
      %gather3A_1125 = tpu.vector_load_idx %arg11[%add3A_1124, %broadcast_in_dim3A_1115] : memref<32x512xf32, #tpu.memory_space<vmem>>[vector<16xi32>, vector<16xi32>], vector<16xf32>,
      %gather3A_1126 = tpu.vector_load_idx %arg12[%iota3A, %broadcast_in_dim3A_1120] : memref<32x512xf32, #tpu.memory_space<vmem>>[vector<16xi32>, vector<16xi32>], vector<16xf32>,
      %add3A_1127 = arith.constant 16 : i32
      %add3A_1128 = vector.broadcast %add3A_1127 : i32 to vector<16xi32>
      %add3A_1129 = arith.addi %iota3A, %add3A_1128 : vector<16xi32>
      %gather3A_1130 = tpu.vector_load_idx %arg12[%add3A_1129, %broadcast_in_dim3A_1120] : memref<32x512xf32, #tpu.memory_space<vmem>>[vector<16xi32>, vector<16xi32>], vector<16xf32>,
      %mul3A_1131 = arith.mulf %gather3A_1121, %gather3A_1126 : vector<16xf32>
      %mul3A_1132 = arith.mulf %gather3A_1125, %gather3A_1130 : vector<16xf32>
      %add3A_1133 = arith.addf %mul3A_1131, %mul3A_1132 : vector<16xf32>
      %slice3A_1134 = vector.extract_strided_slice %and3A_1061 {offsets = [3], sizes = [1], strides = [1]} : vector<16xi32> to vector<1xi32>
      %squeeze3A_1135 = vector.extract %slice3A_1134[0] : i32 from vector<1xi32>
      %add3A_1136 = arith.constant 384 : i32
      %add3A_1137 = arith.addi %squeeze3A_1135, %add3A_1136 : i32
      %broadcast_in_dim3A_1138 = vector.broadcast %add3A_1137 : i32 to vector<16xi32>
      %slice3A_1139 = vector.extract_strided_slice %and3A_1064 {offsets = [3], sizes = [1], strides = [1]} : vector<16xi32> to vector<1xi32>
      %squeeze3A_1140 = vector.extract %slice3A_1139[0] : i32 from vector<1xi32>
      %add3A_1141 = arith.constant 384 : i32
      %add3A_1142 = arith.addi %squeeze3A_1140, %add3A_1141 : i32
      %broadcast_in_dim3A_1143 = vector.broadcast %add3A_1142 : i32 to vector<16xi32>
      %gather3A_1144 = tpu.vector_load_idx %arg11[%iota3A, %broadcast_in_dim3A_1138] : memref<32x512xf32, #tpu.memory_space<vmem>>[vector<16xi32>, vector<16xi32>], vector<16xf32>,
      %add3A_1145 = arith.constant 16 : i32
      %add3A_1146 = vector.broadcast %add3A_1145 : i32 to vector<16xi32>
      %add3A_1147 = arith.addi %iota3A, %add3A_1146 : vector<16xi32>
      %gather3A_1148 = tpu.vector_load_idx %arg11[%add3A_1147, %broadcast_in_dim3A_1138] : memref<32x512xf32, #tpu.memory_space<vmem>>[vector<16xi32>, vector<16xi32>], vector<16xf32>,
      %gather3A_1149 = tpu.vector_load_idx %arg12[%iota3A, %broadcast_in_dim3A_1143] : memref<32x512xf32, #tpu.memory_space<vmem>>[vector<16xi32>, vector<16xi32>], vector<16xf32>,
      %add3A_1150 = arith.constant 16 : i32
      %add3A_1151 = vector.broadcast %add3A_1150 : i32 to vector<16xi32>
      %add3A_1152 = arith.addi %iota3A, %add3A_1151 : vector<16xi32>
      %gather3A_1153 = tpu.vector_load_idx %arg12[%add3A_1152, %broadcast_in_dim3A_1143] : memref<32x512xf32, #tpu.memory_space<vmem>>[vector<16xi32>, vector<16xi32>], vector<16xf32>,
      %mul3A_1154 = arith.mulf %gather3A_1144, %gather3A_1149 : vector<16xf32>
      %mul3A_1155 = arith.mulf %gather3A_1148, %gather3A_1153 : vector<16xf32>
      %add3A_1156 = arith.addf %mul3A_1154, %mul3A_1155 : vector<16xf32>
      %xor3A = arith.constant 1 : i32
      %xor3A_1157 = vector.broadcast %xor3A : i32 to vector<16xi32>
      %xor3A_1158 = arith.xori %iota3A, %xor3A_1157 : vector<16xi32>
      %and3A_1159 = arith.constant 1 : i32
      %and3A_1160 = vector.broadcast %and3A_1159 : i32 to vector<16xi32>
      %and3A_1161 = arith.andi %iota3A, %and3A_1160 : vector<16xi32>
      %eq3A = arith.constant 0 : i32
      %eq3A_1162 = vector.broadcast %eq3A : i32 to vector<16xi32>
      %eq3A_1163 = arith.cmpi eq, %and3A_1161, %eq3A_1162 : vector<16xi32>
      %lt3A = arith.constant 0 : i32
      %lt3A_1164 = vector.broadcast %lt3A : i32 to vector<16xi32>
      %lt3A_1165 = arith.cmpi slt, %xor3A_1158, %lt3A_1164 : vector<16xi32>
      %add3A_1166 = arith.constant 16 : i32
      %add3A_1167 = vector.broadcast %add3A_1166 : i32 to vector<16xi32>
      %add3A_1168 = arith.addi %xor3A_1158, %add3A_1167 : vector<16xi32>
      %select_n3A = arith.select %lt3A_1165, %add3A_1168, %xor3A_1158 : vector<16xi1>, vector<16xi32>
      %broadcast_in_dim3A_1169 = vector.shape_cast %select_n3A : vector<16xi32> to vector<16x1xi32>
      %gather3A_1170 = vector.shape_cast %broadcast_in_dim3A_1169 : vector<16x1xi32> to vector<16xi32>
      %gather3A_1171 = tpu.dynamic_gather %add3A_325[%gather3A_1170] in [0] : vector<16xf32>, vector<16xi32> -> vector<16xf32>
      %lt3A_1172 = arith.constant 0 : i32
      %lt3A_1173 = vector.broadcast %lt3A_1172 : i32 to vector<16xi32>
      %lt3A_1174 = arith.cmpi slt, %xor3A_1158, %lt3A_1173 : vector<16xi32>
      %add3A_1175 = arith.constant 16 : i32
      %add3A_1176 = vector.broadcast %add3A_1175 : i32 to vector<16xi32>
      %add3A_1177 = arith.addi %xor3A_1158, %add3A_1176 : vector<16xi32>
      %select_n3A_1178 = arith.select %lt3A_1174, %add3A_1177, %xor3A_1158 : vector<16xi1>, vector<16xi32>
      %broadcast_in_dim3A_1179 = vector.shape_cast %select_n3A_1178 : vector<16xi32> to vector<16x1xi32>
      %gather3A_1180 = vector.shape_cast %broadcast_in_dim3A_1179 : vector<16x1xi32> to vector<16xi32>
      %gather3A_1181 = tpu.dynamic_gather %add3A_348[%gather3A_1180] in [0] : vector<16xf32>, vector<16xi32> -> vector<16xf32>
      %select_n3A_1182 = arith.select %eq3A_1163, %add3A_325, %gather3A_1181 : vector<16xi1>, vector<16xf32>
      %select_n3A_1183 = arith.select %eq3A_1163, %gather3A_1171, %add3A_348 : vector<16xi1>, vector<16xf32>
      %add3A_1184 = arith.addf %select_n3A_1182, %select_n3A_1183 : vector<16xf32>
      %xor3A_1185 = arith.constant 1 : i32
      %xor3A_1186 = vector.broadcast %xor3A_1185 : i32 to vector<16xi32>
      %xor3A_1187 = arith.xori %iota3A, %xor3A_1186 : vector<16xi32>
      %and3A_1188 = arith.constant 1 : i32
      %and3A_1189 = vector.broadcast %and3A_1188 : i32 to vector<16xi32>
      %and3A_1190 = arith.andi %iota3A, %and3A_1189 : vector<16xi32>
      %eq3A_1191 = arith.constant 0 : i32
      %eq3A_1192 = vector.broadcast %eq3A_1191 : i32 to vector<16xi32>
      %eq3A_1193 = arith.cmpi eq, %and3A_1190, %eq3A_1192 : vector<16xi32>
      %lt3A_1194 = arith.constant 0 : i32
      %lt3A_1195 = vector.broadcast %lt3A_1194 : i32 to vector<16xi32>
      %lt3A_1196 = arith.cmpi slt, %xor3A_1187, %lt3A_1195 : vector<16xi32>
      %add3A_1197 = arith.constant 16 : i32
      %add3A_1198 = vector.broadcast %add3A_1197 : i32 to vector<16xi32>
      %add3A_1199 = arith.addi %xor3A_1187, %add3A_1198 : vector<16xi32>
      %select_n3A_1200 = arith.select %lt3A_1196, %add3A_1199, %xor3A_1187 : vector<16xi1>, vector<16xi32>
      %broadcast_in_dim3A_1201 = vector.shape_cast %select_n3A_1200 : vector<16xi32> to vector<16x1xi32>
      %gather3A_1202 = vector.shape_cast %broadcast_in_dim3A_1201 : vector<16x1xi32> to vector<16xi32>
      %gather3A_1203 = tpu.dynamic_gather %add3A_371[%gather3A_1202] in [0] : vector<16xf32>, vector<16xi32> -> vector<16xf32>
      %lt3A_1204 = arith.constant 0 : i32
      %lt3A_1205 = vector.broadcast %lt3A_1204 : i32 to vector<16xi32>
      %lt3A_1206 = arith.cmpi slt, %xor3A_1187, %lt3A_1205 : vector<16xi32>
      %add3A_1207 = arith.constant 16 : i32
      %add3A_1208 = vector.broadcast %add3A_1207 : i32 to vector<16xi32>
      %add3A_1209 = arith.addi %xor3A_1187, %add3A_1208 : vector<16xi32>
      %select_n3A_1210 = arith.select %lt3A_1206, %add3A_1209, %xor3A_1187 : vector<16xi1>, vector<16xi32>
      %broadcast_in_dim3A_1211 = vector.shape_cast %select_n3A_1210 : vector<16xi32> to vector<16x1xi32>
      %gather3A_1212 = vector.shape_cast %broadcast_in_dim3A_1211 : vector<16x1xi32> to vector<16xi32>
      %gather3A_1213 = tpu.dynamic_gather %add3A_394[%gather3A_1212] in [0] : vector<16xf32>, vector<16xi32> -> vector<16xf32>
      %select_n3A_1214 = arith.select %eq3A_1193, %add3A_371, %gather3A_1213 : vector<16xi1>, vector<16xf32>
      %select_n3A_1215 = arith.select %eq3A_1193, %gather3A_1203, %add3A_394 : vector<16xi1>, vector<16xf32>
      %add3A_1216 = arith.addf %select_n3A_1214, %select_n3A_1215 : vector<16xf32>
      %xor3A_1217 = arith.constant 1 : i32
      %xor3A_1218 = vector.broadcast %xor3A_1217 : i32 to vector<16xi32>
      %xor3A_1219 = arith.xori %iota3A, %xor3A_1218 : vector<16xi32>
      %and3A_1220 = arith.constant 1 : i32
      %and3A_1221 = vector.broadcast %and3A_1220 : i32 to vector<16xi32>
      %and3A_1222 = arith.andi %iota3A, %and3A_1221 : vector<16xi32>
      %eq3A_1223 = arith.constant 0 : i32
      %eq3A_1224 = vector.broadcast %eq3A_1223 : i32 to vector<16xi32>
      %eq3A_1225 = arith.cmpi eq, %and3A_1222, %eq3A_1224 : vector<16xi32>
      %lt3A_1226 = arith.constant 0 : i32
      %lt3A_1227 = vector.broadcast %lt3A_1226 : i32 to vector<16xi32>
      %lt3A_1228 = arith.cmpi slt, %xor3A_1219, %lt3A_1227 : vector<16xi32>
      %add3A_1229 = arith.constant 16 : i32
      %add3A_1230 = vector.broadcast %add3A_1229 : i32 to vector<16xi32>
      %add3A_1231 = arith.addi %xor3A_1219, %add3A_1230 : vector<16xi32>
      %select_n3A_1232 = arith.select %lt3A_1228, %add3A_1231, %xor3A_1219 : vector<16xi1>, vector<16xi32>
      %broadcast_in_dim3A_1233 = vector.shape_cast %select_n3A_1232 : vector<16xi32> to vector<16x1xi32>
      %gather3A_1234 = vector.shape_cast %broadcast_in_dim3A_1233 : vector<16x1xi32> to vector<16xi32>
      %gather3A_1235 = tpu.dynamic_gather %add3A_579[%gather3A_1234] in [0] : vector<16xf32>, vector<16xi32> -> vector<16xf32>
      %lt3A_1236 = arith.constant 0 : i32
      %lt3A_1237 = vector.broadcast %lt3A_1236 : i32 to vector<16xi32>
      %lt3A_1238 = arith.cmpi slt, %xor3A_1219, %lt3A_1237 : vector<16xi32>
      %add3A_1239 = arith.constant 16 : i32
      %add3A_1240 = vector.broadcast %add3A_1239 : i32 to vector<16xi32>
      %add3A_1241 = arith.addi %xor3A_1219, %add3A_1240 : vector<16xi32>
      %select_n3A_1242 = arith.select %lt3A_1238, %add3A_1241, %xor3A_1219 : vector<16xi1>, vector<16xi32>
      %broadcast_in_dim3A_1243 = vector.shape_cast %select_n3A_1242 : vector<16xi32> to vector<16x1xi32>
      %gather3A_1244 = vector.shape_cast %broadcast_in_dim3A_1243 : vector<16x1xi32> to vector<16xi32>
      %gather3A_1245 = tpu.dynamic_gather %add3A_602[%gather3A_1244] in [0] : vector<16xf32>, vector<16xi32> -> vector<16xf32>
      %select_n3A_1246 = arith.select %eq3A_1225, %add3A_579, %gather3A_1245 : vector<16xi1>, vector<16xf32>
      %select_n3A_1247 = arith.select %eq3A_1225, %gather3A_1235, %add3A_602 : vector<16xi1>, vector<16xf32>
      %add3A_1248 = arith.addf %select_n3A_1246, %select_n3A_1247 : vector<16xf32>
      %xor3A_1249 = arith.constant 1 : i32
      %xor3A_1250 = vector.broadcast %xor3A_1249 : i32 to vector<16xi32>
      %xor3A_1251 = arith.xori %iota3A, %xor3A_1250 : vector<16xi32>
      %and3A_1252 = arith.constant 1 : i32
      %and3A_1253 = vector.broadcast %and3A_1252 : i32 to vector<16xi32>
      %and3A_1254 = arith.andi %iota3A, %and3A_1253 : vector<16xi32>
      %eq3A_1255 = arith.constant 0 : i32
      %eq3A_1256 = vector.broadcast %eq3A_1255 : i32 to vector<16xi32>
      %eq3A_1257 = arith.cmpi eq, %and3A_1254, %eq3A_1256 : vector<16xi32>
      %lt3A_1258 = arith.constant 0 : i32
      %lt3A_1259 = vector.broadcast %lt3A_1258 : i32 to vector<16xi32>
      %lt3A_1260 = arith.cmpi slt, %xor3A_1251, %lt3A_1259 : vector<16xi32>
      %add3A_1261 = arith.constant 16 : i32
      %add3A_1262 = vector.broadcast %add3A_1261 : i32 to vector<16xi32>
      %add3A_1263 = arith.addi %xor3A_1251, %add3A_1262 : vector<16xi32>
      %select_n3A_1264 = arith.select %lt3A_1260, %add3A_1263, %xor3A_1251 : vector<16xi1>, vector<16xi32>
      %broadcast_in_dim3A_1265 = vector.shape_cast %select_n3A_1264 : vector<16xi32> to vector<16x1xi32>
      %gather3A_1266 = vector.shape_cast %broadcast_in_dim3A_1265 : vector<16x1xi32> to vector<16xi32>
      %gather3A_1267 = tpu.dynamic_gather %add3A_625[%gather3A_1266] in [0] : vector<16xf32>, vector<16xi32> -> vector<16xf32>
      %lt3A_1268 = arith.constant 0 : i32
      %lt3A_1269 = vector.broadcast %lt3A_1268 : i32 to vector<16xi32>
      %lt3A_1270 = arith.cmpi slt, %xor3A_1251, %lt3A_1269 : vector<16xi32>
      %add3A_1271 = arith.constant 16 : i32
      %add3A_1272 = vector.broadcast %add3A_1271 : i32 to vector<16xi32>
      %add3A_1273 = arith.addi %xor3A_1251, %add3A_1272 : vector<16xi32>
      %select_n3A_1274 = arith.select %lt3A_1270, %add3A_1273, %xor3A_1251 : vector<16xi1>, vector<16xi32>
      %broadcast_in_dim3A_1275 = vector.shape_cast %select_n3A_1274 : vector<16xi32> to vector<16x1xi32>
      %gather3A_1276 = vector.shape_cast %broadcast_in_dim3A_1275 : vector<16x1xi32> to vector<16xi32>
      %gather3A_1277 = tpu.dynamic_gather %add3A_648[%gather3A_1276] in [0] : vector<16xf32>, vector<16xi32> -> vector<16xf32>
      %select_n3A_1278 = arith.select %eq3A_1257, %add3A_625, %gather3A_1277 : vector<16xi1>, vector<16xf32>
      %select_n3A_1279 = arith.select %eq3A_1257, %gather3A_1267, %add3A_648 : vector<16xi1>, vector<16xf32>
      %add3A_1280 = arith.addf %select_n3A_1278, %select_n3A_1279 : vector<16xf32>
      %xor3A_1281 = arith.constant 1 : i32
      %xor3A_1282 = vector.broadcast %xor3A_1281 : i32 to vector<16xi32>
      %xor3A_1283 = arith.xori %iota3A, %xor3A_1282 : vector<16xi32>
      %and3A_1284 = arith.constant 1 : i32
      %and3A_1285 = vector.broadcast %and3A_1284 : i32 to vector<16xi32>
      %and3A_1286 = arith.andi %iota3A, %and3A_1285 : vector<16xi32>
      %eq3A_1287 = arith.constant 0 : i32
      %eq3A_1288 = vector.broadcast %eq3A_1287 : i32 to vector<16xi32>
      %eq3A_1289 = arith.cmpi eq, %and3A_1286, %eq3A_1288 : vector<16xi32>
      %lt3A_1290 = arith.constant 0 : i32
      %lt3A_1291 = vector.broadcast %lt3A_1290 : i32 to vector<16xi32>
      %lt3A_1292 = arith.cmpi slt, %xor3A_1283, %lt3A_1291 : vector<16xi32>
      %add3A_1293 = arith.constant 16 : i32
      %add3A_1294 = vector.broadcast %add3A_1293 : i32 to vector<16xi32>
      %add3A_1295 = arith.addi %xor3A_1283, %add3A_1294 : vector<16xi32>
      %select_n3A_1296 = arith.select %lt3A_1292, %add3A_1295, %xor3A_1283 : vector<16xi1>, vector<16xi32>
      %broadcast_in_dim3A_1297 = vector.shape_cast %select_n3A_1296 : vector<16xi32> to vector<16x1xi32>
      %gather3A_1298 = vector.shape_cast %broadcast_in_dim3A_1297 : vector<16x1xi32> to vector<16xi32>
      %gather3A_1299 = tpu.dynamic_gather %add3A_833[%gather3A_1298] in [0] : vector<16xf32>, vector<16xi32> -> vector<16xf32>
      %lt3A_1300 = arith.constant 0 : i32
      %lt3A_1301 = vector.broadcast %lt3A_1300 : i32 to vector<16xi32>
      %lt3A_1302 = arith.cmpi slt, %xor3A_1283, %lt3A_1301 : vector<16xi32>
      %add3A_1303 = arith.constant 16 : i32
      %add3A_1304 = vector.broadcast %add3A_1303 : i32 to vector<16xi32>
      %add3A_1305 = arith.addi %xor3A_1283, %add3A_1304 : vector<16xi32>
      %select_n3A_1306 = arith.select %lt3A_1302, %add3A_1305, %xor3A_1283 : vector<16xi1>, vector<16xi32>
      %broadcast_in_dim3A_1307 = vector.shape_cast %select_n3A_1306 : vector<16xi32> to vector<16x1xi32>
      %gather3A_1308 = vector.shape_cast %broadcast_in_dim3A_1307 : vector<16x1xi32> to vector<16xi32>
      %gather3A_1309 = tpu.dynamic_gather %add3A_856[%gather3A_1308] in [0] : vector<16xf32>, vector<16xi32> -> vector<16xf32>
      %select_n3A_1310 = arith.select %eq3A_1289, %add3A_833, %gather3A_1309 : vector<16xi1>, vector<16xf32>
      %select_n3A_1311 = arith.select %eq3A_1289, %gather3A_1299, %add3A_856 : vector<16xi1>, vector<16xf32>
      %add3A_1312 = arith.addf %select_n3A_1310, %select_n3A_1311 : vector<16xf32>
      %xor3A_1313 = arith.constant 1 : i32
      %xor3A_1314 = vector.broadcast %xor3A_1313 : i32 to vector<16xi32>
      %xor3A_1315 = arith.xori %iota3A, %xor3A_1314 : vector<16xi32>
      %and3A_1316 = arith.constant 1 : i32
      %and3A_1317 = vector.broadcast %and3A_1316 : i32 to vector<16xi32>
      %and3A_1318 = arith.andi %iota3A, %and3A_1317 : vector<16xi32>
      %eq3A_1319 = arith.constant 0 : i32
      %eq3A_1320 = vector.broadcast %eq3A_1319 : i32 to vector<16xi32>
      %eq3A_1321 = arith.cmpi eq, %and3A_1318, %eq3A_1320 : vector<16xi32>
      %lt3A_1322 = arith.constant 0 : i32
      %lt3A_1323 = vector.broadcast %lt3A_1322 : i32 to vector<16xi32>
      %lt3A_1324 = arith.cmpi slt, %xor3A_1315, %lt3A_1323 : vector<16xi32>
      %add3A_1325 = arith.constant 16 : i32
      %add3A_1326 = vector.broadcast %add3A_1325 : i32 to vector<16xi32>
      %add3A_1327 = arith.addi %xor3A_1315, %add3A_1326 : vector<16xi32>
      %select_n3A_1328 = arith.select %lt3A_1324, %add3A_1327, %xor3A_1315 : vector<16xi1>, vector<16xi32>
      %broadcast_in_dim3A_1329 = vector.shape_cast %select_n3A_1328 : vector<16xi32> to vector<16x1xi32>
      %gather3A_1330 = vector.shape_cast %broadcast_in_dim3A_1329 : vector<16x1xi32> to vector<16xi32>
      %gather3A_1331 = tpu.dynamic_gather %add3A_879[%gather3A_1330] in [0] : vector<16xf32>, vector<16xi32> -> vector<16xf32>
      %lt3A_1332 = arith.constant 0 : i32
      %lt3A_1333 = vector.broadcast %lt3A_1332 : i32 to vector<16xi32>
      %lt3A_1334 = arith.cmpi slt, %xor3A_1315, %lt3A_1333 : vector<16xi32>
      %add3A_1335 = arith.constant 16 : i32
      %add3A_1336 = vector.broadcast %add3A_1335 : i32 to vector<16xi32>
      %add3A_1337 = arith.addi %xor3A_1315, %add3A_1336 : vector<16xi32>
      %select_n3A_1338 = arith.select %lt3A_1334, %add3A_1337, %xor3A_1315 : vector<16xi1>, vector<16xi32>
      %broadcast_in_dim3A_1339 = vector.shape_cast %select_n3A_1338 : vector<16xi32> to vector<16x1xi32>
      %gather3A_1340 = vector.shape_cast %broadcast_in_dim3A_1339 : vector<16x1xi32> to vector<16xi32>
      %gather3A_1341 = tpu.dynamic_gather %add3A_902[%gather3A_1340] in [0] : vector<16xf32>, vector<16xi32> -> vector<16xf32>
      %select_n3A_1342 = arith.select %eq3A_1321, %add3A_879, %gather3A_1341 : vector<16xi1>, vector<16xf32>
      %select_n3A_1343 = arith.select %eq3A_1321, %gather3A_1331, %add3A_902 : vector<16xi1>, vector<16xf32>
      %add3A_1344 = arith.addf %select_n3A_1342, %select_n3A_1343 : vector<16xf32>
      %xor3A_1345 = arith.constant 1 : i32
      %xor3A_1346 = vector.broadcast %xor3A_1345 : i32 to vector<16xi32>
      %xor3A_1347 = arith.xori %iota3A, %xor3A_1346 : vector<16xi32>
      %and3A_1348 = arith.constant 1 : i32
      %and3A_1349 = vector.broadcast %and3A_1348 : i32 to vector<16xi32>
      %and3A_1350 = arith.andi %iota3A, %and3A_1349 : vector<16xi32>
      %eq3A_1351 = arith.constant 0 : i32
      %eq3A_1352 = vector.broadcast %eq3A_1351 : i32 to vector<16xi32>
      %eq3A_1353 = arith.cmpi eq, %and3A_1350, %eq3A_1352 : vector<16xi32>
      %lt3A_1354 = arith.constant 0 : i32
      %lt3A_1355 = vector.broadcast %lt3A_1354 : i32 to vector<16xi32>
      %lt3A_1356 = arith.cmpi slt, %xor3A_1347, %lt3A_1355 : vector<16xi32>
      %add3A_1357 = arith.constant 16 : i32
      %add3A_1358 = vector.broadcast %add3A_1357 : i32 to vector<16xi32>
      %add3A_1359 = arith.addi %xor3A_1347, %add3A_1358 : vector<16xi32>
      %select_n3A_1360 = arith.select %lt3A_1356, %add3A_1359, %xor3A_1347 : vector<16xi1>, vector<16xi32>
      %broadcast_in_dim3A_1361 = vector.shape_cast %select_n3A_1360 : vector<16xi32> to vector<16x1xi32>
      %gather3A_1362 = vector.shape_cast %broadcast_in_dim3A_1361 : vector<16x1xi32> to vector<16xi32>
      %gather3A_1363 = tpu.dynamic_gather %add3A_1087[%gather3A_1362] in [0] : vector<16xf32>, vector<16xi32> -> vector<16xf32>
      %lt3A_1364 = arith.constant 0 : i32
      %lt3A_1365 = vector.broadcast %lt3A_1364 : i32 to vector<16xi32>
      %lt3A_1366 = arith.cmpi slt, %xor3A_1347, %lt3A_1365 : vector<16xi32>
      %add3A_1367 = arith.constant 16 : i32
      %add3A_1368 = vector.broadcast %add3A_1367 : i32 to vector<16xi32>
      %add3A_1369 = arith.addi %xor3A_1347, %add3A_1368 : vector<16xi32>
      %select_n3A_1370 = arith.select %lt3A_1366, %add3A_1369, %xor3A_1347 : vector<16xi1>, vector<16xi32>
      %broadcast_in_dim3A_1371 = vector.shape_cast %select_n3A_1370 : vector<16xi32> to vector<16x1xi32>
      %gather3A_1372 = vector.shape_cast %broadcast_in_dim3A_1371 : vector<16x1xi32> to vector<16xi32>
      %gather3A_1373 = tpu.dynamic_gather %add3A_1110[%gather3A_1372] in [0] : vector<16xf32>, vector<16xi32> -> vector<16xf32>
      %select_n3A_1374 = arith.select %eq3A_1353, %add3A_1087, %gather3A_1373 : vector<16xi1>, vector<16xf32>
      %select_n3A_1375 = arith.select %eq3A_1353, %gather3A_1363, %add3A_1110 : vector<16xi1>, vector<16xf32>
      %add3A_1376 = arith.addf %select_n3A_1374, %select_n3A_1375 : vector<16xf32>
      %xor3A_1377 = arith.constant 1 : i32
      %xor3A_1378 = vector.broadcast %xor3A_1377 : i32 to vector<16xi32>
      %xor3A_1379 = arith.xori %iota3A, %xor3A_1378 : vector<16xi32>
      %and3A_1380 = arith.constant 1 : i32
      %and3A_1381 = vector.broadcast %and3A_1380 : i32 to vector<16xi32>
      %and3A_1382 = arith.andi %iota3A, %and3A_1381 : vector<16xi32>
      %eq3A_1383 = arith.constant 0 : i32
      %eq3A_1384 = vector.broadcast %eq3A_1383 : i32 to vector<16xi32>
      %eq3A_1385 = arith.cmpi eq, %and3A_1382, %eq3A_1384 : vector<16xi32>
      %lt3A_1386 = arith.constant 0 : i32
      %lt3A_1387 = vector.broadcast %lt3A_1386 : i32 to vector<16xi32>
      %lt3A_1388 = arith.cmpi slt, %xor3A_1379, %lt3A_1387 : vector<16xi32>
      %add3A_1389 = arith.constant 16 : i32
      %add3A_1390 = vector.broadcast %add3A_1389 : i32 to vector<16xi32>
      %add3A_1391 = arith.addi %xor3A_1379, %add3A_1390 : vector<16xi32>
      %select_n3A_1392 = arith.select %lt3A_1388, %add3A_1391, %xor3A_1379 : vector<16xi1>, vector<16xi32>
      %broadcast_in_dim3A_1393 = vector.shape_cast %select_n3A_1392 : vector<16xi32> to vector<16x1xi32>
      %gather3A_1394 = vector.shape_cast %broadcast_in_dim3A_1393 : vector<16x1xi32> to vector<16xi32>
      %gather3A_1395 = tpu.dynamic_gather %add3A_1133[%gather3A_1394] in [0] : vector<16xf32>, vector<16xi32> -> vector<16xf32>
      %lt3A_1396 = arith.constant 0 : i32
      %lt3A_1397 = vector.broadcast %lt3A_1396 : i32 to vector<16xi32>
      %lt3A_1398 = arith.cmpi slt, %xor3A_1379, %lt3A_1397 : vector<16xi32>
      %add3A_1399 = arith.constant 16 : i32
      %add3A_1400 = vector.broadcast %add3A_1399 : i32 to vector<16xi32>
      %add3A_1401 = arith.addi %xor3A_1379, %add3A_1400 : vector<16xi32>
      %select_n3A_1402 = arith.select %lt3A_1398, %add3A_1401, %xor3A_1379 : vector<16xi1>, vector<16xi32>
      %broadcast_in_dim3A_1403 = vector.shape_cast %select_n3A_1402 : vector<16xi32> to vector<16x1xi32>
      %gather3A_1404 = vector.shape_cast %broadcast_in_dim3A_1403 : vector<16x1xi32> to vector<16xi32>
      %gather3A_1405 = tpu.dynamic_gather %add3A_1156[%gather3A_1404] in [0] : vector<16xf32>, vector<16xi32> -> vector<16xf32>
      %select_n3A_1406 = arith.select %eq3A_1385, %add3A_1133, %gather3A_1405 : vector<16xi1>, vector<16xf32>
      %select_n3A_1407 = arith.select %eq3A_1385, %gather3A_1395, %add3A_1156 : vector<16xi1>, vector<16xf32>
      %add3A_1408 = arith.addf %select_n3A_1406, %select_n3A_1407 : vector<16xf32>
      %xor3A_1409 = arith.constant 2 : i32
      %xor3A_1410 = vector.broadcast %xor3A_1409 : i32 to vector<16xi32>
      %xor3A_1411 = arith.xori %iota3A, %xor3A_1410 : vector<16xi32>
      %and3A_1412 = arith.constant 2 : i32
      %and3A_1413 = vector.broadcast %and3A_1412 : i32 to vector<16xi32>
      %and3A_1414 = arith.andi %iota3A, %and3A_1413 : vector<16xi32>
      %eq3A_1415 = arith.constant 0 : i32
      %eq3A_1416 = vector.broadcast %eq3A_1415 : i32 to vector<16xi32>
      %eq3A_1417 = arith.cmpi eq, %and3A_1414, %eq3A_1416 : vector<16xi32>
      %lt3A_1418 = arith.constant 0 : i32
      %lt3A_1419 = vector.broadcast %lt3A_1418 : i32 to vector<16xi32>
      %lt3A_1420 = arith.cmpi slt, %xor3A_1411, %lt3A_1419 : vector<16xi32>
      %add3A_1421 = arith.constant 16 : i32
      %add3A_1422 = vector.broadcast %add3A_1421 : i32 to vector<16xi32>
      %add3A_1423 = arith.addi %xor3A_1411, %add3A_1422 : vector<16xi32>
      %select_n3A_1424 = arith.select %lt3A_1420, %add3A_1423, %xor3A_1411 : vector<16xi1>, vector<16xi32>
      %broadcast_in_dim3A_1425 = vector.shape_cast %select_n3A_1424 : vector<16xi32> to vector<16x1xi32>
      %gather3A_1426 = vector.shape_cast %broadcast_in_dim3A_1425 : vector<16x1xi32> to vector<16xi32>
      %gather3A_1427 = tpu.dynamic_gather %add3A_1184[%gather3A_1426] in [0] : vector<16xf32>, vector<16xi32> -> vector<16xf32>
      %lt3A_1428 = arith.constant 0 : i32
      %lt3A_1429 = vector.broadcast %lt3A_1428 : i32 to vector<16xi32>
      %lt3A_1430 = arith.cmpi slt, %xor3A_1411, %lt3A_1429 : vector<16xi32>
      %add3A_1431 = arith.constant 16 : i32
      %add3A_1432 = vector.broadcast %add3A_1431 : i32 to vector<16xi32>
      %add3A_1433 = arith.addi %xor3A_1411, %add3A_1432 : vector<16xi32>
      %select_n3A_1434 = arith.select %lt3A_1430, %add3A_1433, %xor3A_1411 : vector<16xi1>, vector<16xi32>
      %broadcast_in_dim3A_1435 = vector.shape_cast %select_n3A_1434 : vector<16xi32> to vector<16x1xi32>
      %gather3A_1436 = vector.shape_cast %broadcast_in_dim3A_1435 : vector<16x1xi32> to vector<16xi32>
      %gather3A_1437 = tpu.dynamic_gather %add3A_1216[%gather3A_1436] in [0] : vector<16xf32>, vector<16xi32> -> vector<16xf32>
      %select_n3A_1438 = arith.select %eq3A_1417, %add3A_1184, %gather3A_1437 : vector<16xi1>, vector<16xf32>
      %select_n3A_1439 = arith.select %eq3A_1417, %gather3A_1427, %add3A_1216 : vector<16xi1>, vector<16xf32>
      %add3A_1440 = arith.addf %select_n3A_1438, %select_n3A_1439 : vector<16xf32>
      %xor3A_1441 = arith.constant 2 : i32
      %xor3A_1442 = vector.broadcast %xor3A_1441 : i32 to vector<16xi32>
      %xor3A_1443 = arith.xori %iota3A, %xor3A_1442 : vector<16xi32>
      %and3A_1444 = arith.constant 2 : i32
      %and3A_1445 = vector.broadcast %and3A_1444 : i32 to vector<16xi32>
      %and3A_1446 = arith.andi %iota3A, %and3A_1445 : vector<16xi32>
      %eq3A_1447 = arith.constant 0 : i32
      %eq3A_1448 = vector.broadcast %eq3A_1447 : i32 to vector<16xi32>
      %eq3A_1449 = arith.cmpi eq, %and3A_1446, %eq3A_1448 : vector<16xi32>
      %lt3A_1450 = arith.constant 0 : i32
      %lt3A_1451 = vector.broadcast %lt3A_1450 : i32 to vector<16xi32>
      %lt3A_1452 = arith.cmpi slt, %xor3A_1443, %lt3A_1451 : vector<16xi32>
      %add3A_1453 = arith.constant 16 : i32
      %add3A_1454 = vector.broadcast %add3A_1453 : i32 to vector<16xi32>
      %add3A_1455 = arith.addi %xor3A_1443, %add3A_1454 : vector<16xi32>
      %select_n3A_1456 = arith.select %lt3A_1452, %add3A_1455, %xor3A_1443 : vector<16xi1>, vector<16xi32>
      %broadcast_in_dim3A_1457 = vector.shape_cast %select_n3A_1456 : vector<16xi32> to vector<16x1xi32>
      %gather3A_1458 = vector.shape_cast %broadcast_in_dim3A_1457 : vector<16x1xi32> to vector<16xi32>
      %gather3A_1459 = tpu.dynamic_gather %add3A_1248[%gather3A_1458] in [0] : vector<16xf32>, vector<16xi32> -> vector<16xf32>
      %lt3A_1460 = arith.constant 0 : i32
      %lt3A_1461 = vector.broadcast %lt3A_1460 : i32 to vector<16xi32>
      %lt3A_1462 = arith.cmpi slt, %xor3A_1443, %lt3A_1461 : vector<16xi32>
      %add3A_1463 = arith.constant 16 : i32
      %add3A_1464 = vector.broadcast %add3A_1463 : i32 to vector<16xi32>
      %add3A_1465 = arith.addi %xor3A_1443, %add3A_1464 : vector<16xi32>
      %select_n3A_1466 = arith.select %lt3A_1462, %add3A_1465, %xor3A_1443 : vector<16xi1>, vector<16xi32>
      %broadcast_in_dim3A_1467 = vector.shape_cast %select_n3A_1466 : vector<16xi32> to vector<16x1xi32>
      %gather3A_1468 = vector.shape_cast %broadcast_in_dim3A_1467 : vector<16x1xi32> to vector<16xi32>
      %gather3A_1469 = tpu.dynamic_gather %add3A_1280[%gather3A_1468] in [0] : vector<16xf32>, vector<16xi32> -> vector<16xf32>
      %select_n3A_1470 = arith.select %eq3A_1449, %add3A_1248, %gather3A_1469 : vector<16xi1>, vector<16xf32>
      %select_n3A_1471 = arith.select %eq3A_1449, %gather3A_1459, %add3A_1280 : vector<16xi1>, vector<16xf32>
      %add3A_1472 = arith.addf %select_n3A_1470, %select_n3A_1471 : vector<16xf32>
      %xor3A_1473 = arith.constant 2 : i32
      %xor3A_1474 = vector.broadcast %xor3A_1473 : i32 to vector<16xi32>
      %xor3A_1475 = arith.xori %iota3A, %xor3A_1474 : vector<16xi32>
      %and3A_1476 = arith.constant 2 : i32
      %and3A_1477 = vector.broadcast %and3A_1476 : i32 to vector<16xi32>
      %and3A_1478 = arith.andi %iota3A, %and3A_1477 : vector<16xi32>
      %eq3A_1479 = arith.constant 0 : i32
      %eq3A_1480 = vector.broadcast %eq3A_1479 : i32 to vector<16xi32>
      %eq3A_1481 = arith.cmpi eq, %and3A_1478, %eq3A_1480 : vector<16xi32>
      %lt3A_1482 = arith.constant 0 : i32
      %lt3A_1483 = vector.broadcast %lt3A_1482 : i32 to vector<16xi32>
      %lt3A_1484 = arith.cmpi slt, %xor3A_1475, %lt3A_1483 : vector<16xi32>
      %add3A_1485 = arith.constant 16 : i32
      %add3A_1486 = vector.broadcast %add3A_1485 : i32 to vector<16xi32>
      %add3A_1487 = arith.addi %xor3A_1475, %add3A_1486 : vector<16xi32>
      %select_n3A_1488 = arith.select %lt3A_1484, %add3A_1487, %xor3A_1475 : vector<16xi1>, vector<16xi32>
      %broadcast_in_dim3A_1489 = vector.shape_cast %select_n3A_1488 : vector<16xi32> to vector<16x1xi32>
      %gather3A_1490 = vector.shape_cast %broadcast_in_dim3A_1489 : vector<16x1xi32> to vector<16xi32>
      %gather3A_1491 = tpu.dynamic_gather %add3A_1312[%gather3A_1490] in [0] : vector<16xf32>, vector<16xi32> -> vector<16xf32>
      %lt3A_1492 = arith.constant 0 : i32
      %lt3A_1493 = vector.broadcast %lt3A_1492 : i32 to vector<16xi32>
      %lt3A_1494 = arith.cmpi slt, %xor3A_1475, %lt3A_1493 : vector<16xi32>
      %add3A_1495 = arith.constant 16 : i32
      %add3A_1496 = vector.broadcast %add3A_1495 : i32 to vector<16xi32>
      %add3A_1497 = arith.addi %xor3A_1475, %add3A_1496 : vector<16xi32>
      %select_n3A_1498 = arith.select %lt3A_1494, %add3A_1497, %xor3A_1475 : vector<16xi1>, vector<16xi32>
      %broadcast_in_dim3A_1499 = vector.shape_cast %select_n3A_1498 : vector<16xi32> to vector<16x1xi32>
      %gather3A_1500 = vector.shape_cast %broadcast_in_dim3A_1499 : vector<16x1xi32> to vector<16xi32>
      %gather3A_1501 = tpu.dynamic_gather %add3A_1344[%gather3A_1500] in [0] : vector<16xf32>, vector<16xi32> -> vector<16xf32>
      %select_n3A_1502 = arith.select %eq3A_1481, %add3A_1312, %gather3A_1501 : vector<16xi1>, vector<16xf32>
      %select_n3A_1503 = arith.select %eq3A_1481, %gather3A_1491, %add3A_1344 : vector<16xi1>, vector<16xf32>
      %add3A_1504 = arith.addf %select_n3A_1502, %select_n3A_1503 : vector<16xf32>
      %xor3A_1505 = arith.constant 2 : i32
      %xor3A_1506 = vector.broadcast %xor3A_1505 : i32 to vector<16xi32>
      %xor3A_1507 = arith.xori %iota3A, %xor3A_1506 : vector<16xi32>
      %and3A_1508 = arith.constant 2 : i32
      %and3A_1509 = vector.broadcast %and3A_1508 : i32 to vector<16xi32>
      %and3A_1510 = arith.andi %iota3A, %and3A_1509 : vector<16xi32>
      %eq3A_1511 = arith.constant 0 : i32
      %eq3A_1512 = vector.broadcast %eq3A_1511 : i32 to vector<16xi32>
      %eq3A_1513 = arith.cmpi eq, %and3A_1510, %eq3A_1512 : vector<16xi32>
      %lt3A_1514 = arith.constant 0 : i32
      %lt3A_1515 = vector.broadcast %lt3A_1514 : i32 to vector<16xi32>
      %lt3A_1516 = arith.cmpi slt, %xor3A_1507, %lt3A_1515 : vector<16xi32>
      %add3A_1517 = arith.constant 16 : i32
      %add3A_1518 = vector.broadcast %add3A_1517 : i32 to vector<16xi32>
      %add3A_1519 = arith.addi %xor3A_1507, %add3A_1518 : vector<16xi32>
      %select_n3A_1520 = arith.select %lt3A_1516, %add3A_1519, %xor3A_1507 : vector<16xi1>, vector<16xi32>
      %broadcast_in_dim3A_1521 = vector.shape_cast %select_n3A_1520 : vector<16xi32> to vector<16x1xi32>
      %gather3A_1522 = vector.shape_cast %broadcast_in_dim3A_1521 : vector<16x1xi32> to vector<16xi32>
      %gather3A_1523 = tpu.dynamic_gather %add3A_1376[%gather3A_1522] in [0] : vector<16xf32>, vector<16xi32> -> vector<16xf32>
      %lt3A_1524 = arith.constant 0 : i32
      %lt3A_1525 = vector.broadcast %lt3A_1524 : i32 to vector<16xi32>
      %lt3A_1526 = arith.cmpi slt, %xor3A_1507, %lt3A_1525 : vector<16xi32>
      %add3A_1527 = arith.constant 16 : i32
      %add3A_1528 = vector.broadcast %add3A_1527 : i32 to vector<16xi32>
      %add3A_1529 = arith.addi %xor3A_1507, %add3A_1528 : vector<16xi32>
      %select_n3A_1530 = arith.select %lt3A_1526, %add3A_1529, %xor3A_1507 : vector<16xi1>, vector<16xi32>
      %broadcast_in_dim3A_1531 = vector.shape_cast %select_n3A_1530 : vector<16xi32> to vector<16x1xi32>
      %gather3A_1532 = vector.shape_cast %broadcast_in_dim3A_1531 : vector<16x1xi32> to vector<16xi32>
      %gather3A_1533 = tpu.dynamic_gather %add3A_1408[%gather3A_1532] in [0] : vector<16xf32>, vector<16xi32> -> vector<16xf32>
      %select_n3A_1534 = arith.select %eq3A_1513, %add3A_1376, %gather3A_1533 : vector<16xi1>, vector<16xf32>
      %select_n3A_1535 = arith.select %eq3A_1513, %gather3A_1523, %add3A_1408 : vector<16xi1>, vector<16xf32>
      %add3A_1536 = arith.addf %select_n3A_1534, %select_n3A_1535 : vector<16xf32>
      %xor3A_1537 = arith.constant 4 : i32
      %xor3A_1538 = vector.broadcast %xor3A_1537 : i32 to vector<16xi32>
      %xor3A_1539 = arith.xori %iota3A, %xor3A_1538 : vector<16xi32>
      %and3A_1540 = arith.constant 4 : i32
      %and3A_1541 = vector.broadcast %and3A_1540 : i32 to vector<16xi32>
      %and3A_1542 = arith.andi %iota3A, %and3A_1541 : vector<16xi32>
      %eq3A_1543 = arith.constant 0 : i32
      %eq3A_1544 = vector.broadcast %eq3A_1543 : i32 to vector<16xi32>
      %eq3A_1545 = arith.cmpi eq, %and3A_1542, %eq3A_1544 : vector<16xi32>
      %lt3A_1546 = arith.constant 0 : i32
      %lt3A_1547 = vector.broadcast %lt3A_1546 : i32 to vector<16xi32>
      %lt3A_1548 = arith.cmpi slt, %xor3A_1539, %lt3A_1547 : vector<16xi32>
      %add3A_1549 = arith.constant 16 : i32
      %add3A_1550 = vector.broadcast %add3A_1549 : i32 to vector<16xi32>
      %add3A_1551 = arith.addi %xor3A_1539, %add3A_1550 : vector<16xi32>
      %select_n3A_1552 = arith.select %lt3A_1548, %add3A_1551, %xor3A_1539 : vector<16xi1>, vector<16xi32>
      %broadcast_in_dim3A_1553 = vector.shape_cast %select_n3A_1552 : vector<16xi32> to vector<16x1xi32>
      %gather3A_1554 = vector.shape_cast %broadcast_in_dim3A_1553 : vector<16x1xi32> to vector<16xi32>
      %gather3A_1555 = tpu.dynamic_gather %add3A_1440[%gather3A_1554] in [0] : vector<16xf32>, vector<16xi32> -> vector<16xf32>
      %lt3A_1556 = arith.constant 0 : i32
      %lt3A_1557 = vector.broadcast %lt3A_1556 : i32 to vector<16xi32>
      %lt3A_1558 = arith.cmpi slt, %xor3A_1539, %lt3A_1557 : vector<16xi32>
      %add3A_1559 = arith.constant 16 : i32
      %add3A_1560 = vector.broadcast %add3A_1559 : i32 to vector<16xi32>
      %add3A_1561 = arith.addi %xor3A_1539, %add3A_1560 : vector<16xi32>
      %select_n3A_1562 = arith.select %lt3A_1558, %add3A_1561, %xor3A_1539 : vector<16xi1>, vector<16xi32>
      %broadcast_in_dim3A_1563 = vector.shape_cast %select_n3A_1562 : vector<16xi32> to vector<16x1xi32>
      %gather3A_1564 = vector.shape_cast %broadcast_in_dim3A_1563 : vector<16x1xi32> to vector<16xi32>
      %gather3A_1565 = tpu.dynamic_gather %add3A_1472[%gather3A_1564] in [0] : vector<16xf32>, vector<16xi32> -> vector<16xf32>
      %select_n3A_1566 = arith.select %eq3A_1545, %add3A_1440, %gather3A_1565 : vector<16xi1>, vector<16xf32>
      %select_n3A_1567 = arith.select %eq3A_1545, %gather3A_1555, %add3A_1472 : vector<16xi1>, vector<16xf32>
      %add3A_1568 = arith.addf %select_n3A_1566, %select_n3A_1567 : vector<16xf32>
      %xor3A_1569 = arith.constant 4 : i32
      %xor3A_1570 = vector.broadcast %xor3A_1569 : i32 to vector<16xi32>
      %xor3A_1571 = arith.xori %iota3A, %xor3A_1570 : vector<16xi32>
      %and3A_1572 = arith.constant 4 : i32
      %and3A_1573 = vector.broadcast %and3A_1572 : i32 to vector<16xi32>
      %and3A_1574 = arith.andi %iota3A, %and3A_1573 : vector<16xi32>
      %eq3A_1575 = arith.constant 0 : i32
      %eq3A_1576 = vector.broadcast %eq3A_1575 : i32 to vector<16xi32>
      %eq3A_1577 = arith.cmpi eq, %and3A_1574, %eq3A_1576 : vector<16xi32>
      %lt3A_1578 = arith.constant 0 : i32
      %lt3A_1579 = vector.broadcast %lt3A_1578 : i32 to vector<16xi32>
      %lt3A_1580 = arith.cmpi slt, %xor3A_1571, %lt3A_1579 : vector<16xi32>
      %add3A_1581 = arith.constant 16 : i32
      %add3A_1582 = vector.broadcast %add3A_1581 : i32 to vector<16xi32>
      %add3A_1583 = arith.addi %xor3A_1571, %add3A_1582 : vector<16xi32>
      %select_n3A_1584 = arith.select %lt3A_1580, %add3A_1583, %xor3A_1571 : vector<16xi1>, vector<16xi32>
      %broadcast_in_dim3A_1585 = vector.shape_cast %select_n3A_1584 : vector<16xi32> to vector<16x1xi32>
      %gather3A_1586 = vector.shape_cast %broadcast_in_dim3A_1585 : vector<16x1xi32> to vector<16xi32>
      %gather3A_1587 = tpu.dynamic_gather %add3A_1504[%gather3A_1586] in [0] : vector<16xf32>, vector<16xi32> -> vector<16xf32>
      %lt3A_1588 = arith.constant 0 : i32
      %lt3A_1589 = vector.broadcast %lt3A_1588 : i32 to vector<16xi32>
      %lt3A_1590 = arith.cmpi slt, %xor3A_1571, %lt3A_1589 : vector<16xi32>
      %add3A_1591 = arith.constant 16 : i32
      %add3A_1592 = vector.broadcast %add3A_1591 : i32 to vector<16xi32>
      %add3A_1593 = arith.addi %xor3A_1571, %add3A_1592 : vector<16xi32>
      %select_n3A_1594 = arith.select %lt3A_1590, %add3A_1593, %xor3A_1571 : vector<16xi1>, vector<16xi32>
      %broadcast_in_dim3A_1595 = vector.shape_cast %select_n3A_1594 : vector<16xi32> to vector<16x1xi32>
      %gather3A_1596 = vector.shape_cast %broadcast_in_dim3A_1595 : vector<16x1xi32> to vector<16xi32>
      %gather3A_1597 = tpu.dynamic_gather %add3A_1536[%gather3A_1596] in [0] : vector<16xf32>, vector<16xi32> -> vector<16xf32>
      %select_n3A_1598 = arith.select %eq3A_1577, %add3A_1504, %gather3A_1597 : vector<16xi1>, vector<16xf32>
      %select_n3A_1599 = arith.select %eq3A_1577, %gather3A_1587, %add3A_1536 : vector<16xi1>, vector<16xf32>
      %add3A_1600 = arith.addf %select_n3A_1598, %select_n3A_1599 : vector<16xf32>
      %xor3A_1601 = arith.constant 8 : i32
      %xor3A_1602 = vector.broadcast %xor3A_1601 : i32 to vector<16xi32>
      %xor3A_1603 = arith.xori %iota3A, %xor3A_1602 : vector<16xi32>
      %and3A_1604 = arith.constant 8 : i32
      %and3A_1605 = vector.broadcast %and3A_1604 : i32 to vector<16xi32>
      %and3A_1606 = arith.andi %iota3A, %and3A_1605 : vector<16xi32>
      %eq3A_1607 = arith.constant 0 : i32
      %eq3A_1608 = vector.broadcast %eq3A_1607 : i32 to vector<16xi32>
      %eq3A_1609 = arith.cmpi eq, %and3A_1606, %eq3A_1608 : vector<16xi32>
      %lt3A_1610 = arith.constant 0 : i32
      %lt3A_1611 = vector.broadcast %lt3A_1610 : i32 to vector<16xi32>
      %lt3A_1612 = arith.cmpi slt, %xor3A_1603, %lt3A_1611 : vector<16xi32>
      %add3A_1613 = arith.constant 16 : i32
      %add3A_1614 = vector.broadcast %add3A_1613 : i32 to vector<16xi32>
      %add3A_1615 = arith.addi %xor3A_1603, %add3A_1614 : vector<16xi32>
      %select_n3A_1616 = arith.select %lt3A_1612, %add3A_1615, %xor3A_1603 : vector<16xi1>, vector<16xi32>
      %broadcast_in_dim3A_1617 = vector.shape_cast %select_n3A_1616 : vector<16xi32> to vector<16x1xi32>
      %gather3A_1618 = vector.shape_cast %broadcast_in_dim3A_1617 : vector<16x1xi32> to vector<16xi32>
      %gather3A_1619 = tpu.dynamic_gather %add3A_1568[%gather3A_1618] in [0] : vector<16xf32>, vector<16xi32> -> vector<16xf32>
      %lt3A_1620 = arith.constant 0 : i32
      %lt3A_1621 = vector.broadcast %lt3A_1620 : i32 to vector<16xi32>
      %lt3A_1622 = arith.cmpi slt, %xor3A_1603, %lt3A_1621 : vector<16xi32>
      %add3A_1623 = arith.constant 16 : i32
      %add3A_1624 = vector.broadcast %add3A_1623 : i32 to vector<16xi32>
      %add3A_1625 = arith.addi %xor3A_1603, %add3A_1624 : vector<16xi32>
      %select_n3A_1626 = arith.select %lt3A_1622, %add3A_1625, %xor3A_1603 : vector<16xi1>, vector<16xi32>
      %broadcast_in_dim3A_1627 = vector.shape_cast %select_n3A_1626 : vector<16xi32> to vector<16x1xi32>
      %gather3A_1628 = vector.shape_cast %broadcast_in_dim3A_1627 : vector<16x1xi32> to vector<16xi32>
      %gather3A_1629 = tpu.dynamic_gather %add3A_1600[%gather3A_1628] in [0] : vector<16xf32>, vector<16xi32> -> vector<16xf32>
      %select_n3A_1630 = arith.select %eq3A_1609, %add3A_1568, %gather3A_1629 : vector<16xi1>, vector<16xf32>
      %select_n3A_1631 = arith.select %eq3A_1609, %gather3A_1619, %add3A_1600 : vector<16xi1>, vector<16xf32>
      %add3A_1632 = arith.addf %select_n3A_1630, %select_n3A_1631 : vector<16xf32>
      %mul3A_1633 = arith.constant 4 : i32
      %mul3A_1634 = arith.muli %mul3A_143, %mul3A_1633 : i32
      %swap3A = arith.index_cast %mul3A_1634 : i32 to index
      %swap3A_1635 = tpu.vector_load %arg13[%swap3A] {strides = array<i32>} : memref<512xf32, #tpu.memory_space<vmem>>, vector<16xf32>,
      tpu.vector_store %arg13[%swap3A], %add3A_1632 {strides = array<i32>} : memref<512xf32, #tpu.memory_space<vmem>>, vector<16xf32>,
    }
    %scan3A_129 = arith.constant 32 : i32
    %dma_wait3A = arith.constant 0 : i32
    %dma_wait3A_130 = arith.constant 0 : i32
    %dma_wait3A_131 = tpu.memref_slice %arg4[%dma_wait3A, %dma_wait3A_130] : memref<32x1000000xf32, #tpu.memory_space<hbm>> -> memref<32x512xf32, #tpu.memory_space<hbm>>
    %dma_wait3A_132 = arith.constant 0 : i32
    %dma_wait3A_133 = arith.constant 0 : i32
    %dma_wait3A_134 = tpu.memref_slice %arg4[%dma_wait3A_132, %dma_wait3A_133] : memref<32x1000000xf32, #tpu.memory_space<hbm>> -> memref<32x512xf32, #tpu.memory_space<hbm>>
    tpu.wait_dma2 semaphore(%arg14 : memref<!tpu.dma_semaphore, #tpu.memory_space<semaphore_mem>>) src(%dma_wait3A_134 : memref<32x512xf32, #tpu.memory_space<hbm>>) dst(%arg9 : memref<32x512xf32, #tpu.memory_space<vmem>>)
    %dma_wait3A_135 = arith.constant 0 : i32
    %dma_wait3A_136 = arith.constant 0 : i32
    %dma_wait3A_137 = tpu.memref_slice %arg5[%dma_wait3A_135, %dma_wait3A_136] : memref<32x1000000xf32, #tpu.memory_space<hbm>> -> memref<32x512xf32, #tpu.memory_space<hbm>>
    %dma_wait3A_138 = arith.constant 0 : i32
    %dma_wait3A_139 = arith.constant 0 : i32
    %dma_wait3A_140 = tpu.memref_slice %arg5[%dma_wait3A_138, %dma_wait3A_139] : memref<32x1000000xf32, #tpu.memory_space<hbm>> -> memref<32x512xf32, #tpu.memory_space<hbm>>
    tpu.wait_dma2 semaphore(%arg14 : memref<!tpu.dma_semaphore, #tpu.memory_space<semaphore_mem>>) src(%dma_wait3A_140 : memref<32x512xf32, #tpu.memory_space<hbm>>) dst(%arg10 : memref<32x512xf32, #tpu.memory_space<vmem>>)
    "tpu.region"() ({
      %run_scoped3A = tpu.sem_alloc : memref<!tpu.dma_semaphore, #tpu.memory_space<semaphore_mem>>
      %dma_start3A_141 = tpu.memref_slice %arg6[%mul3A_2] : memref<16384xf32, #tpu.memory_space<hbm>> -> memref<512xf32, #tpu.memory_space<hbm>>
      %dma_start3A_142 = tpu.memref_slice %arg6[%mul3A_2] : memref<16384xf32, #tpu.memory_space<hbm>> -> memref<512xf32, #tpu.memory_space<hbm>>
      tpu.enqueue_dma source(%arg13 : memref<512xf32, #tpu.memory_space<vmem>>) target(%dma_start3A_142 : memref<512xf32, #tpu.memory_space<hbm>>) target_semaphore(%run_scoped3A : memref<!tpu.dma_semaphore, #tpu.memory_space<semaphore_mem>>)
      %dma_wait3A_143 = tpu.memref_slice %arg6[%mul3A_2] : memref<16384xf32, #tpu.memory_space<hbm>> -> memref<512xf32, #tpu.memory_space<hbm>>
      %dma_wait3A_144 = tpu.memref_slice %arg6[%mul3A_2] : memref<16384xf32, #tpu.memory_space<hbm>> -> memref<512xf32, #tpu.memory_space<hbm>>
      tpu.wait_dma2 semaphore(%run_scoped3A : memref<!tpu.dma_semaphore, #tpu.memory_space<semaphore_mem>>) src(%arg13 : memref<512xf32, #tpu.memory_space<vmem>>) dst(%dma_wait3A_144 : memref<512xf32, #tpu.memory_space<hbm>>)
      tpu.yield
    }) : () -> ()
    return
  }
}

</mosaic_0001>

<sc_bundles>
// kernel: _pmf.3.cloned.1.call-start
scs
__scs_entry_jumppad:
0x0: {  	(pc) =	sbr.rel $0x88, $3  }
0x1: {  	(tag) =	ssettag $0x0;
	lr =	simm.s32 $0x1  }
0x2: {  	[smem:$0x3F9D] =	sst lr;
	_ =	strace $0xD0000000  }
0x3: {  	_ = 	snop  }
0x4: {  	_ = 	snop  }
0x5: {  	_ = 	snop  }
0x6: {  	_ = 	snop  }
0x7: {  	_ = 	snop  }
__scs_overlays_trampoline_lowered:
0x8: {  	[smem:$0x3FAC] =	sst s0  }
0x9: {  	[smem:$0x3FAD] =	sst s1  }
0xa: {  	[smem:$0x3FAE] =	sst s2  }
0xb: {  	[smem:$0x3FAF] =	sst s3  }
0xc: {  	[smem:$0x3FB0] =	sst s4  }
0xd: {  	[smem:$0x3FB1] =	sst s5  }
0xe: {  	[smem:$0x3FB2] =	sst s6  }
0xf: {  	[smem:$0x3FB3] =	sst s7  }
0x10: {  	[smem:$0x3FB4] =	sst s8  }
0x11: {  	[smem:$0x3FB5] =	sst s9;
	s0 =	simm.s32 @!p0 $0x0  }
0x12: {  	s1 =	sld [smem:$0x3F9B];
	s0 =	simm.s32 @p0 $0x1  }
0x13: {  	[smem:$0x3FB6] =	sst s0;
	s0 =	simm.s32 @!p1 $0x0  }
0x14: {  	s2 =	sld [smem:$0x3F9A];
	s0 =	simm.s32 @p1 $0x1  }
0x15: {  	[smem:$0x3FB7] =	sst s0;
	s0 =	simm.s32 @!p2 $0x0  }
0x16: {  	s3 =	sld [smem:$0x3FDB];
	s0 =	simm.s32 @p2 $0x1  }
0x17: {  	s4 =	simm.s32 $0x1BF5;
	[smem:$0x3FB9] =	sst s0  }
0x18: {  	s0 =	sld [smem:$0x3F9C];
	_ =	swait.ge [sflag:s4], $0x0  }
0x19: {  	s7 =	sld [smem:$0x3F9D]  }
0x1a: {  	s8 =	sadd.s32 $0xFFFFE003, lr  }
0x1b: {  	s9 =	sadd.s32 $0xFFFFFEF7, lr;
	s5 =	simm.s32 $0xFFFFFFFF;
	p2 =	slt.u32 s8, $0xFFFFF086  }
0x1c: {  	p1 =	slt.u32 s9, $0xF7A;
	s5 =	simm.s32 @!p2 $0x0  }
0x1d: {  	s5 =	simm.s32 @p1 $0x1;
	p0 =	seq.s32 s7, s2  }
0x1e: {  	s7 =	smul.u32 @!p0 $0xF7A, s2;
	p2 =	seq.s32 @!p0 s5, $0x0  }
0x1f: {  	s9 =	smul.u32 $0xF7A, s1;
	s8 =	simm.s32 @!p0 $0x1BF5;
	p2 =	por !p2, p0  }
0x20: {  	[sflag:s8] =	ssyncset.s32 @!p0 $0xFFFFF086;
	s6 =	sadd.s32 @!p0 s3, s7;
	s7 =	simm.s32 @!p0 $0x108  }
0x21: {  	s3 =	sadd.s32 s3, s9;
	s6 =	sadd.s32 @!p0 $0x88, s6;
	s7 =	simm.s32 @p2 $0x1082  }
0x22: {  	[simem:s7], [sflag:s8] =	dma.local @!p0 [hbm:s6], $0xF7A  }
0x23: {  	s9 =	sor.u32 $0xD0000000, s2;
	s6 =	simm.s32 $0x108;
	_ =	swait.ge @!p0 [sflag:s8], $0x0  }
0x24: {  	s3 =	sadd.s32 $0x88, s3;
	s6 =	simm.s32 @!p1 $0x1082;
	[sflag:s4] =	ssyncset.s32 $0xFFFFF086  }
0x25: {  	[simem:s6], [sflag:s4] =	dma.local [hbm:s3], $0xF7A  }
0x26: {  	[smem:$0x3F9D] =	sst s1;
	(tag) =	ssettag s2;
	_ =	strace s9  }
0x27: {  	s1 =	sld [smem:$0x3FAD]  }
0x28: {  	s2 =	sld [smem:$0x3FAE]  }
0x29: {  	s4 =	sld [smem:$0x3FB0]  }
0x2a: {  	p0 =	seq.s32 s5, $0x0;
	s5 =	sld [smem:$0x3FB1]  }
0x2b: {  	s6 =	sld [smem:$0x3FB2]  }
0x2c: {  	s7 =	sld [smem:$0x3FB3]  }
0x2d: {  	s3 =	simm.s32 $0x108;
	s8 =	sld [smem:$0x3FB4]  }
0x2e: {  	s3 =	simm.s32 @!p0 $0x1082;
	s9 =	sld [smem:$0x3FB5]  }
0x2f: {  	lr =	sadd.s32 s0, s3;
	s0 =	sld [smem:$0x3FAC]  }
0x30: {  	s3 =	sld [smem:$0x3FAF]  }
0x31: {  	[smem:$0x3FB8] =	sst s10  }
0x32: {  	s10 =	sld [smem:$0x3FB6];
	_ =	sdelay $0x3  }
0x33: {  	p0 =	seq.s32 s10, $0x1;
	s10 =	sld [smem:$0x3FB8];
	_ =	sdelay $0x3  }
0x34: {  	[smem:$0x3FB8] =	sst s10  }
0x35: {  	s10 =	sld [smem:$0x3FB7];
	_ =	sdelay $0x3  }
0x36: {  	p1 =	seq.s32 s10, $0x1;
	s10 =	sld [smem:$0x3FB8];
	_ =	sdelay $0x3  }
0x37: {  	[smem:$0x3FB8] =	sst s10  }
0x38: {  	s10 =	sld [smem:$0x3FB9]  }
0x39: {  	_ = 	snop;
	(pc) =	sbr.ind lr, $3  }
0x3a: {  	_ = 	snop  }
0x3b: {  	_ = 	snop  }
0x3c: {  	p2 =	seq.s32 s10, $0x1;
	s10 =	sld [smem:$0x3FB8]  }
0x3d: {  	_ =	shalt  }
0x3e: {  	_ =	shalt  }
0x3f: {  	_ =	shalt  }
0x40: {  	_ =	shalt  }
0x41: {  	_ =	shalt  }
0x42: {  	_ =	shalt  }
0x43: {  	_ =	shalt  }
0x44: {  	_ =	shalt  }
0x45: {  	_ =	shalt  }
0x46: {  	_ =	shalt  }
0x47: {  	_ =	shalt  }
0x48: {  	_ =	shalt  }
0x49: {  	_ =	shalt  }
0x4a: {  	_ =	shalt  }
0x4b: {  	_ =	shalt  }
0x4c: {  	_ =	shalt  }
0x4d: {  	_ =	shalt  }
0x4e: {  	_ =	shalt  }
0x4f: {  	_ =	shalt  }
0x50: {  	_ =	shalt  }
0x51: {  	_ =	shalt  }
0x52: {  	_ =	shalt  }
0x53: {  	_ =	shalt  }
0x54: {  	_ =	shalt  }
0x55: {  	_ =	shalt  }
0x56: {  	_ =	shalt  }
0x57: {  	_ =	shalt  }
0x58: {  	_ =	shalt  }
0x59: {  	_ =	shalt  }
0x5a: {  	_ =	shalt  }
0x5b: {  	_ =	shalt  }
0x5c: {  	_ =	shalt  }
0x5d: {  	_ =	shalt  }
0x5e: {  	_ =	shalt  }
0x5f: {  	_ =	shalt  }
0x60: {  	_ =	shalt  }
0x61: {  	_ =	shalt  }
0x62: {  	_ =	shalt  }
0x63: {  	_ =	shalt  }
0x64: {  	_ =	shalt  }
0x65: {  	_ =	shalt  }
0x66: {  	_ =	shalt  }
0x67: {  	_ =	shalt  }
0x68: {  	_ =	shalt  }
0x69: {  	_ =	shalt  }
0x6a: {  	_ =	shalt  }
0x6b: {  	_ =	shalt  }
0x6c: {  	_ =	shalt  }
0x6d: {  	_ =	shalt  }
0x6e: {  	_ =	shalt  }
0x6f: {  	_ =	shalt  }
0x70: {  	_ =	shalt  }
0x71: {  	_ =	shalt  }
0x72: {  	_ =	shalt  }
0x73: {  	_ =	shalt  }
0x74: {  	_ =	shalt  }
0x75: {  	_ =	shalt  }
0x76: {  	_ =	shalt  }
0x77: {  	_ =	shalt  }
0x78: {  	_ =	shalt  }
0x79: {  	_ =	shalt  }
0x7a: {  	_ =	shalt  }
0x7b: {  	_ =	shalt  }
0x7c: {  	_ =	shalt  }
0x7d: {  	_ =	shalt  }
0x7e: {  	_ =	shalt  }
0x7f: {  	_ =	shalt  }
0x80: {  	_ =	shalt  }
0x81: {  	_ =	shalt  }
0x82: {  	_ =	shalt  }
0x83: {  	_ =	shalt  }
0x84: {  	_ =	shalt  }
0x85: {  	_ =	shalt  }
0x86: {  	_ =	shalt  }
0x87: {  	_ =	shalt  }
.Lfunc_end0:
.L_simem_size_0:
called_computation_lowered:
.L_overlay_start_0:
0x88: {  	s2 =	sld [smem:$0x3FD9]  }
0x89: {  	s3 =	sld [smem:$0x3FFE];
	_ =	sdelay $0x1  }
0x8a: {  	s1 =	srdreg.scid  }
0x8b: {  	s0 =	sand.u32 $0x1, s1  }
0x8c: {  	s18 =	sshll.u32 s0, $0xA;
	s2 =	sadd.s32 s3, s2  }
0x8d: {  	s2 =	sadd.s32 s2, s18  }
0x8e: {  	[smem:$0x3FC4] =	sst s2  }
0x8f: {  	_ = 	snop  }
0x90: {  	s2 =	sld [smem:$0x3FC9]  }
0x91: {  	s19 =	sld [smem:$0x3FC8]  }
0x92: {  	s4 =	sld [smem:$0x3FC7]  }
0x93: {  	s5 =	sld [smem:$0x3FC6]  }
0x94: {  	s6 =	sld [smem:$0x3FD0];
	(tm) =	ssettm $0x1  }
0x95: {  	s7 =	sld [smem:$0x3FFB];
	_ =	sdelay $0x3  }
0x96: {  	_ =	strace s7  }
0x97: {  	s7 =	sld [smem:$0x3FFC];
	_ =	sdelay $0x3  }
0x98: {  	_ =	strace s7  }
0x99: {  	s7 =	sld [smem:$0x3FFD];
	_ =	sdelay $0x3  }
0x9a: {  	_ =	strace s7  }
0x9b: {  	_ =	strace $0x8FFFFFFF  }
0x9c: {  	s20 =	sld [smem:$0x3FDB];
	_ =	sdelay $0x1  }
0x9d: {  	s8 =	simm.s32 $_scs_section_size  }
0x9e: {  	s9 =	simm.s32 $_size__tile_overlayer_lowered;
	s10 =	simm.s32 $_tile_overlayer_lowered  }
0x9f: {  	s23 =	simm.s32 $0x1BFF;
	s22 =	sshll.u32 s10, $0x1;
	s7 =	sadd.s32 s8, s20  }
0xa0: {  	s11 =	simm.s32 $0x0;
	s21 =	sshll.u32 s9, $0x1;
	s9 =	sadd.s32 s22, s7  }
0xa1: {  	[timem:s11], [sflag:s23] =	dma.local [hbm:s9], s21  }
0xa2: {  	_ =	swait.ge [sflag:s23], s21  }
0xa3: {  	s8 =	ssub.s32 $0x0, s21;
	[sflag:s23] =	ssyncset.done $0x0  }
0xa4: {  	[sflag:s23] =	ssyncadd.s32 s8;
	_ =	sdelay $0x1  }
0xa5: {  	s24 =	simm.s32 $0x1B8B  }
0xa6: {  	_ =	swait.ge [sflag:s24], $0x1  }
0xa7: {  	[sflag:s24] =	ssyncset.done $0x0  }
0xa8: {  	s25 =	simm.s32 $0x1B8E;
	[sflag:s24] =	ssyncadd.s32 $0xFFFFFFFF  }
0xa9: {  	s26 =	simm.s32 $execute0_lowered;
	[smem:$0x3FD2] =	sst s25  }
0xaa: {  	s8 =	sshll.u32 s26, $0x1;
	_ =	strace $0x80000046;
	[dreg:$0x1] =	wrdreg $0xFFFFFFFF  }
0xab: {  	s28 =	simm.s32 $_size_execute0_lowered;
	s7 =	sadd.s32 s7, s8;
	[dreg:$0x0] =	wrdreg $0x0  }
0xac: {  	s8 =	sshll.u32 s28, $0x1;
	[dreg:$0x2] =	wrdreg s7  }
0xad: {  	[dreg:$0x3] =	wrdreg s8  }
0xae: {  	[dreg:$0x4] =	wrdreg $0xC0  }
0xaf: {  	_ =	task [dreg:s11], $0x5FFFF  }
0xb0: {  	[dreg:$0x1] =	wrdreg $0xFFFFFFFF  }
0xb1: {  	[dreg:$0x0] =	wrdreg $0x60  }
0xb2: {  	[dreg:$0x2] =	wrdreg s2  }
0xb3: {  	[dreg:$0x3] =	wrdreg s19  }
0xb4: {  	[dreg:$0x4] =	wrdreg s4  }
0xb5: {  	[dreg:$0x5] =	wrdreg s5  }
0xb6: {  	[dreg:$0x6] =	wrdreg s6  }
0xb7: {  	[dreg:$0x7] =	wrdreg $0x9  }
0xb8: {  	_ =	task.clear_ibuf [dreg:s11], $0x8FFFF;
	_ =	strace $0x90000046  }
0xb9: {  	s29 =	simm.s32 $0x9;
	_ =	strace $0x80000048  }
0xba: {  	_ =	swait.ge [sflag:s29], $0x1  }
0xbb: {  	[sflag:s29] =	ssyncadd.s32 $0xFFFFFFFF  }
0xbc: {  	_ =	strace $0x90000048  }
0xbd: {  	_ =	sfence  }
0xbe: {  	s30 =	sld [smem:$0x0];
	_ =	sdelay $0x2  }
0xbf: {  	s31 =	sshll.u32 s1, $0xD;
	s1 =	sshrl.u32 s1, $0x2  }
0xc0: {  	s3 =	sand.u32 $0x4000, s31;
	s1 =	sadd.s32 s1, s30  }
0xc1: {  	s0 =	sor.u32 s3, s0;
	s1 =	sshll.u32 s1, $0x11  }
0xc2: {  	s0 =	sor.u32 s1, s0  }
0xc3: {  	s0 =	sadd.s32 $0x8F2B, s0  }
0xc4: {  	[sflag:s0] =	ssyncadd.remote.s32 $0x1  }
0xc5: {  	_ =	sfence.sel $0xFFFF  }
0xc6: {  	[dreg:$0x0] =	wrdreg $0xFFFFFFFF;
	(pc) =	sbr.abs _section_cstart, $3  }
0xc7: {  	[dreg:$0x1] =	wrdreg $0xFFFFFFFF  }
0xc8: {  	_ =	task.clear_ibuf [dreg:s11], $0x2FFFF;
	_ =	strace $0x9FFFFFFF  }
0xc9: {  	(tm) =	ssettm $0x7FFFFFFF  }
tec
execute0_lowered:
.L_overlay_start_1:
0x0: {  	(tag) =	ssettag $0x1  }
0x1: {  	v0 =	vimm.s32 $0x1380  }
0x2: {  	vm0 =	vcmask $0x300;
	vm14 =	vcmask $0x704;
	vm2 =	vcmask $0xB08  }
0x3: {  	v1 =	vimm.s32 $0x3380;
	vm13 =	vcmask $0xF0C;
	vm5 =	vcmask $0x1310  }
0x4: {  	vm12 =	vcmask $0x1714;
	vm3 =	vcmask $0x1B18;
	vm11 =	vcmask $0x1F1C  }
0x5: {  	vm6 =	vcmask $0x2320;
	vm10 =	vcmask $0x2724;
	vm7 =	vcmask $0x2B28  }
0x6: {  	vm9 =	vcmask $0x2F2C;
	vm4 =	vcmask $0x3330;
	vm8 =	vcmask $0x3734  }
0x7: {  	vm1 =	vcmask $0x3B38;
	v2 =	vimm.s32 $0x1780;
	v3 =	vimm.s32 $0x3780  }
0x8: {  	v4 =	vimm.s32 $0x1B80;
	v5 =	vimm.s32 $0x3B80;
	v6 =	vimm.s32 $0x1F80  }
0x9: {  	v7 =	vimm.s32 $0x3F80;
	v8 =	vimm.s32 $0xEFCDAB89;
	v9 =	vimm.s32 $0x67452301  }
0xa: {  	v10 =	vimm.s32 $0xDCFE98BA;
	v11 =	vimm.s32 $0x54761032;
	v62 =	vimm.s32 $0xFEDCBA98  }
0xb: {  	v0 =	vsel vm0, $0x0, v0;
	v1 =	vsel vm0, $0x2000, v1;
	v2 =	vsel vm0, $0x400, v2  }
0xc: {  	v3 =	vsel vm0, $0x2400, v3;
	v4 =	vsel vm0, $0x800, v4;
	v5 =	vsel vm0, $0x2800, v5  }
0xd: {  	v6 =	vsel vm0, $0xC00, v6;
	v7 =	vsel vm0, $0x2C00, v7;
	v8 =	vunpack.c.l.s4.s8 v8  }
0xe: {  	v9 =	vunpack.c.l.s4.s8 v9;
	v10 =	vunpack.c.l.s4.s8 v10;
	v11 =	vunpack.c.l.s4.s8 v11  }
0xf: {  	vm0 =	vmor vm0, vm2;
	v0 =	vsel vm14, $0x80, v0;
	v1 =	vsel vm14, $0x2080, v1  }
0x10: {  	v2 =	vsel vm14, $0x480, v2;
	v3 =	vsel vm14, $0x2480, v3;
	v4 =	vsel vm14, $0x880, v4  }
0x11: {  	v5 =	vsel vm14, $0x2880, v5;
	v6 =	vsel vm14, $0xC80, v6;
	v7 =	vsel vm14, $0x2C80, v7  }
0x12: {  	vm0 =	vmor vm0, vm5;
	v0 =	vsel vm2, $0x100, v0;
	v1 =	vsel vm2, $0x2100, v1  }
0x13: {  	v2 =	vsel vm2, $0x500, v2;
	v3 =	vsel vm2, $0x2500, v3;
	v4 =	vsel vm2, $0x900, v4  }
0x14: {  	v5 =	vsel vm2, $0x2900, v5;
	v6 =	vsel vm2, $0xD00, v6;
	v7 =	vsel vm2, $0x2D00, v7  }
0x15: {  	v8 =	vunpack.c.0.s8.s32 v8;
	v9 =	vunpack.c.0.s8.s32 v9;
	v10 =	vunpack.c.0.s8.s32 v10  }
0x16: {  	v11 =	vunpack.c.0.s8.s32 v11;
	vm0 =	vmor vm0, vm3;
	vm2 =	vcmask $0x1710  }
0x17: {  	v0 =	vsel vm13, $0x180, v0;
	v1 =	vsel vm13, $0x2180, v1;
	v2 =	vsel vm13, $0x580, v2  }
0x18: {  	v3 =	vsel vm13, $0x2580, v3;
	v4 =	vsel vm13, $0x980, v4;
	v5 =	vsel vm13, $0x2980, v5  }
0x19: {  	v6 =	vsel vm13, $0xD80, v6;
	v7 =	vsel vm13, $0x2D80, v7;
	vm0 =	vmor vm0, vm6  }
0x1a: {  	v0 =	vsel vm5, $0x200, v0;
	v1 =	vsel vm5, $0x2200, v1;
	v2 =	vsel vm5, $0x600, v2  }
0x1b: {  	v3 =	vsel vm5, $0x2600, v3;
	v4 =	vsel vm5, $0xA00, v4;
	v5 =	vsel vm5, $0x2A00, v5  }
0x1c: {  	v6 =	vsel vm5, $0xE00, v6;
	v7 =	vsel vm5, $0x2E00, v7;
	v8 =	vcombine.low v9, v8  }
0x1d: {  	v9 =	vimm.s32 $0xBA98FEDC;
	v10 =	vcombine.low v11, v10;
	v11 =	vimm.s32 $0x32107654  }
0x1e: {  	vm0 =	vmor vm0, vm7;
	v0 =	vsel vm12, $0x280, v0;
	v1 =	vsel vm12, $0x2280, v1  }
0x1f: {  	v2 =	vsel vm12, $0x680, v2;
	v3 =	vsel vm12, $0x2680, v3;
	v4 =	vsel vm12, $0xA80, v4  }
0x20: {  	v5 =	vsel vm12, $0x2A80, v5;
	v6 =	vsel vm12, $0xE80, v6;
	v7 =	vsel vm12, $0x2E80, v7  }
0x21: {  	v12 =	vunpack.c.l.s4.s8 v9;
	v11 =	vunpack.c.l.s4.s8 v11;
	vm0 =	vmor vm0, vm4  }
0x22: {  	v0 =	vsel vm3, $0x300, v0;
	v1 =	vsel vm3, $0x2300, v1;
	v2 =	vsel vm3, $0x700, v2  }
0x23: {  	v3 =	vsel vm3, $0x2700, v3;
	v4 =	vsel vm3, $0xB00, v4;
	v5 =	vsel vm3, $0x2B00, v5  }
0x24: {  	v6 =	vsel vm3, $0xF00, v6;
	v7 =	vsel vm3, $0x2F00, v7;
	v8 =	vand.u32 $0xF, v8  }
0x25: {  	vm0 =	vmor vm0, vm1;
	v0 =	vsel vm11, $0x380, v0;
	v1 =	vsel vm11, $0x2380, v1  }
0x26: {  	v2 =	vsel vm11, $0x780, v2;
	v3 =	vsel vm11, $0x2780, v3;
	v4 =	vsel vm11, $0xB80, v4  }
0x27: {  	v5 =	vsel vm11, $0x2B80, v5;
	v6 =	vsel vm11, $0xF80, v6;
	v7 =	vsel vm11, $0x2F80, v7  }
0x28: {  	v11 =	vunpack.c.0.s8.s32 v11;
	v0 =	vsel vm6, $0x1000, v0;
	v1 =	vsel vm6, $0x3000, v1  }
0x29: {  	v2 =	vsel vm6, $0x1400, v2;
	v3 =	vsel vm6, $0x3400, v3;
	v4 =	vsel vm6, $0x1800, v4  }
0x2a: {  	v5 =	vsel vm6, $0x3800, v5;
	v6 =	vsel vm6, $0x1C00, v6;
	v7 =	vsel vm6, $0x3C00, v7  }
0x2b: {  	v0 =	vsel vm10, $0x1080, v0;
	v1 =	vsel vm10, $0x3080, v1;
	v2 =	vsel vm10, $0x1480, v2  }
0x2c: {  	v3 =	vsel vm10, $0x3480, v3;
	v4 =	vsel vm10, $0x1880, v4;
	v5 =	vsel vm10, $0x3880, v5  }
0x2d: {  	v6 =	vsel vm10, $0x1C80, v6;
	v7 =	vsel vm10, $0x3C80, v7;
	v0 =	vsel vm7, $0x1100, v0  }
0x2e: {  	s2 =	rddreg [dreg:$0x0];
	v1 =	vsel vm7, $0x3100, v1;
	v2 =	vsel vm7, $0x1500, v2;
	v3 =	vsel vm7, $0x3500, v3  }
0x2f: {  	s4 =	rddreg [dreg:$0x1];
	v4 =	vsel vm7, $0x1900, v4;
	v5 =	vsel vm7, $0x3900, v5;
	v6 =	vsel vm7, $0x1D00, v6  }
0x30: {  	s0 =	rddreg [dreg:$0x2];
	v7 =	vsel vm7, $0x3D00, v7;
	v0 =	vsel vm9, $0x1180, v0;
	v1 =	vsel vm9, $0x3180, v1  }
0x31: {  	s1 =	rddreg [dreg:$0x3];
	v2 =	vsel vm9, $0x1580, v2;
	v3 =	vsel vm9, $0x3580, v3;
	v4 =	vsel vm9, $0x1980, v4  }
0x32: {  	s5 =	rddreg [dreg:$0x4];
	s3 =	simm.s32 $0x0;
	s6 =	srdreg.scid;
	v5 =	vsel vm9, $0x3980, v5;
	v6 =	vsel vm9, $0x1D80, v6;
	v7 =	vsel vm9, $0x3D80, v7  }
0x33: {  	s8 =	stileid.u32;
	s10 =	simm.s32 $0x500;
	s14 =	simm.s32 $0x4500;
	v0 =	vsel vm4, $0x1200, v0;
	v1 =	vsel vm4, $0x3200, v1;
	v2 =	vsel vm4, $0x1600, v2  }
0x34: {  	s17 =	simm.s32 $0x900;
	s18 =	simm.s32 $0x2900;
	s11 =	simm.s32 $0x4900;
	v3 =	vsel vm4, $0x3600, v3;
	v4 =	vsel vm4, $0x1A00, v4;
	v5 =	vsel vm4, $0x3A00, v5  }
0x35: {  	s19 =	simm.s32 $0x5900;
	s12 =	simm.s32 $0x6900;
	s30 =	simm.s32 $0x3;
	v6 =	vsel vm4, $0x1E00, v6;
	v7 =	vsel vm4, $0x3E00, v7;
	v0 =	vsel vm8, $0x1280, v0  }
0x36: {  	s21 =	simm.s32 $0x7900;
	s13 =	simm.s32 $0xD00;
	s15 =	simm.s32 $0x1D00;
	v1 =	vsel vm8, $0x3280, v1;
	v2 =	vsel vm8, $0x1680, v2;
	v3 =	vsel vm8, $0x3680, v3  }
0x37: {  	s22 =	simm.s32 $0x2D00;
	s23 =	simm.s32 $0x3D00;
	s31 =	simm.s32 $0x4D00;
	v4 =	vsel vm8, $0x1A80, v4;
	v5 =	vsel vm8, $0x3A80, v5;
	v6 =	vsel vm8, $0x1E80, v6  }
0x38: {  	s16 =	simm.s32 $0x8500;
	s20 =	simm.s32 $0xC500;
	s24 =	simm.s32 $0x1;
	v7 =	vsel vm8, $0x3E80, v7;
	v0 =	vsel vm1, $0x1300, v0;
	v1 =	vsel vm1, $0x3300, v1  }
0x39: {  	s29 =	simm.s32 $0x0;
	[smem:$0x7FF] =	sst s3;
	s6 =	sand.u32 $0x1, s6;
	v2 =	vsel vm1, $0x1700, v2;
	v3 =	vsel vm1, $0x3700, v3;
	v63 =	vsel vm1, $0x1B00, v4  }
0x3a: {  	s8 =	sshll.u32 s8, $0x7;
	s7 =	ssub.s32 $0x2, s6;
	s6 =	sshll.u32 s6, $0x6;
	v4 =	vsel vm1, $0x1F00, v6;
	v6 =	vand.u32 $0xF, v10;
	v10 =	vunpack.c.0.s8.s32 v12  }
0x3b: {  	_ =	strace $0x80000047;
	s9 =	sshrl.u32 s7, $0x1;
	s6 =	sor.u32 s6, s8;
	v60 =	vsel vm1, $0x3B00, v5;
	v5 =	vsel vm1, $0x3F00, v7;
	vm1 =	vcmask $0x700  }
0x3c: {  	s8 =	simm.s32 $0x1900;
	s7 =	ssub.s32 s7, s9;
	s2 =	sadd.s32 s2, s6;
	v12 =	vunpack.c.l.s4.s8 v62;
	v10 =	vcombine.low v11, v10;
	v11 =	vimm.s32 $0x76543210  }
0x3d: {  	s25 =	sadd.s32 s4, s6;
	s26 =	sadd.s32 s5, s6;
	[dreg:$0x6] =	wrdreg s2;
	vm1 =	vmor vm1, vm2;
	vm2 =	vcmask $0x2720;
	v11 =	vunpack.c.l.s4.s8 v11  }
0x3e: {  	s4 =	simm.s32 $0x2500;
	s9 =	simm.s32 $0x3500;
	[dreg:$0x7] =	wrdreg s25;
	vm1 =	vmor vm1, vm2;
	vm2 =	vcmask $0x3730;
	v12 =	vunpack.c.0.s8.s32 v12  }
0x3f: {  	s5 =	simm.s32 $0x5500;
	s6 =	simm.s32 $0x6500;
	[dreg:$0x8] =	wrdreg s26;
	vm3 =	vcmask $0xF00;
	vm1 =	vmor vm1, vm2;
	v11 =	vunpack.c.0.s8.s32 v11  }
0x40: {  	s28 =	smax.u32 s7, $0x1;
	s2 =	simm.s32 $0x1500;
	s7 =	simm.s32 $0x7500;
	vm2 =	vcmask $0x2F20;
	v14 =	vand.u32 $0xF, v10;
	v12 =	vand.u32 $0xF, v12  }
0x41: {  	s25 =	simm.s32 $0x3900;
	s26 =	simm.s32 $0x2;
	[dreg:$0x9] =	wrdreg s28;
	vm2 =	vmor vm3, vm2;
	vm3 =	vmmov $0xff;
	[tilespmem:$0x1FFF0] =	vst v14;
	v10 =	vcombine.low v12, v11  }
.LBB2_1:
0x42: {  	[dreg:$0xa] =	wrdreg s29  }
0x43: {  	s28 =	rddreg [dreg:$0x6]  }
0x44: {  	[tilespmem:s3], [sflag:$0x3] =	stream.linear.gather [hbm4b:s28+s3], $0x200, $0x38;
	[tilespmem:$0x10700] =	vst v63  }
0x45: {  	_ =	swait.ge [sflag:s30], $0x200  }
0x46: {  	[sflag:s30] =	ssyncset.done $0x0  }
0x47: {  	s29 =	simm.s32 $0x280;
	s28 =	rddreg [dreg:$0x7];
	[sflag:s30] =	ssyncadd.s32 $0xFFFFFE00  }
0x48: {  	[tilespmem:s29], [sflag:$0x3] =	stream.linear.gather [hbm4b:s28+s3], $0x200, $0x38;
	[tilespmem:$0x10700] =	vst v63  }
0x49: {  	_ =	swait.ge [sflag:s30], $0x200  }
0x4a: {  	[sflag:s30] =	ssyncset.done $0x0  }
0x4b: {  	[sflag:s30] =	ssyncadd.s32 $0xFFFFFE00  }
0x4c: {  	v12 =	vld [tilespmem:$0x0];
	_ =	sdelay $0x4  }
0x4d: {  	v12 =	vand.u32 $0xFFFFFF80, v12  }
0x4e: {  	vm4 =	vgt.s32 v12, $0x0  }
0x4f: {  	v12 =	vnsel vm4, $0x0, v12  }
0x50: {  	v13 =	vld [tilespmem:$0x280];
	v12 =	vmin.u32 v12, $0xF4200  }
0x51: {  	v12 =	vadd.s32 s0, v12  }
0x52: {  	(v2sf) =	vpush v12, $0x0;
	_ =	sdelay $0x2  }
0x53: {  	v13 =	vand.u32 $0xFFFFFF80, v13  }
0x54: {  	vm4 =	vgt.s32 v13, $0x0  }
0x55: {  	v13 =	vnsel vm4, $0x0, v13  }
0x56: {  	v13 =	vmin.u32 v13, $0xF4200  }
0x57: {  	v13 =	vadd.s32 s1, v13  }
0x58: {  	(v2sf) =	vpush v13, $0x0;
	_ =	sdelay $0x6  }
0x59: {  	s28 =	spop (v2sf)  }
0x5a: {  	(v2sf) =	vpush v12, $0x1;
	[tilespmem:s10], [sflag:$0x1] =	stream.linear.gather [hbm4b:s28+s3], $0x400, $0x38;
	[tilespmem:$0x10700] =	vst v63  }
0x5b: {  	s30 =	sadd.s32 $0xF4280, s28  }
0x5c: {  	[tilespmem:s2], [sflag:$0x1] =	stream.linear.gather [hbm4b:s30+s3], $0x400, $0x38;
	[tilespmem:$0x10700] =	vst v63  }
0x5d: {  	s2 =	sadd.s32 $0x1E8500, s28  }
0x5e: {  	[tilespmem:s4], [sflag:$0x1] =	stream.linear.gather [hbm4b:s2+s3], $0x400, $0x38;
	[tilespmem:$0x10700] =	vst v63  }
0x5f: {  	s28 =	sadd.s32 $0x2DC780, s28  }
0x60: {  	[tilespmem:s9], [sflag:$0x1] =	stream.linear.gather [hbm4b:s28+s3], $0x400, $0x38;
	[tilespmem:$0x10700] =	vst v63  }
0x61: {  	s28 =	spop (v2sf)  }
0x62: {  	(v2sf) =	vpush v13, $0x1;
	[tilespmem:s14], [sflag:$0x1] =	stream.linear.gather [hbm4b:s28+s3], $0x400, $0x38;
	[tilespmem:$0x10700] =	vst v63  }
0x63: {  	s4 =	sadd.s32 $0xF4280, s28  }
0x64: {  	[tilespmem:s5], [sflag:$0x1] =	stream.linear.gather [hbm4b:s4+s3], $0x400, $0x38;
	[tilespmem:$0x10700] =	vst v63  }
0x65: {  	s5 =	sadd.s32 $0x1E8500, s28  }
0x66: {  	[tilespmem:s6], [sflag:$0x1] =	stream.linear.gather [hbm4b:s5+s3], $0x400, $0x38;
	[tilespmem:$0x10700] =	vst v63  }
0x67: {  	s28 =	sadd.s32 $0x2DC780, s28  }
0x68: {  	[tilespmem:s7], [sflag:$0x1] =	stream.linear.gather [hbm4b:s28+s3], $0x400, $0x38;
	[tilespmem:$0x10700] =	vst v63  }
0x69: {  	s28 =	spop (v2sf)  }
0x6a: {  	(v2sf) =	vpush v12, $0x2;
	[tilespmem:s17], [sflag:$0x1] =	stream.linear.gather [hbm4b:s28+s3], $0x400, $0x38;
	[tilespmem:$0x10700] =	vst v63  }
0x6b: {  	s9 =	sadd.s32 $0xF4280, s28  }
0x6c: {  	[tilespmem:s8], [sflag:$0x1] =	stream.linear.gather [hbm4b:s9+s3], $0x400, $0x38;
	[tilespmem:$0x10700] =	vst v63  }
0x6d: {  	s17 =	sadd.s32 $0x1E8500, s28  }
0x6e: {  	[tilespmem:s18], [sflag:$0x1] =	stream.linear.gather [hbm4b:s17+s3], $0x400, $0x38;
	[tilespmem:$0x10700] =	vst v63  }
0x6f: {  	s28 =	sadd.s32 $0x2DC780, s28  }
0x70: {  	[tilespmem:s25], [sflag:$0x1] =	stream.linear.gather [hbm4b:s28+s3], $0x400, $0x38;
	[tilespmem:$0x10700] =	vst v63  }
0x71: {  	s28 =	spop (v2sf)  }
0x72: {  	(v2sf) =	vpush v13, $0x2;
	[tilespmem:s11], [sflag:$0x1] =	stream.linear.gather [hbm4b:s28+s3], $0x400, $0x38;
	[tilespmem:$0x10700] =	vst v63  }
0x73: {  	s30 =	sadd.s32 $0xF4280, s28  }
0x74: {  	[tilespmem:s19], [sflag:$0x1] =	stream.linear.gather [hbm4b:s30+s3], $0x400, $0x38;
	[tilespmem:$0x10700] =	vst v63  }
0x75: {  	s2 =	sadd.s32 $0x1E8500, s28  }
0x76: {  	[tilespmem:s12], [sflag:$0x1] =	stream.linear.gather [hbm4b:s2+s3], $0x400, $0x38;
	[tilespmem:$0x10700] =	vst v63  }
0x77: {  	s28 =	sadd.s32 $0x2DC780, s28  }
0x78: {  	[tilespmem:s21], [sflag:$0x1] =	stream.linear.gather [hbm4b:s28+s3], $0x400, $0x38;
	[tilespmem:$0x10700] =	vst v63  }
0x79: {  	s28 =	spop (v2sf)  }
0x7a: {  	(v2sf) =	vpush v12, $0x3;
	[tilespmem:s13], [sflag:$0x1] =	stream.linear.gather [hbm4b:s28+s3], $0x400, $0x38;
	[tilespmem:$0x10700] =	vst v63  }
0x7b: {  	s4 =	sadd.s32 $0xF4280, s28  }
0x7c: {  	[tilespmem:s15], [sflag:$0x1] =	stream.linear.gather [hbm4b:s4+s3], $0x400, $0x38;
	[tilespmem:$0x10700] =	vst v63  }
0x7d: {  	s5 =	sadd.s32 $0x1E8500, s28  }
0x7e: {  	[tilespmem:s22], [sflag:$0x1] =	stream.linear.gather [hbm4b:s5+s3], $0x400, $0x38;
	[tilespmem:$0x10700] =	vst v63  }
0x7f: {  	s28 =	sadd.s32 $0x2DC780, s28  }
0x80: {  	[tilespmem:s23], [sflag:$0x1] =	stream.linear.gather [hbm4b:s28+s3], $0x400, $0x38;
	[tilespmem:$0x10700] =	vst v63  }
0x81: {  	s28 =	spop (v2sf)  }
0x82: {  	(v2sf) =	vpush v13, $0x3;
	[tilespmem:s31], [sflag:$0x1] =	stream.linear.gather [hbm4b:s28+s3], $0x400, $0x38;
	[tilespmem:$0x10700] =	vst v63  }
0x83: {  	s7 =	simm.s32 $0x5D00;
	s6 =	sadd.s32 $0xF4280, s28  }
0x84: {  	[tilespmem:s7], [sflag:$0x1] =	stream.linear.gather [hbm4b:s6+s3], $0x400, $0x38;
	[tilespmem:$0x10700] =	vst v63  }
0x85: {  	s9 =	simm.s32 $0x6D00;
	s8 =	sadd.s32 $0x1E8500, s28  }
0x86: {  	[tilespmem:s9], [sflag:$0x1] =	stream.linear.gather [hbm4b:s8+s3], $0x400, $0x38;
	[tilespmem:$0x10700] =	vst v63  }
0x87: {  	s11 =	simm.s32 $0x7D00;
	s28 =	sadd.s32 $0x2DC780, s28  }
0x88: {  	[tilespmem:s11], [sflag:$0x1] =	stream.linear.gather [hbm4b:s28+s3], $0x400, $0x38;
	[tilespmem:$0x10700] =	vst v63  }
0x89: {  	s12 =	simm.s32 $0x1100;
	s28 =	spop (v2sf)  }
0x8a: {  	[tilespmem:s12], [sflag:$0x1] =	stream.linear.gather [hbm4b:s28+s3], $0x400, $0x38;
	[tilespmem:$0x10700] =	vst v63  }
0x8b: {  	s15 =	simm.s32 $0x2100;
	s13 =	sadd.s32 $0xF4280, s28  }
0x8c: {  	[tilespmem:s15], [sflag:$0x1] =	stream.linear.gather [hbm4b:s13+s3], $0x400, $0x38;
	[tilespmem:$0x10700] =	vst v63  }
0x8d: {  	s18 =	simm.s32 $0x3100;
	s17 =	sadd.s32 $0x1E8500, s28  }
0x8e: {  	[tilespmem:s18], [sflag:$0x1] =	stream.linear.gather [hbm4b:s17+s3], $0x400, $0x38;
	[tilespmem:$0x10700] =	vst v63  }
0x8f: {  	s19 =	simm.s32 $0x4100;
	s28 =	sadd.s32 $0x2DC780, s28  }
0x90: {  	[tilespmem:s19], [sflag:$0x1] =	stream.linear.gather [hbm4b:s28+s3], $0x400, $0x38;
	[tilespmem:$0x10700] =	vst v63  }
0x91: {  	s21 =	simm.s32 $0x5100;
	s28 =	spop (v2sf)  }
0x92: {  	[tilespmem:s21], [sflag:$0x1] =	stream.linear.gather [hbm4b:s28+s3], $0x400, $0x38;
	[tilespmem:$0x10700] =	vst v63  }
0x93: {  	s23 =	simm.s32 $0x6100;
	s22 =	sadd.s32 $0xF4280, s28  }
0x94: {  	[tilespmem:s23], [sflag:$0x1] =	stream.linear.gather [hbm4b:s22+s3], $0x400, $0x38;
	[tilespmem:$0x10700] =	vst v63  }
0x95: {  	s30 =	simm.s32 $0x7100;
	s25 =	sadd.s32 $0x1E8500, s28  }
0x96: {  	[tilespmem:s30], [sflag:$0x1] =	stream.linear.gather [hbm4b:s25+s3], $0x400, $0x38;
	[tilespmem:$0x10700] =	vst v63  }
0x97: {  	s31 =	simm.s32 $0x8100;
	s28 =	sadd.s32 $0x2DC780, s28  }
0x98: {  	[tilespmem:s31], [sflag:$0x1] =	stream.linear.gather [hbm4b:s28+s3], $0x400, $0x38;
	[tilespmem:$0x10700] =	vst v63  }
0x99: {  	s28 =	simm.s32 $0x0  }
.LBB2_2:
0x9a: {  	s29 =	sshra.s32 s28, $0x2  }
0x9b: {  	v12 =	vld [tilespmem:s29+$0x4];
	_ =	sdelay $0x4  }
0x9c: {  	v12 =	vand.u32 $0xFFFFFF80, v12  }
0x9d: {  	vm4 =	vgt.s32 v12, $0x0  }
0x9e: {  	v12 =	vnsel vm4, $0x0, v12  }
0x9f: {  	v13 =	vld [tilespmem:s29+$0x284];
	v12 =	vmin.u32 v12, $0xF4200  }
0xa0: {  	v12 =	vadd.s32 s0, v12  }
0xa1: {  	(v2sf) =	vpush v12, $0x0;
	_ =	sdelay $0x2  }
0xa2: {  	v13 =	vand.u32 $0xFFFFFF80, v13  }
0xa3: {  	vm4 =	vgt.s32 v13, $0x0  }
0xa4: {  	v13 =	vnsel vm4, $0x0, v13  }
0xa5: {  	v13 =	vmin.u32 v13, $0xF4200  }
0xa6: {  	v13 =	vadd.s32 s1, v13  }
0xa7: {  	(v2sf) =	vpush v13, $0x0;
	_ =	sdelay $0x6  }
0xa8: {  	s30 =	spop (v2sf)  }
0xa9: {  	(v2sf) =	vpush v12, $0x1;
	[tilespmem:s16], [sflag:$0x2] =	stream.linear.gather [hbm4b:s30+s3], $0x400, $0x38;
	[tilespmem:$0x10700] =	vst v63  }
0xaa: {  	s2 =	simm.s32 $0x9500;
	s31 =	sadd.s32 $0xF4280, s30  }
0xab: {  	[tilespmem:s2], [sflag:$0x2] =	stream.linear.gather [hbm4b:s31+s3], $0x400, $0x38;
	[tilespmem:$0x10700] =	vst v63  }
0xac: {  	s4 =	simm.s32 $0xA500;
	s12 =	sadd.s32 $0x1E8500, s30  }
0xad: {  	[tilespmem:s4], [sflag:$0x2] =	stream.linear.gather [hbm4b:s12+s3], $0x400, $0x38;
	[tilespmem:$0x10700] =	vst v63  }
0xae: {  	s5 =	simm.s32 $0xB500;
	s30 =	sadd.s32 $0x2DC780, s30  }
0xaf: {  	[tilespmem:s5], [sflag:$0x2] =	stream.linear.gather [hbm4b:s30+s3], $0x400, $0x38;
	[tilespmem:$0x10700] =	vst v63  }
0xb0: {  	s13 =	spop (v2sf)  }
0xb1: {  	(v2sf) =	vpush v13, $0x1;
	[tilespmem:s20], [sflag:$0x2] =	stream.linear.gather [hbm4b:s13+s3], $0x400, $0x38;
	[tilespmem:$0x10700] =	vst v63  }
0xb2: {  	s6 =	simm.s32 $0xD500;
	s15 =	sadd.s32 $0xF4280, s13  }
0xb3: {  	[tilespmem:s6], [sflag:$0x2] =	stream.linear.gather [hbm4b:s15+s3], $0x400, $0x38;
	[tilespmem:$0x10700] =	vst v63  }
0xb4: {  	s7 =	simm.s32 $0xE500;
	s17 =	sadd.s32 $0x1E8500, s13  }
0xb5: {  	[tilespmem:s7], [sflag:$0x2] =	stream.linear.gather [hbm4b:s17+s3], $0x400, $0x38;
	[tilespmem:$0x10700] =	vst v63  }
0xb6: {  	s8 =	simm.s32 $0xF500;
	s30 =	sadd.s32 $0x2DC780, s13  }
0xb7: {  	[tilespmem:s8], [sflag:$0x2] =	stream.linear.gather [hbm4b:s30+s3], $0x400, $0x38;
	[tilespmem:$0x10700] =	vst v63  }
0xb8: {  	s9 =	simm.s32 $0x8900;
	s18 =	spop (v2sf)  }
0xb9: {  	(v2sf) =	vpush v12, $0x2;
	[tilespmem:s9], [sflag:$0x2] =	stream.linear.gather [hbm4b:s18+s3], $0x400, $0x38;
	[tilespmem:$0x10700] =	vst v63  }
0xba: {  	s11 =	simm.s32 $0x9900;
	s19 =	sadd.s32 $0xF4280, s18  }
0xbb: {  	[tilespmem:s11], [sflag:$0x2] =	stream.linear.gather [hbm4b:s19+s3], $0x400, $0x38;
	[tilespmem:$0x10700] =	vst v63  }
0xbc: {  	s22 =	simm.s32 $0xA900;
	s21 =	sadd.s32 $0x1E8500, s18  }
0xbd: {  	[tilespmem:s22], [sflag:$0x2] =	stream.linear.gather [hbm4b:s21+s3], $0x400, $0x38;
	[tilespmem:$0x10700] =	vst v63  }
0xbe: {  	s23 =	simm.s32 $0xB900;
	s30 =	sadd.s32 $0x2DC780, s18  }
0xbf: {  	[tilespmem:s23], [sflag:$0x2] =	stream.linear.gather [hbm4b:s30+s3], $0x400, $0x38;
	[tilespmem:$0x10700] =	vst v63  }
0xc0: {  	s12 =	simm.s32 $0xC900;
	s25 =	spop (v2sf)  }
0xc1: {  	(v2sf) =	vpush v13, $0x2;
	[tilespmem:s12], [sflag:$0x2] =	stream.linear.gather [hbm4b:s25+s3], $0x400, $0x38;
	[tilespmem:$0x10700] =	vst v63  }
0xc2: {  	s15 =	simm.s32 $0xD900;
	s13 =	sadd.s32 $0xF4280, s25  }
0xc3: {  	[tilespmem:s15], [sflag:$0x2] =	stream.linear.gather [hbm4b:s13+s3], $0x400, $0x38;
	[tilespmem:$0x10700] =	vst v63  }
0xc4: {  	s17 =	sadd.s32 $0x1E8500, s25;
	s18 =	simm.s32 $0xE900  }
0xc5: {  	[tilespmem:s18], [sflag:$0x2] =	stream.linear.gather [hbm4b:s17+s3], $0x400, $0x38;
	[tilespmem:$0x10700] =	vst v63  }
0xc6: {  	s19 =	simm.s32 $0xF900;
	s30 =	sadd.s32 $0x2DC780, s25  }
0xc7: {  	[tilespmem:s19], [sflag:$0x2] =	stream.linear.gather [hbm4b:s30+s3], $0x400, $0x38;
	[tilespmem:$0x10700] =	vst v63  }
0xc8: {  	s22 =	simm.s32 $0x8D00;
	s21 =	spop (v2sf)  }
0xc9: {  	(v2sf) =	vpush v12, $0x3;
	[tilespmem:s22], [sflag:$0x2] =	stream.linear.gather [hbm4b:s21+s3], $0x400, $0x38;
	[tilespmem:$0x10700] =	vst v63  }
0xca: {  	s25 =	simm.s32 $0x9D00;
	s23 =	sadd.s32 $0xF4280, s21  }
0xcb: {  	[tilespmem:s25], [sflag:$0x2] =	stream.linear.gather [hbm4b:s23+s3], $0x400, $0x38;
	[tilespmem:$0x10700] =	vst v63  }
0xcc: {  	s12 =	simm.s32 $0xAD00;
	s11 =	sadd.s32 $0x1E8500, s21  }
0xcd: {  	[tilespmem:s12], [sflag:$0x2] =	stream.linear.gather [hbm4b:s11+s3], $0x400, $0x38;
	[tilespmem:$0x10700] =	vst v63  }
0xce: {  	s13 =	simm.s32 $0xBD00;
	s30 =	sadd.s32 $0x2DC780, s21  }
0xcf: {  	[tilespmem:s13], [sflag:$0x2] =	stream.linear.gather [hbm4b:s30+s3], $0x400, $0x38;
	[tilespmem:$0x10700] =	vst v63  }
0xd0: {  	s17 =	simm.s32 $0xCD00;
	s15 =	spop (v2sf)  }
0xd1: {  	(v2sf) =	vpush v13, $0x3;
	[tilespmem:s17], [sflag:$0x2] =	stream.linear.gather [hbm4b:s15+s3], $0x400, $0x38;
	[tilespmem:$0x10700] =	vst v63  }
0xd2: {  	s19 =	simm.s32 $0xDD00;
	s18 =	sadd.s32 $0xF4280, s15  }
0xd3: {  	[tilespmem:s19], [sflag:$0x2] =	stream.linear.gather [hbm4b:s18+s3], $0x400, $0x38;
	[tilespmem:$0x10700] =	vst v63  }
0xd4: {  	s21 =	sadd.s32 $0x1E8500, s15;
	s22 =	simm.s32 $0xED00  }
0xd5: {  	[tilespmem:s22], [sflag:$0x2] =	stream.linear.gather [hbm4b:s21+s3], $0x400, $0x38;
	[tilespmem:$0x10700] =	vst v63  }
0xd6: {  	s23 =	simm.s32 $0xFD00;
	s30 =	sadd.s32 $0x2DC780, s15  }
0xd7: {  	[tilespmem:s23], [sflag:$0x2] =	stream.linear.gather [hbm4b:s30+s3], $0x400, $0x38;
	[tilespmem:$0x10700] =	vst v63  }
0xd8: {  	s31 =	simm.s32 $0x9100;
	s25 =	spop (v2sf)  }
0xd9: {  	[tilespmem:s31], [sflag:$0x2] =	stream.linear.gather [hbm4b:s25+s3], $0x400, $0x38;
	[tilespmem:$0x10700] =	vst v63  }
0xda: {  	s12 =	simm.s32 $0xA100;
	s11 =	sadd.s32 $0xF4280, s25  }
0xdb: {  	[tilespmem:s12], [sflag:$0x2] =	stream.linear.gather [hbm4b:s11+s3], $0x400, $0x38;
	[tilespmem:$0x10700] =	vst v63  }
0xdc: {  	s15 =	simm.s32 $0xB100;
	s13 =	sadd.s32 $0x1E8500, s25  }
0xdd: {  	[tilespmem:s15], [sflag:$0x2] =	stream.linear.gather [hbm4b:s13+s3], $0x400, $0x38;
	[tilespmem:$0x10700] =	vst v63  }
0xde: {  	s17 =	simm.s32 $0xC100;
	s30 =	sadd.s32 $0x2DC780, s25  }
0xdf: {  	[tilespmem:s17], [sflag:$0x2] =	stream.linear.gather [hbm4b:s30+s3], $0x400, $0x38;
	[tilespmem:$0x10700] =	vst v63  }
0xe0: {  	s19 =	simm.s32 $0xD100;
	s18 =	spop (v2sf)  }
0xe1: {  	[tilespmem:s19], [sflag:$0x2] =	stream.linear.gather [hbm4b:s18+s3], $0x400, $0x38;
	[tilespmem:$0x10700] =	vst v63  }
0xe2: {  	s22 =	simm.s32 $0xE100;
	s21 =	sadd.s32 $0xF4280, s18  }
0xe3: {  	[tilespmem:s22], [sflag:$0x2] =	stream.linear.gather [hbm4b:s21+s3], $0x400, $0x38;
	[tilespmem:$0x10700] =	vst v63  }
0xe4: {  	s23 =	sadd.s32 $0x1E8500, s18;
	s25 =	simm.s32 $0xF100  }
0xe5: {  	[tilespmem:s25], [sflag:$0x2] =	stream.linear.gather [hbm4b:s23+s3], $0x400, $0x38;
	[tilespmem:$0x10700] =	vst v63  }
0xe6: {  	s31 =	simm.s32 $0x10100;
	s30 =	sadd.s32 $0x2DC780, s18  }
0xe7: {  	[tilespmem:s31], [sflag:$0x2] =	stream.linear.gather [hbm4b:s30+s3], $0x400, $0x38;
	[tilespmem:$0x10700] =	vst v63  }
0xe8: {  	_ =	swait.ge [sflag:s24], $0x4000  }
0xe9: {  	[sflag:s24] =	ssyncset.done $0x0  }
0xea: {  	[sflag:s24] =	ssyncadd.s32 $0xFFFFC000  }
0xeb: {  	_ =	swait.ge [sflag:s24], $0x4000  }
0xec: {  	[sflag:s24] =	ssyncset.done $0x0  }
0xed: {  	[sflag:s24] =	ssyncadd.s32 $0xFFFFC000  }
0xee: {  	v53 =	vld [tilespmem:s29+$0x0]  }
0xef: {  	v54 =	vld [tilespmem:s29+$0x280]  }
0xf0: {  	v14 =	vld [tilespmem:s29+$0x8];
	_ =	sdelay $0x2  }
0xf1: {  	v18 =	vand.u32 $0x7F, v53  }
0xf2: {  	v12 =	vbroadcast v18, $0x0  }
0xf3: {  	v19 =	vand.u32 $0x7F, v54;
	v14 =	vand.u32 $0xFFFFFF80, v14  }
0xf4: {  	v13 =	vbroadcast v19, $0x0;
	vm4 =	vgt.s32 v14, $0x0;
	v15 =	vor.u32 v0, v12  }
0xf5: {  	v17 =	vbroadcast v18, $0x1;
	v14 =	vnsel vm4, $0x0, v14;
	v12 =	vor.u32 v1, v12  }
0xf6: {  	v21 =	vld [tilespmem:s29+$0x288];
	v24 =	vbroadcast v18, $0x2;
	v16 =	vor.u32 v0, v13;
	v55 =	vmin.u32 v14, $0xF4200  }
0xf7: {  	v18 =	vbroadcast v18, $0x3;
	v20 =	vor.u32 v1, v13;
	v28 =	vadd.s32 s0, v55  }
0xf8: {  	v22 =	vor.u32 v2, v17;
	(v2sf) =	vpush v28, $0x0  }
0xf9: {  	v56 =	vbroadcast v19, $0x1;
	v31 =	vor.u32 v4, v18;
	v13 =	vld.idx.msk [tilespmem:v15+s10+$0x0], $0xffff  }
0xfa: {  	v17 =	vor.u32 v3, v17;
	v12 =	vld.idx.msk [tilespmem:v12+s10+$0x0], $0xffff  }
0xfb: {  	v21 =	vand.u32 $0xFFFFFF80, v21;
	v23 =	vor.u32 v2, v56;
	v15 =	vld.idx.msk [tilespmem:v16+s14+$0x0], $0xffff  }
0xfc: {  	vm4 =	vgt.s32 v21, $0x0;
	v25 =	vor.u32 v3, v56;
	v14 =	vld.idx.msk [tilespmem:v20+s14+$0x0], $0xffff  }
0xfd: {  	v57 =	vor.u32 v63, v24;
	v21 =	vnsel vm4, $0x0, v21;
	v16 =	vld.idx.msk [tilespmem:v22+s10+$0x0], $0xffff  }
0xfe: {  	v26 =	vbroadcast v19, $0x2;
	v18 =	vor.u32 v5, v18;
	v21 =	vmin.u32 v21, $0xF4200;
	v7 =	vld.idx.msk [tilespmem:v31+s10+$0x0], $0xffff  }
0xff: {  	v27 =	vor.u32 v60, v24;
	v32 =	vadd.s32 s1, v21;
	v17 =	vld.idx.msk [tilespmem:v17+s10+$0x0], $0xffff  }
0x100: {  	v19 =	vbroadcast v19, $0x3;
	v29 =	vor.u32 v63, v26;
	(v2sf) =	vpush v32, $0x0;
	v22 =	vld.idx.msk [tilespmem:v23+s14+$0x0], $0xffff  }
0x101: {  	v30 =	vor.u32 v60, v26;
	v23 =	vld.idx.msk [tilespmem:v25+s14+$0x0], $0xffff  }
0x102: {  	v58 =	vor.u32 v4, v19;
	v24 =	vld.idx.msk [tilespmem:v57+s10+$0x0], $0xffff  }
0x103: {  	v19 =	vor.u32 v5, v19;
	[tilespmem:$0x1FFA0] =	vst v7;
	v7 =	vld.idx.msk [tilespmem:v18+s10+$0x0], $0xffff  }
0x104: {  	v25 =	vld.idx.msk [tilespmem:v27+s10+$0x0], $0xffff  }
0x105: {  	v26 =	vld.idx.msk [tilespmem:v29+s14+$0x0], $0xffff  }
0x106: {  	v20 =	vld.idx.msk [tilespmem:v30+s14+$0x0], $0xffff  }
0x107: {  	v21 =	vld.idx.msk [tilespmem:v58+s14+$0x0], $0xffff;
	s12 =	spop (v2sf)  }
0x108: {  	[tilespmem:$0x1FFB0] =	vst v7;
	v7 =	vld.idx.msk [tilespmem:v19+s14+$0x0], $0xffff;
	(v2sf) =	vpush v28, $0x1;
	[tilespmem:s10], [sflag:$0x1] =	stream.linear.gather [hbm4b:s12+s3], $0x400, $0x38  }
0x109: {  	s25 =	simm.s32 $0x1500;
	s13 =	sadd.s32 $0xF4280, s12  }
0x10a: {  	[tilespmem:s25], [sflag:$0x1] =	stream.linear.gather [hbm4b:s13+s3], $0x400, $0x38;
	[tilespmem:$0x10700] =	vst v63  }
0x10b: {  	s11 =	simm.s32 $0x2500;
	s15 =	sadd.s32 $0x1E8500, s12  }
0x10c: {  	[tilespmem:s11], [sflag:$0x1] =	stream.linear.gather [hbm4b:s15+s3], $0x400, $0x38;
	[tilespmem:$0x10700] =	vst v63  }
0x10d: {  	s19 =	simm.s32 $0x3500;
	s30 =	sadd.s32 $0x2DC780, s12  }
0x10e: {  	[tilespmem:s19], [sflag:$0x1] =	stream.linear.gather [hbm4b:s30+s3], $0x400, $0x38;
	[tilespmem:$0x10700] =	vst v63  }
0x10f: {  	s17 =	spop (v2sf)  }
0x110: {  	(v2sf) =	vpush v32, $0x1;
	[tilespmem:s14], [sflag:$0x1] =	stream.linear.gather [hbm4b:s17+s3], $0x400, $0x38;
	[tilespmem:$0x10700] =	vst v63  }
0x111: {  	s12 =	simm.s32 $0x5500;
	s18 =	sadd.s32 $0xF4280, s17  }
0x112: {  	[tilespmem:s12], [sflag:$0x1] =	stream.linear.gather [hbm4b:s18+s3], $0x400, $0x38;
	[tilespmem:$0x10700] =	vst v63  }
0x113: {  	s21 =	sadd.s32 $0x1E8500, s17;
	s13 =	simm.s32 $0x6500  }
0x114: {  	[tilespmem:s13], [sflag:$0x1] =	stream.linear.gather [hbm4b:s21+s3], $0x400, $0x38;
	[tilespmem:$0x10700] =	vst v63  }
0x115: {  	s30 =	sadd.s32 $0x2DC780, s17;
	s21 =	simm.s32 $0x7500  }
0x116: {  	[tilespmem:s21], [sflag:$0x1] =	stream.linear.gather [hbm4b:s30+s3], $0x400, $0x38;
	[tilespmem:$0x10700] =	vst v63  }
0x117: {  	s13 =	simm.s32 $0x900;
	s22 =	spop (v2sf)  }
0x118: {  	(v2sf) =	vpush v28, $0x2;
	[tilespmem:s13], [sflag:$0x1] =	stream.linear.gather [hbm4b:s22+s3], $0x400, $0x38;
	[tilespmem:$0x10700] =	vst v63  }
0x119: {  	s15 =	simm.s32 $0x1900;
	s23 =	sadd.s32 $0xF4280, s22  }
0x11a: {  	[tilespmem:s15], [sflag:$0x1] =	stream.linear.gather [hbm4b:s23+s3], $0x400, $0x38;
	[tilespmem:$0x10700] =	vst v63  }
0x11b: {  	s18 =	simm.s32 $0x2900;
	s17 =	sadd.s32 $0x1E8500, s22  }
0x11c: {  	[tilespmem:s18], [sflag:$0x1] =	stream.linear.gather [hbm4b:s17+s3], $0x400, $0x38;
	[tilespmem:$0x10700] =	vst v63  }
0x11d: {  	s30 =	sadd.s32 $0x2DC780, s22;
	s22 =	simm.s32 $0x3900  }
0x11e: {  	[tilespmem:s22], [sflag:$0x1] =	stream.linear.gather [hbm4b:s30+s3], $0x400, $0x38;
	[tilespmem:$0x10700] =	vst v63  }
0x11f: {  	s31 =	simm.s32 $0x4900;
	s23 =	spop (v2sf)  }
0x120: {  	(v2sf) =	vpush v32, $0x2;
	[tilespmem:s31], [sflag:$0x1] =	stream.linear.gather [hbm4b:s23+s3], $0x400, $0x38;
	[tilespmem:$0x10700] =	vst v63  }
0x121: {  	s15 =	sadd.s32 $0xF4280, s23;
	s17 =	simm.s32 $0x5900  }
0x122: {  	[tilespmem:s17], [sflag:$0x1] =	stream.linear.gather [hbm4b:s15+s3], $0x400, $0x38;
	[tilespmem:$0x10700] =	vst v63  }
0x123: {  	s18 =	sadd.s32 $0x1E8500, s23;
	s22 =	simm.s32 $0x6900  }
0x124: {  	[tilespmem:s22], [sflag:$0x1] =	stream.linear.gather [hbm4b:s18+s3], $0x400, $0x38;
	[tilespmem:$0x10700] =	vst v63  }
0x125: {  	s30 =	sadd.s32 $0x2DC780, s23;
	s23 =	simm.s32 $0x7900  }
0x126: {  	[tilespmem:s23], [sflag:$0x1] =	stream.linear.gather [hbm4b:s30+s3], $0x400, $0x38;
	[tilespmem:$0x10700] =	vst v63  }
0x127: {  	s31 =	simm.s32 $0xD00;
	s30 =	spop (v2sf)  }
0x128: {  	(v2sf) =	vpush v28, $0x3;
	[tilespmem:s31], [sflag:$0x1] =	stream.linear.gather [hbm4b:s30+s3], $0x400, $0x38;
	[tilespmem:$0x10700] =	vst v63  }
0x129: {  	s18 =	simm.s32 $0x1D00;
	s17 =	sadd.s32 $0xF4280, s30  }
0x12a: {  	[tilespmem:s18], [sflag:$0x1] =	stream.linear.gather [hbm4b:s17+s3], $0x400, $0x38;
	[tilespmem:$0x10700] =	vst v63  }
0x12b: {  	s23 =	simm.s32 $0x2D00;
	s22 =	sadd.s32 $0x1E8500, s30  }
0x12c: {  	[tilespmem:s23], [sflag:$0x1] =	stream.linear.gather [hbm4b:s22+s3], $0x400, $0x38;
	[tilespmem:$0x10700] =	vst v63  }
0x12d: {  	s30 =	sadd.s32 $0x2DC780, s30;
	s31 =	simm.s32 $0x3D00  }
0x12e: {  	[tilespmem:s31], [sflag:$0x1] =	stream.linear.gather [hbm4b:s30+s3], $0x400, $0x38;
	[tilespmem:$0x10700] =	vst v63  }
0x12f: {  	s17 =	spop (v2sf);
	s18 =	simm.s32 $0x4D00  }
0x130: {  	(v2sf) =	vpush v32, $0x3;
	[tilespmem:s18], [sflag:$0x1] =	stream.linear.gather [hbm4b:s17+s3], $0x400, $0x38;
	[tilespmem:$0x10700] =	vst v63  }
0x131: {  	s15 =	simm.s32 $0x5D00;
	s22 =	sadd.s32 $0xF4280, s17  }
0x132: {  	[tilespmem:s15], [sflag:$0x1] =	stream.linear.gather [hbm4b:s22+s3], $0x400, $0x38;
	[tilespmem:$0x10700] =	vst v63  }
0x133: {  	s23 =	sadd.s32 $0x1E8500, s17;
	s22 =	simm.s32 $0x6D00  }
0x134: {  	[tilespmem:s22], [sflag:$0x1] =	stream.linear.gather [hbm4b:s23+s3], $0x400, $0x38;
	[tilespmem:$0x10700] =	vst v63  }
0x135: {  	s30 =	sadd.s32 $0x2DC780, s17;
	s23 =	simm.s32 $0x7D00  }
0x136: {  	[tilespmem:s23], [sflag:$0x1] =	stream.linear.gather [hbm4b:s30+s3], $0x400, $0x38;
	[tilespmem:$0x10700] =	vst v63  }
0x137: {  	s17 =	simm.s32 $0x1100;
	s30 =	spop (v2sf)  }
0x138: {  	[tilespmem:s17], [sflag:$0x1] =	stream.linear.gather [hbm4b:s30+s3], $0x400, $0x38;
	[tilespmem:$0x10700] =	vst v63  }
0x139: {  	s18 =	simm.s32 $0x2100;
	s17 =	sadd.s32 $0xF4280, s30  }
0x13a: {  	[tilespmem:s18], [sflag:$0x1] =	stream.linear.gather [hbm4b:s17+s3], $0x400, $0x38;
	[tilespmem:$0x10700] =	vst v63  }
0x13b: {  	s17 =	sadd.s32 $0x1E8500, s30;
	s18 =	simm.s32 $0x3100  }
0x13c: {  	[tilespmem:s18], [sflag:$0x1] =	stream.linear.gather [hbm4b:s17+s3], $0x400, $0x38;
	[tilespmem:$0x10700] =	vst v63  }
0x13d: {  	s30 =	sadd.s32 $0x2DC780, s30;
	s17 =	simm.s32 $0x4100  }
0x13e: {  	[tilespmem:s17], [sflag:$0x1] =	stream.linear.gather [hbm4b:s30+s3], $0x400, $0x38;
	[tilespmem:$0x10700] =	vst v63  }
0x13f: {  	s18 =	simm.s32 $0x5100;
	s30 =	spop (v2sf)  }
0x140: {  	[tilespmem:s18], [sflag:$0x1] =	stream.linear.gather [hbm4b:s30+s3], $0x400, $0x38;
	[tilespmem:$0x10700] =	vst v63  }
0x141: {  	s31 =	sadd.s32 $0xF4280, s30;
	s18 =	simm.s32 $0x6100  }
0x142: {  	[tilespmem:s18], [sflag:$0x1] =	stream.linear.gather [hbm4b:s31+s3], $0x400, $0x38;
	[tilespmem:$0x10700] =	vst v63  }
0x143: {  	s31 =	sadd.s32 $0x1E8500, s30;
	s18 =	simm.s32 $0x7100  }
0x144: {  	[tilespmem:s18], [sflag:$0x1] =	stream.linear.gather [hbm4b:s31+s3], $0x400, $0x38;
	[tilespmem:$0x10700] =	vst v63  }
0x145: {  	[tilespmem:$0x1FFC0] =	vst v7;
	s30 =	sadd.s32 $0x2DC780, s30;
	s31 =	simm.s32 $0x8100  }
0x146: {  	[tilespmem:s31], [sflag:$0x1] =	stream.linear.gather [hbm4b:s30+s3], $0x400, $0x38;
	[tilespmem:$0x10700] =	vst v63  }
0x147: {  	_ =	swait.ge [sflag:s26], $0x4000  }
0x148: {  	[sflag:s26] =	ssyncset.done $0x0  }
0x149: {  	[sflag:s26] =	ssyncadd.s32 $0xFFFFC000  }
0x14a: {  	_ =	swait.ge [sflag:s26], $0x4000  }
0x14b: {  	[sflag:s26] =	ssyncset.done $0x0  }
0x14c: {  	[sflag:s26] =	ssyncadd.s32 $0xFFFFC000  }
0x14d: {  	v59 =	vld [tilespmem:s29+$0x4]  }
0x14e: {  	v61 =	vld [tilespmem:s29+$0x284]  }
0x14f: {  	v62 =	vld [tilespmem:s29+$0xC];
	_ =	sdelay $0x2  }
0x150: {  	v34 =	vand.u32 $0x7F, v59  }
0x151: {  	v36 =	vand.u32 $0x7F, v61;
	v28 =	vbroadcast v34, $0x0  }
0x152: {  	v30 =	vand.u32 $0xFFFFFF80, v62;
	v29 =	vbroadcast v36, $0x0  }
0x153: {  	vm4 =	vgt.s32 v30, $0x0;
	v18 =	vor.u32 v0, v28  }
0x154: {  	v35 =	vbroadcast v34, $0x1;
	v47 =	vnsel vm4, $0x0, v30;
	v33 =	vor.u32 v0, v29  }
0x155: {  	v37 =	vld [tilespmem:s29+$0x28C];
	v19 =	vor.u32 v1, v28;
	v48 =	vor.u32 v1, v29;
	v28 =	vmin.u32 v47, $0xF4200  }
0x156: {  	v39 =	vbroadcast v36, $0x1;
	v38 =	vor.u32 v2, v35;
	v44 =	vadd.s32 s0, v28  }
0x157: {  	v35 =	vor.u32 v3, v35;
	(v2sf) =	vpush v44, $0x0  }
0x158: {  	v41 =	vbroadcast v34, $0x2;
	v40 =	vor.u32 v2, v39;
	v7 =	vld.idx.msk [tilespmem:v18+s16+$0x0], $0xffff  }
0x159: {  	v39 =	vor.u32 v3, v39;
	v27 =	vld.idx.msk [tilespmem:v33+s20+$0x0], $0xffff  }
0x15a: {  	v37 =	vand.u32 $0xFFFFFF80, v37;
	v43 =	vbroadcast v36, $0x2;
	v42 =	vor.u32 v63, v41;
	v29 =	vld.idx.msk [tilespmem:v48+s20+$0x0], $0xffff  }
0x15b: {  	vm4 =	vgt.s32 v37, $0x0;
	v49 =	vor.u32 v60, v41;
	v28 =	vld.idx.msk [tilespmem:v38+s16+$0x0], $0xffff  }
0x15c: {  	v45 =	vbroadcast v34, $0x3;
	v50 =	vor.u32 v63, v43;
	v51 =	vnsel vm4, $0x0, v37;
	v30 =	vld.idx.msk [tilespmem:v35+s16+$0x0], $0xffff  }
0x15d: {  	v52 =	vor.u32 v60, v43;
	v37 =	vmin.u32 v51, $0xF4200;
	v34 =	vld.idx.msk [tilespmem:v40+s20+$0x0], $0xffff  }
0x15e: {  	v54 =	vbroadcast v36, $0x3;
	v53 =	vor.u32 v4, v45;
	v46 =	vadd.s32 s1, v37;
	v35 =	vld.idx.msk [tilespmem:v39+s20+$0x0], $0xffff  }
0x15f: {  	v45 =	vor.u32 v5, v45;
	(v2sf) =	vpush v46, $0x0;
	v31 =	vld.idx.msk [tilespmem:v42+s16+$0x0], $0xffff  }
0x160: {  	v47 =	vor.u32 v4, v54;
	v36 =	vld.idx.msk [tilespmem:v49+s16+$0x0], $0xffff  }
0x161: {  	v55 =	vor.u32 v5, v54;
	v42 =	vld.idx.msk [tilespmem:v50+s20+$0x0], $0xffff  }
0x162: {  	v32 =	vld.idx.msk [tilespmem:v52+s20+$0x0], $0xffff  }
0x163: {  	v40 =	vld.idx.msk [tilespmem:v53+s16+$0x0], $0xffff  }
0x164: {  	v33 =	vld.idx.msk [tilespmem:v45+s16+$0x0], $0xffff  }
0x165: {  	v43 =	vld.idx.msk [tilespmem:v47+s20+$0x0], $0xffff  }
0x166: {  	v41 =	vld.idx.msk [tilespmem:v55+s20+$0x0], $0xffff;
	s30 =	spop (v2sf)  }
0x167: {  	[tilespmem:$0x1FFD0] =	vst v7;
	v7 =	vld.idx.msk [tilespmem:v19+s16+$0x0], $0xffff;
	(v2sf) =	vpush v44, $0x1;
	[tilespmem:s16], [sflag:$0x2] =	stream.linear.gather [hbm4b:s30+s3], $0x400, $0x38  }
0x168: {  	s31 =	sadd.s32 $0xF4280, s30  }
0x169: {  	[tilespmem:s2], [sflag:$0x2] =	stream.linear.gather [hbm4b:s31+s3], $0x400, $0x38;
	[tilespmem:$0x10700] =	vst v63  }
0x16a: {  	s2 =	sadd.s32 $0x1E8500, s30  }
0x16b: {  	[tilespmem:s4], [sflag:$0x2] =	stream.linear.gather [hbm4b:s2+s3], $0x400, $0x38;
	[tilespmem:$0x10700] =	vst v63  }
0x16c: {  	s30 =	sadd.s32 $0x2DC780, s30  }
0x16d: {  	[tilespmem:s5], [sflag:$0x2] =	stream.linear.gather [hbm4b:s30+s3], $0x400, $0x38;
	[tilespmem:$0x10700] =	vst v63  }
0x16e: {  	s4 =	spop (v2sf)  }
0x16f: {  	(v2sf) =	vpush v46, $0x1;
	[tilespmem:s20], [sflag:$0x2] =	stream.linear.gather [hbm4b:s4+s3], $0x400, $0x38;
	[tilespmem:$0x10700] =	vst v63  }
0x170: {  	s5 =	sadd.s32 $0xF4280, s4  }
0x171: {  	[tilespmem:s6], [sflag:$0x2] =	stream.linear.gather [hbm4b:s5+s3], $0x400, $0x38;
	[tilespmem:$0x10700] =	vst v63  }
0x172: {  	s6 =	sadd.s32 $0x1E8500, s4  }
0x173: {  	[tilespmem:s7], [sflag:$0x2] =	stream.linear.gather [hbm4b:s6+s3], $0x400, $0x38;
	[tilespmem:$0x10700] =	vst v63  }
0x174: {  	s30 =	sadd.s32 $0x2DC780, s4  }
0x175: {  	[tilespmem:s8], [sflag:$0x2] =	stream.linear.gather [hbm4b:s30+s3], $0x400, $0x38;
	[tilespmem:$0x10700] =	vst v63  }
0x176: {  	s8 =	spop (v2sf)  }
0x177: {  	(v2sf) =	vpush v44, $0x2;
	[tilespmem:s9], [sflag:$0x2] =	stream.linear.gather [hbm4b:s8+s3], $0x400, $0x38;
	[tilespmem:$0x10700] =	vst v63  }
0x178: {  	s5 =	simm.s32 $0x9900;
	s4 =	sadd.s32 $0xF4280, s8  }
0x179: {  	[tilespmem:s5], [sflag:$0x2] =	stream.linear.gather [hbm4b:s4+s3], $0x400, $0x38;
	[tilespmem:$0x10700] =	vst v63  }
0x17a: {  	s7 =	simm.s32 $0xA900;
	s6 =	sadd.s32 $0x1E8500, s8  }
0x17b: {  	[tilespmem:s7], [sflag:$0x2] =	stream.linear.gather [hbm4b:s6+s3], $0x400, $0x38;
	[tilespmem:$0x10700] =	vst v63  }
0x17c: {  	s30 =	sadd.s32 $0x2DC780, s8;
	s8 =	simm.s32 $0xB900  }
0x17d: {  	[tilespmem:s8], [sflag:$0x2] =	stream.linear.gather [hbm4b:s30+s3], $0x400, $0x38;
	[tilespmem:$0x10700] =	vst v63  }
0x17e: {  	s31 =	simm.s32 $0xC900;
	s9 =	spop (v2sf)  }
0x17f: {  	(v2sf) =	vpush v46, $0x2;
	[tilespmem:s31], [sflag:$0x2] =	stream.linear.gather [hbm4b:s9+s3], $0x400, $0x38;
	[tilespmem:$0x10700] =	vst v63  }
0x180: {  	s5 =	simm.s32 $0xD900;
	s4 =	sadd.s32 $0xF4280, s9  }
0x181: {  	[tilespmem:s5], [sflag:$0x2] =	stream.linear.gather [hbm4b:s4+s3], $0x400, $0x38;
	[tilespmem:$0x10700] =	vst v63  }
0x182: {  	s6 =	sadd.s32 $0x1E8500, s9;
	s7 =	simm.s32 $0xE900  }
0x183: {  	[tilespmem:s7], [sflag:$0x2] =	stream.linear.gather [hbm4b:s6+s3], $0x400, $0x38;
	[tilespmem:$0x10700] =	vst v63  }
0x184: {  	s30 =	sadd.s32 $0x2DC780, s9;
	s8 =	simm.s32 $0xF900  }
0x185: {  	[tilespmem:s8], [sflag:$0x2] =	stream.linear.gather [hbm4b:s30+s3], $0x400, $0x38;
	[tilespmem:$0x10700] =	vst v63  }
0x186: {  	s31 =	simm.s32 $0x8D00;
	s9 =	spop (v2sf)  }
0x187: {  	(v2sf) =	vpush v44, $0x3;
	[tilespmem:s31], [sflag:$0x2] =	stream.linear.gather [hbm4b:s9+s3], $0x400, $0x38;
	[tilespmem:$0x10700] =	vst v63  }
0x188: {  	s5 =	simm.s32 $0x9D00;
	s4 =	sadd.s32 $0xF4280, s9  }
0x189: {  	[tilespmem:s5], [sflag:$0x2] =	stream.linear.gather [hbm4b:s4+s3], $0x400, $0x38;
	[tilespmem:$0x10700] =	vst v63  }
0x18a: {  	s7 =	simm.s32 $0xAD00;
	s6 =	sadd.s32 $0x1E8500, s9  }
0x18b: {  	[tilespmem:s7], [sflag:$0x2] =	stream.linear.gather [hbm4b:s6+s3], $0x400, $0x38;
	[tilespmem:$0x10700] =	vst v63  }
0x18c: {  	s30 =	sadd.s32 $0x2DC780, s9;
	s8 =	simm.s32 $0xBD00  }
0x18d: {  	[tilespmem:s8], [sflag:$0x2] =	stream.linear.gather [hbm4b:s30+s3], $0x400, $0x38;
	[tilespmem:$0x10700] =	vst v63  }
0x18e: {  	s31 =	simm.s32 $0xCD00;
	s9 =	spop (v2sf)  }
0x18f: {  	(v2sf) =	vpush v46, $0x3;
	[tilespmem:s31], [sflag:$0x2] =	stream.linear.gather [hbm4b:s9+s3], $0x400, $0x38;
	[tilespmem:$0x10700] =	vst v63  }
0x190: {  	s5 =	simm.s32 $0xDD00;
	s4 =	sadd.s32 $0xF4280, s9  }
0x191: {  	[tilespmem:s5], [sflag:$0x2] =	stream.linear.gather [hbm4b:s4+s3], $0x400, $0x38;
	[tilespmem:$0x10700] =	vst v63  }
0x192: {  	s6 =	sadd.s32 $0x1E8500, s9;
	s7 =	simm.s32 $0xED00  }
0x193: {  	[tilespmem:s7], [sflag:$0x2] =	stream.linear.gather [hbm4b:s6+s3], $0x400, $0x38;
	[tilespmem:$0x10700] =	vst v63  }
0x194: {  	s30 =	sadd.s32 $0x2DC780, s9;
	s8 =	simm.s32 $0xFD00  }
0x195: {  	[tilespmem:s8], [sflag:$0x2] =	stream.linear.gather [hbm4b:s30+s3], $0x400, $0x38;
	[tilespmem:$0x10700] =	vst v63  }
0x196: {  	s31 =	simm.s32 $0x9100;
	s9 =	spop (v2sf)  }
0x197: {  	[tilespmem:s31], [sflag:$0x2] =	stream.linear.gather [hbm4b:s9+s3], $0x400, $0x38;
	[tilespmem:$0x10700] =	vst v63  }
0x198: {  	s5 =	simm.s32 $0xA100;
	s4 =	sadd.s32 $0xF4280, s9  }
0x199: {  	[tilespmem:s5], [sflag:$0x2] =	stream.linear.gather [hbm4b:s4+s3], $0x400, $0x38;
	[tilespmem:$0x10700] =	vst v63  }
0x19a: {  	s7 =	simm.s32 $0xB100;
	s6 =	sadd.s32 $0x1E8500, s9  }
0x19b: {  	[tilespmem:s7], [sflag:$0x2] =	stream.linear.gather [hbm4b:s6+s3], $0x400, $0x38;
	[tilespmem:$0x10700] =	vst v63  }
0x19c: {  	s30 =	sadd.s32 $0x2DC780, s9;
	s8 =	simm.s32 $0xC100  }
0x19d: {  	[tilespmem:s8], [sflag:$0x2] =	stream.linear.gather [hbm4b:s30+s3], $0x400, $0x38;
	[tilespmem:$0x10700] =	vst v63  }
0x19e: {  	s31 =	simm.s32 $0xD100;
	s9 =	spop (v2sf)  }
0x19f: {  	[tilespmem:s31], [sflag:$0x2] =	stream.linear.gather [hbm4b:s9+s3], $0x400, $0x38;
	[tilespmem:$0x10700] =	vst v63  }
0x1a0: {  	s4 =	sadd.s32 $0xF4280, s9;
	s5 =	simm.s32 $0xE100  }
0x1a1: {  	[tilespmem:s5], [sflag:$0x2] =	stream.linear.gather [hbm4b:s4+s3], $0x400, $0x38;
	[tilespmem:$0x10700] =	vst v63  }
0x1a2: {  	s6 =	sadd.s32 $0x1E8500, s9;
	s7 =	simm.s32 $0xF100  }
0x1a3: {  	[tilespmem:s7], [sflag:$0x2] =	stream.linear.gather [hbm4b:s6+s3], $0x400, $0x38;
	[tilespmem:$0x10700] =	vst v63  }
0x1a4: {  	[tilespmem:$0x1FFE0] =	vst v7;
	s30 =	sadd.s32 $0x2DC780, s9;
	s8 =	simm.s32 $0x10100  }
0x1a5: {  	[tilespmem:s8], [sflag:$0x2] =	stream.linear.gather [hbm4b:s30+s3], $0x400, $0x38;
	[tilespmem:$0x10700] =	vst v63  }
0x1a6: {  	_ =	swait.ge [sflag:s24], $0x4000  }
0x1a7: {  	[sflag:s24] =	ssyncset.done $0x0  }
0x1a8: {  	[sflag:s24] =	ssyncadd.s32 $0xFFFFC000  }
0x1a9: {  	_ =	swait.ge [sflag:s24], $0x4000  }
0x1aa: {  	[sflag:s24] =	ssyncset.done $0x0  }
0x1ab: {  	[sflag:s24] =	ssyncadd.s32 $0xFFFFC000  }
0x1ac: {  	v56 =	vld [tilespmem:s29+$0x8]  }
0x1ad: {  	v58 =	vld [tilespmem:s29+$0x10]  }
0x1ae: {  	v57 =	vld [tilespmem:s29+$0x288];
	_ =	sdelay $0x2  }
0x1af: {  	v50 =	vand.u32 $0x7F, v56  }
0x1b0: {  	v46 =	vand.u32 $0xFFFFFF80, v58;
	v44 =	vbroadcast v50, $0x0  }
0x1b1: {  	v52 =	vand.u32 $0x7F, v57;
	vm4 =	vgt.s32 v46, $0x0  }
0x1b2: {  	v45 =	vbroadcast v52, $0x0;
	v19 =	vnsel vm4, $0x0, v46;
	v59 =	vor.u32 v0, v44  }
0x1b3: {  	v51 =	vbroadcast v50, $0x1;
	v48 =	vor.u32 v1, v44  }
0x1b4: {  	v53 =	vld [tilespmem:s29+$0x290];
	v49 =	vor.u32 v0, v45;
	v37 =	vor.u32 v1, v45;
	v44 =	vmin.u32 v19, $0xF4200  }
0x1b5: {  	v19 =	vmovc v6;
	v6 =	vmovc v5;
	v5 =	vmov v4;
	v4 =	vmov v60;
	v60 =	vadd.s32 s0, v44  }
0x1b6: {  	v55 =	vbroadcast v52, $0x1;
	v54 =	vor.u32 v2, v51;
	(v2sf) =	vpush v60, $0x0  }
0x1b7: {  	v51 =	vor.u32 v3, v51;
	v44 =	vld.idx.msk [tilespmem:v59+s10+$0x0], $0xffff  }
0x1b8: {  	v57 =	vbroadcast v50, $0x2;
	v56 =	vor.u32 v2, v55;
	v45 =	vld.idx.msk [tilespmem:v48+s10+$0x0], $0xffff  }
0x1b9: {  	v53 =	vand.u32 $0xFFFFFF80, v53;
	v55 =	vor.u32 v3, v55;
	v47 =	vld.idx.msk [tilespmem:v49+s14+$0x0], $0xffff  }
0x1ba: {  	vm4 =	vgt.s32 v53, $0x0;
	v58 =	vor.u32 v63, v57;
	v46 =	vld.idx.msk [tilespmem:v37+s14+$0x0], $0xffff;
	v59 =	vbroadcast v52, $0x2  }
0x1bb: {  	v18 =	vnsel vm4, $0x0, v53;
	v38 =	vor.u32 v4, v57;
	v48 =	vld.idx.msk [tilespmem:v54+s10+$0x0], $0xffff  }
0x1bc: {  	v61 =	vbroadcast v50, $0x3;
	v53 =	vmin.u32 v18, $0xF4200;
	v49 =	vld.idx.msk [tilespmem:v51+s10+$0x0], $0xffff;
	v39 =	vor.u32 v63, v59  }
0x1bd: {  	v62 =	vadd.s32 s1, v53;
	v50 =	vld.idx.msk [tilespmem:v56+s14+$0x0], $0xffff;
	v56 =	vor.u32 v4, v59  }
0x1be: {  	(v2sf) =	vpush v62, $0x0;
	v51 =	vld.idx.msk [tilespmem:v55+s14+$0x0], $0xffff;
	v37 =	vbroadcast v52, $0x3;
	v59 =	vor.u32 v5, v61  }
0x1bf: {  	v52 =	vld.idx.msk [tilespmem:v58+s10+$0x0], $0xffff;
	v61 =	vor.u32 v6, v61  }
0x1c0: {  	v53 =	vld.idx.msk [tilespmem:v38+s10+$0x0], $0xffff;
	v38 =	vor.u32 v5, v37  }
0x1c1: {  	v58 =	vld.idx.msk [tilespmem:v39+s14+$0x0], $0xffff;
	v39 =	vor.u32 v6, v37  }
0x1c2: {  	v55 =	vld.idx.msk [tilespmem:v56+s14+$0x0], $0xffff  }
0x1c3: {  	v56 =	vld.idx.msk [tilespmem:v59+s10+$0x0], $0xffff  }
0x1c4: {  	v54 =	vld.idx.msk [tilespmem:v61+s10+$0x0], $0xffff  }
0x1c5: {  	v59 =	vld.idx.msk [tilespmem:v38+s14+$0x0], $0xffff;
	s9 =	spop (v2sf)  }
0x1c6: {  	v57 =	vld.idx.msk [tilespmem:v39+s14+$0x0], $0xffff;
	(v2sf) =	vpush v60, $0x1;
	[tilespmem:s10], [sflag:$0x1] =	stream.linear.gather [hbm4b:s9+s3], $0x400, $0x38  }
0x1c7: {  	s2 =	sadd.s32 $0xF4280, s9  }
0x1c8: {  	[tilespmem:s25], [sflag:$0x1] =	stream.linear.gather [hbm4b:s2+s3], $0x400, $0x38;
	[tilespmem:$0x10700] =	vst v63  }
0x1c9: {  	s4 =	sadd.s32 $0x1E8500, s9  }
0x1ca: {  	[tilespmem:s11], [sflag:$0x1] =	stream.linear.gather [hbm4b:s4+s3], $0x400, $0x38;
	[tilespmem:$0x10700] =	vst v63  }
0x1cb: {  	s30 =	sadd.s32 $0x2DC780, s9  }
0x1cc: {  	[tilespmem:s19], [sflag:$0x1] =	stream.linear.gather [hbm4b:s30+s3], $0x400, $0x38;
	[tilespmem:$0x10700] =	vst v63  }
0x1cd: {  	s5 =	spop (v2sf)  }
0x1ce: {  	(v2sf) =	vpush v62, $0x1;
	[tilespmem:s14], [sflag:$0x1] =	stream.linear.gather [hbm4b:s5+s3], $0x400, $0x38;
	[tilespmem:$0x10700] =	vst v63  }
0x1cf: {  	s6 =	sadd.s32 $0xF4280, s5  }
0x1d0: {  	[tilespmem:s12], [sflag:$0x1] =	stream.linear.gather [hbm4b:s6+s3], $0x400, $0x38;
	[tilespmem:$0x10700] =	vst v63  }
0x1d1: {  	s8 =	simm.s32 $0x6500;
	s7 =	sadd.s32 $0x1E8500, s5  }
0x1d2: {  	[tilespmem:s8], [sflag:$0x1] =	stream.linear.gather [hbm4b:s7+s3], $0x400, $0x38;
	[tilespmem:$0x10700] =	vst v63  }
0x1d3: {  	s30 =	sadd.s32 $0x2DC780, s5  }
0x1d4: {  	[tilespmem:s21], [sflag:$0x1] =	stream.linear.gather [hbm4b:s30+s3], $0x400, $0x38;
	[tilespmem:$0x10700] =	vst v63  }
0x1d5: {  	s9 =	spop (v2sf)  }
0x1d6: {  	(v2sf) =	vpush v60, $0x2;
	[tilespmem:s13], [sflag:$0x1] =	stream.linear.gather [hbm4b:s9+s3], $0x400, $0x38;
	[tilespmem:$0x10700] =	vst v63  }
0x1d7: {  	s12 =	simm.s32 $0x1900;
	s11 =	sadd.s32 $0xF4280, s9  }
0x1d8: {  	[tilespmem:s12], [sflag:$0x1] =	stream.linear.gather [hbm4b:s11+s3], $0x400, $0x38;
	[tilespmem:$0x10700] =	vst v63  }
0x1d9: {  	s19 =	simm.s32 $0x2900;
	s13 =	sadd.s32 $0x1E8500, s9  }
0x1da: {  	[tilespmem:s19], [sflag:$0x1] =	stream.linear.gather [hbm4b:s13+s3], $0x400, $0x38;
	[tilespmem:$0x10700] =	vst v63  }
0x1db: {  	s21 =	simm.s32 $0x3900;
	s30 =	sadd.s32 $0x2DC780, s9  }
0x1dc: {  	[tilespmem:s21], [sflag:$0x1] =	stream.linear.gather [hbm4b:s30+s3], $0x400, $0x38;
	[tilespmem:$0x10700] =	vst v63  }
0x1dd: {  	s4 =	simm.s32 $0x4900;
	s25 =	spop (v2sf)  }
0x1de: {  	(v2sf) =	vpush v62, $0x2;
	[tilespmem:s4], [sflag:$0x1] =	stream.linear.gather [hbm4b:s25+s3], $0x400, $0x38;
	[tilespmem:$0x10700] =	vst v63  }
0x1df: {  	s6 =	simm.s32 $0x5900;
	s5 =	sadd.s32 $0xF4280, s25  }
0x1e0: {  	[tilespmem:s6], [sflag:$0x1] =	stream.linear.gather [hbm4b:s5+s3], $0x400, $0x38;
	[tilespmem:$0x10700] =	vst v63  }
0x1e1: {  	s8 =	simm.s32 $0x6900;
	s7 =	sadd.s32 $0x1E8500, s25  }
0x1e2: {  	[tilespmem:s8], [sflag:$0x1] =	stream.linear.gather [hbm4b:s7+s3], $0x400, $0x38;
	[tilespmem:$0x10700] =	vst v63  }
0x1e3: {  	s9 =	simm.s32 $0x7900;
	s30 =	sadd.s32 $0x2DC780, s25  }
0x1e4: {  	[tilespmem:s9], [sflag:$0x1] =	stream.linear.gather [hbm4b:s30+s3], $0x400, $0x38;
	[tilespmem:$0x10700] =	vst v63  }
0x1e5: {  	s12 =	simm.s32 $0xD00;
	s11 =	spop (v2sf)  }
0x1e6: {  	(v2sf) =	vpush v60, $0x3;
	[tilespmem:s12], [sflag:$0x1] =	stream.linear.gather [hbm4b:s11+s3], $0x400, $0x38;
	[tilespmem:$0x10700] =	vst v63  }
0x1e7: {  	s19 =	simm.s32 $0x1D00;
	s13 =	sadd.s32 $0xF4280, s11  }
0x1e8: {  	[tilespmem:s19], [sflag:$0x1] =	stream.linear.gather [hbm4b:s13+s3], $0x400, $0x38;
	[tilespmem:$0x10700] =	vst v63  }
0x1e9: {  	s25 =	simm.s32 $0x2D00;
	s21 =	sadd.s32 $0x1E8500, s11  }
0x1ea: {  	[tilespmem:s25], [sflag:$0x1] =	stream.linear.gather [hbm4b:s21+s3], $0x400, $0x38;
	[tilespmem:$0x10700] =	vst v63  }
0x1eb: {  	s31 =	simm.s32 $0x3D00;
	s30 =	sadd.s32 $0x2DC780, s11  }
0x1ec: {  	[tilespmem:s31], [sflag:$0x1] =	stream.linear.gather [hbm4b:s30+s3], $0x400, $0x38;
	[tilespmem:$0x10700] =	vst v63  }
0x1ed: {  	s5 =	simm.s32 $0x4D00;
	s4 =	spop (v2sf)  }
0x1ee: {  	(v2sf) =	vpush v62, $0x3;
	[tilespmem:s5], [sflag:$0x1] =	stream.linear.gather [hbm4b:s4+s3], $0x400, $0x38;
	[tilespmem:$0x10700] =	vst v63  }
0x1ef: {  	s6 =	sadd.s32 $0xF4280, s4  }
0x1f0: {  	[tilespmem:s15], [sflag:$0x1] =	stream.linear.gather [hbm4b:s6+s3], $0x400, $0x38;
	[tilespmem:$0x10700] =	vst v63  }
0x1f1: {  	s7 =	sadd.s32 $0x1E8500, s4  }
0x1f2: {  	[tilespmem:s22], [sflag:$0x1] =	stream.linear.gather [hbm4b:s7+s3], $0x400, $0x38;
	[tilespmem:$0x10700] =	vst v63  }
0x1f3: {  	s30 =	sadd.s32 $0x2DC780, s4  }
0x1f4: {  	[tilespmem:s23], [sflag:$0x1] =	stream.linear.gather [hbm4b:s30+s3], $0x400, $0x38;
	[tilespmem:$0x10700] =	vst v63  }
0x1f5: {  	s9 =	simm.s32 $0x1100;
	s8 =	spop (v2sf)  }
0x1f6: {  	[tilespmem:s9], [sflag:$0x1] =	stream.linear.gather [hbm4b:s8+s3], $0x400, $0x38;
	[tilespmem:$0x10700] =	vst v63  }
0x1f7: {  	s12 =	simm.s32 $0x2100;
	s11 =	sadd.s32 $0xF4280, s8  }
0x1f8: {  	[tilespmem:s12], [sflag:$0x1] =	stream.linear.gather [hbm4b:s11+s3], $0x400, $0x38;
	[tilespmem:$0x10700] =	vst v63  }
0x1f9: {  	s15 =	simm.s32 $0x3100;
	s13 =	sadd.s32 $0x1E8500, s8  }
0x1fa: {  	[tilespmem:s15], [sflag:$0x1] =	stream.linear.gather [hbm4b:s13+s3], $0x400, $0x38;
	[tilespmem:$0x10700] =	vst v63  }
0x1fb: {  	s30 =	sadd.s32 $0x2DC780, s8  }
0x1fc: {  	[tilespmem:s17], [sflag:$0x1] =	stream.linear.gather [hbm4b:s30+s3], $0x400, $0x38;
	[tilespmem:$0x10700] =	vst v63  }
0x1fd: {  	s21 =	simm.s32 $0x5100;
	s19 =	spop (v2sf)  }
0x1fe: {  	[tilespmem:s21], [sflag:$0x1] =	stream.linear.gather [hbm4b:s19+s3], $0x400, $0x38;
	[tilespmem:$0x10700] =	vst v63  }
0x1ff: {  	s22 =	sadd.s32 $0xF4280, s19;
	s23 =	simm.s32 $0x6100  }
0x200: {  	[tilespmem:s23], [sflag:$0x1] =	stream.linear.gather [hbm4b:s22+s3], $0x400, $0x38;
	[tilespmem:$0x10700] =	vst v63  }
0x201: {  	s25 =	sadd.s32 $0x1E8500, s19  }
0x202: {  	[tilespmem:s18], [sflag:$0x1] =	stream.linear.gather [hbm4b:s25+s3], $0x400, $0x38;
	[tilespmem:$0x10700] =	vst v63  }
0x203: {  	s31 =	simm.s32 $0x8100;
	s30 =	sadd.s32 $0x2DC780, s19  }
0x204: {  	[tilespmem:s31], [sflag:$0x1] =	stream.linear.gather [hbm4b:s30+s3], $0x400, $0x38;
	[tilespmem:$0x10700] =	vst v63  }
0x205: {  	_ =	swait.ge [sflag:s26], $0x4000  }
0x206: {  	[sflag:s26] =	ssyncset.done $0x0  }
0x207: {  	[sflag:s26] =	ssyncadd.s32 $0xFFFFC000  }
0x208: {  	_ =	swait.ge [sflag:s26], $0x4000  }
0x209: {  	[sflag:s26] =	ssyncset.done $0x0  }
0x20a: {  	[sflag:s26] =	ssyncadd.s32 $0xFFFFC000  }
0x20b: {  	v37 =	vld [tilespmem:s29+$0xC];
	_ =	sdelay $0x1  }
0x20c: {  	v12 =	vmul.f32 v14, v12;
	v38 =	vld [tilespmem:s29+$0x28C]  }
0x20d: {  	v14 =	vmul.f32 v22, v16;
	v16 =	vmul.f32 v23, v17  }
0x20e: {  	v24 =	vmul.f32 v26, v24;
	v25 =	vmul.f32 v20, v25  }
0x20f: {  	v60 =	vand.u32 $0x7F, v37  }
0x210: {  	v14 =	vadd.f32 v16, v14;
	v16 =	vadd.f32 v25, v24;
	v25 =	vld [tilespmem:$0x1FFA0];
	v39 =	vbroadcast v60, $0x0  }
0x211: {  	v13 =	vmul.f32 v15, v13;
	v61 =	vand.u32 $0x7F, v38  }
0x212: {  	v18 =	vmov v63;
	v63 =	vbroadcast v61, $0x0;
	v11 =	vor.u32 v0, v39  }
0x213: {  	v12 =	vadd.f32 v12, v13;
	v62 =	vor.u32 v1, v39  }
0x214: {  	v37 =	vmovc v10;
	v23 =	vbroadcast v61, $0x2;
	v10 =	vor.u32 v0, v63;
	v39 =	vmovc v0;
	v0 =	vbroadcast v60, $0x1  }
0x215: {  	v20 =	vmul.f32 v21, v25;
	v25 =	vbroadcast v61, $0x3;
	v63 =	vor.u32 v1, v63  }
0x216: {  	v9 =	vmovc v2;
	v38 =	vmovc v1;
	v13 =	vor.u32 v18, v23;
	v1 =	vor.u32 v2, v0;
	v2 =	vbroadcast v61, $0x1;
	v61 =	vld [tilespmem:$0x1FFC0]  }
0x217: {  	v11 =	vld.idx.msk [tilespmem:v11+s16+$0x0], $0xffff  }
0x218: {  	v0 =	vor.u32 v3, v0;
	v15 =	vld.idx.msk [tilespmem:v62+s16+$0x0], $0xffff  }
0x219: {  	v10 =	vld.idx.msk [tilespmem:v10+s20+$0x0], $0xffff;
	v62 =	vor.u32 v9, v2  }
0x21a: {  	v7 =	vmovc v3;
	v26 =	vbroadcast v60, $0x3;
	v3 =	vbroadcast v60, $0x2;
	v60 =	vmov v4;
	v17 =	vld.idx.msk [tilespmem:v63+s20+$0x0], $0xffff  }
0x21b: {  	v23 =	vor.u32 v60, v23;
	v13 =	vld.idx.msk [tilespmem:v13+s20+$0x0], $0xffff  }
0x21c: {  	v28 =	vmul.f32 v34, v28;
	v2 =	vor.u32 v7, v2;
	v1 =	vld.idx.msk [tilespmem:v1+s16+$0x0], $0xffff  }
0x21d: {  	v30 =	vmul.f32 v35, v30;
	v31 =	vmul.f32 v42, v31;
	v22 =	vor.u32 v18, v3;
	v0 =	vld.idx.msk [tilespmem:v0+s16+$0x0], $0xffff  }
0x21e: {  	v36 =	vmul.f32 v32, v36;
	v42 =	vmul.f32 v43, v40;
	v3 =	vor.u32 v4, v3;
	v24 =	vld.idx.msk [tilespmem:v62+s20+$0x0], $0xffff  }
0x21f: {  	v44 =	vmul.f32 v47, v44;
	v47 =	vmul.f32 v46, v45;
	v62 =	vld [tilespmem:$0x1FFB0]  }
0x220: {  	v43 =	vmul.f32 v41, v33;
	v32 =	vperm.xlane v16, v8;
	v28 =	vadd.f32 v30, v28;
	v23 =	vld.idx.msk [tilespmem:v23+s20+$0x0], $0xffff  }
0x221: {  	v50 =	vmul.f32 v50, v48;
	v51 =	vmul.f32 v51, v49;
	v30 =	vadd.f32 v47, v44;
	v2 =	vld.idx.msk [tilespmem:v2+s20+$0x0], $0xffff  }
0x222: {  	v10 =	vmul.f32 v10, v11;
	v15 =	vmul.f32 v17, v15;
	v22 =	vld.idx.msk [tilespmem:v22+s16+$0x0], $0xffff  }
0x223: {  	v45 =	vperm.xlane v30, v8;
	v52 =	vmul.f32 v58, v52;
	v63 =	vmov v18;
	v3 =	vld.idx.msk [tilespmem:v3+s16+$0x0], $0xffff  }
0x224: {  	v4 =	vmovc v5;
	v11 =	vadd.f32 v51, v50;
	v10 =	vadd.f32 v15, v10;
	v18 =	vmul.f32 v61, v62;
	v62 =	vld [tilespmem:$0x1FFD0]  }
0x225: {  	v58 =	vmul.f32 v55, v53;
	v59 =	vmul.f32 v59, v56;
	v5 =	vmovc v6;
	v21 =	vor.u32 v4, v26  }
0x226: {  	v26 =	vor.u32 v5, v26;
	v44 =	vperm.xlane v11, v8;
	v48 =	vperm.xlane v10, v8  }
0x227: {  	v11 =	vsel vm0, v45, v11;
	v61 =	vld [tilespmem:$0x1FFE0];
	v1 =	vmul.f32 v24, v1;
	v0 =	vmul.f32 v2, v0  }
0x228: {  	v2 =	vmul.f32 v13, v22;
	v3 =	vmul.f32 v23, v3;
	v18 =	vadd.f32 v18, v20  }
0x229: {  	v6 =	vmovc v19;
	v20 =	vadd.f32 v36, v31;
	v19 =	vmul.f32 v27, v62;
	v62 =	vor.u32 v4, v25  }
0x22a: {  	v0 =	vadd.f32 v0, v1;
	v1 =	vperm.xlane v14, v8;
	v25 =	vor.u32 v5, v25  }
0x22b: {  	v2 =	vadd.f32 v3, v2;
	v36 =	vperm.xlane v28, v8;
	v31 =	vperm.xlane v18, v8  }
0x22c: {  	v21 =	vld.idx.msk [tilespmem:v21+s16+$0x0], $0xffff;
	v1 =	vsel vm0, v12, v1;
	v49 =	vperm.xlane v0, v8;
	v27 =	vmul.f32 v29, v61  }
0x22d: {  	v26 =	vld.idx.msk [tilespmem:v26+s16+$0x0], $0xffff;
	v15 =	vsel vm0, v32, v18;
	v51 =	vperm.xlane v2, v8;
	v61 =	vmul.f32 v57, v54  }
0x22e: {  	v0 =	vsel vm0, v48, v0;
	v34 =	vsel vm0, v16, v31;
	v19 =	vadd.f32 v27, v19;
	v29 =	vld.idx.msk [tilespmem:v62+s20+$0x0], $0xffff  }
0x22f: {  	v10 =	vsel vm0, v10, v49;
	v27 =	vadd.f32 v43, v42;
	v24 =	vadd.f32 v61, v59;
	v25 =	vld.idx.msk [tilespmem:v25+s20+$0x0], $0xffff  }
0x230: {  	v40 =	vadd.f32 v34, v15;
	v43 =	vperm.xlane v20, v8;
	v0 =	vadd.f32 v10, v0  }
0x231: {  	v35 =	vperm.xlane v19, v8;
	v41 =	vperm.xlane v27, v8;
	v42 =	vsel vm0, v19, v36  }
0x232: {  	v18 =	vsel vm0, v43, v27;
	v46 =	vperm.xlane v24, v8;
	v53 =	vperm.xlane v40, v6  }
0x233: {  	v57 =	vperm.xlane v0, v6;
	v62 =	vadd.f32 v58, v52;
	v16 =	vsel vm0, v35, v28  }
0x234: {  	v15 =	vadd.f32 v42, v16;
	v21 =	vmul.f32 v29, v21;
	v26 =	vmul.f32 v25, v26  }
0x235: {  	v16 =	vsel vm0, v30, v44;
	v47 =	vperm.xlane v62, v8;
	v29 =	vperm.xlane v12, v8  }
0x236: {  	v17 =	vsel vm0, v62, v46;
	v11 =	vadd.f32 v16, v11;
	v3 =	vadd.f32 v26, v21  }
0x237: {  	v13 =	vsel vm0, v47, v24;
	v54 =	vperm.xlane v15, v6;
	v33 =	vsel vm0, v29, v14  }
0x238: {  	v14 =	vsel vm0, v20, v41;
	v1 =	vadd.f32 v1, v33;
	v50 =	vperm.xlane v3, v8  }
0x239: {  	v13 =	vadd.f32 v17, v13;
	v55 =	vperm.xlane v11, v6;
	v14 =	vadd.f32 v14, v18  }
0x23a: {  	v3 =	vsel vm0, v51, v3;
	v52 =	vperm.xlane v1, v6;
	v2 =	vsel vm0, v2, v50  }
0x23b: {  	v56 =	vperm.xlane v13, v6;
	v1 =	vsel vm1, v1, v53;
	v2 =	vadd.f32 v2, v3  }
0x23c: {  	v59 =	vld [tilespmem:$0x1FFF0];
	v12 =	vsel vm1, v54, v14;
	v3 =	vperm.xlane v14, v6;
	v10 =	vsel vm1, v52, v40  }
0x23d: {  	v1 =	vadd.f32 v1, v10;
	v10 =	vsel vm1, v11, v56;
	v58 =	vperm.xlane v2, v6  }
0x23e: {  	v11 =	vsel vm1, v55, v13;
	v3 =	vsel vm1, v15, v3;
	v2 =	vsel vm1, v57, v2  }
0x23f: {  	v10 =	vadd.f32 v10, v11;
	v3 =	vadd.f32 v3, v12;
	v0 =	vsel vm1, v0, v58  }
0x240: {  	v0 =	vadd.f32 v0, v2  }
0x241: {  	v61 =	vperm.xlane v10, v59;
	v11 =	vperm.xlane v3, v59  }
0x242: {  	v2 =	vperm.xlane v1, v59;
	v62 =	vperm.xlane v0, v59  }
0x243: {  	v1 =	vsel vm2, v1, v11  }
0x244: {  	v2 =	vsel vm2, v2, v3;
	v0 =	vsel vm2, v61, v0;
	v3 =	vsel vm2, v10, v62  }
0x245: {  	v1 =	vadd.f32 v1, v2;
	v0 =	vadd.f32 v3, v0;
	_ =	sdelay $0x1  }
0x246: {  	v2 =	vperm.xlane v1, v37;
	v3 =	vperm.xlane v0, v37;
	_ =	sdelay $0x1  }
0x247: {  	p0 =	sne.s32 s28, $0x7C0;
	v0 =	vsel vm3, v2, v0;
	v1 =	vsel vm3, v1, v3  }
.Ltmp0:
0x248: {  	v0 =	vadd.f32 v0, v1;
	(pc) =	sbr.rel @p0 .LBB2_2-.Ltmp0, $2  }
0x249: {  	_ =	sdelay $0x2  }
0x24a: {  	s28 =	sadd.s32 $0x40, s28;
	v10 =	vmovc v37;
	v2 =	vmovc v9;
	v3 =	vmov v7;
	v1 =	vmov v38;
	[tilespmem:s29+$0x10500] =	vst v0;
	v0 =	vmov v39  }
0x24b: {  	_ =	swait.ge [sflag:s24], $0x4000  }
0x24c: {  	[sflag:s24] =	ssyncset.done $0x0  }
0x24d: {  	[sflag:s24] =	ssyncadd.s32 $0xFFFFC000  }
0x24e: {  	_ =	swait.ge [sflag:s24], $0x4000  }
0x24f: {  	s2 =	simm.s32 $0x10500;
	[sflag:s24] =	ssyncset.done $0x0  }
0x250: {  	s30 =	simm.s32 $0x3;
	s28 =	rddreg [dreg:$0x8];
	[sflag:s24] =	ssyncadd.s32 $0xFFFFC000  }
0x251: {  	[hbm4b:s28+s3] =	stream.linear.scatter [tilespmem:s2], [sflag:$0x3], $0x200, $0x38;
	[tilespmem:$0x10700] =	vst v63  }
0x252: {  	s4 =	simm.s32 $0x2500;
	s9 =	simm.s32 $0x3500;
	_ =	swait.ge [sflag:s30], $0x200  }
0x253: {  	s5 =	simm.s32 $0x5500;
	s6 =	simm.s32 $0x6500;
	s29 =	rddreg [dreg:$0xa]  }
0x254: {  	s7 =	simm.s32 $0x7500;
	s25 =	rddreg [dreg:$0x9];
	s29 =	sadd.s32 $0x1, s29  }
0x255: {  	s17 =	simm.s32 $0x900;
	s8 =	simm.s32 $0x1900;
	p0 =	sne.s32 s29, s25  }
.Ltmp1:
0x256: {  	s18 =	simm.s32 $0x2900;
	s11 =	simm.s32 $0x4900;
	(pc) =	sbr.rel @p0 .LBB2_1-.Ltmp1, $4  }
0x257: {  	s19 =	simm.s32 $0x5900;
	s12 =	simm.s32 $0x6900;
	s21 =	simm.s32 $0x7900  }
0x258: {  	s13 =	simm.s32 $0xD00;
	s15 =	simm.s32 $0x1D00;
	s22 =	simm.s32 $0x2D00  }
0x259: {  	s23 =	simm.s32 $0x3D00;
	s31 =	simm.s32 $0x4D00;
	[sflag:s30] =	ssyncset.done $0x0  }
0x25a: {  	s2 =	simm.s32 $0x1500;
	[sflag:s30] =	ssyncadd.s32 $0xFFFFFE00;
	s25 =	simm.s32 $0x3900  }
0x25b: {  	_ =	sfence.sel $0x180000  }
0x25c: {  	[bflag:$0x0] =	sbarrier.arrive $0xFFFF  }
0x25d: {  	_ =	strace $0x90000047  }
0x25e: {  	s0 =	stileid.u32;
	[bflag:$0x2] =	sbarrier.arrive $0xFFFF  }
0x25f: {  	p0 =	sne.s32 s0, $0x0;
	s0 =	rddreg [dreg:$0x5]  }
0x260: {  	s0 =	sadd.s32 @!p0 $0x100000, s0  }
0x261: {  	[sflag:s0] =	ssyncadd.tile.s32 @!p0 $0x1;
	_ =	shalt  }
.Lfunc_end2:
_tile_overlayer_lowered:
.L_overlay_start_2:
0x262: {  	(tag) =	ssettag $0x2  }
0x263: {  	s0 =	rddreg [dreg:$0x0];
	s2 =	stileid.u32  }
0x264: {  	s1 =	rddreg [dreg:$0x1];
	p0 =	sne.s32 s2, $0x0  }
0x265: {  	s3 =	rddreg [dreg:$0x2];
	[bflag:$0x3] =	sbarrier.arrive $0xFFFF;
	s2 =	simm.s32 @!p0 $0x1C03  }
0x266: {  	[timem:s3], [sflag:s2] =	dma.local @!p0 [hbm:s0], s1  }
0x267: {  	s0 =	simm.s32 @!p0 $0x3  }
0x268: {  	_ =	swait.ge @!p0 [sflag:s0], s1  }
0x269: {  	s1 =	ssub.s32 @!p0 $0x0, s1;
	[sflag:s0] =	ssyncset.done @!p0 $0x0  }
0x26a: {  	[sflag:s0] =	ssyncadd.s32 @!p0 s1  }
0x26b: {  	[bflag:$0x3] =	sbarrier.arrive $0xFFFF  }
0x26c: {  	_ =	shalt  }

</sc_bundles>
